<compile_context>
chip_gen: v7x
topology: tpu7x:2x2x1
jax: 0.10.2.dev20260603
libtpu: 0.0.44.dev20260713+nightly
codegen_flags: <defaults>
</compile_context>

<pallas_src>
import functools

import jax
import jax.numpy as jnp
from jax import lax
from jax.experimental import pallas as pl
from jax.experimental.pallas import tpu as pltpu
from jax.experimental.pallas import tpu_sc as plsc

N = 10000
E = 320000
D = 128
H = 64
EPS = 1e-5

NC = 2
NS = 16
NW = NC * NS
EPT = E // NW
B = 16
NBT = 640
EPTP = NBT * B
NP = 10240
RPT = NP // NS

_mesh = plsc.VectorSubcoreMesh(core_axis_name="c", subcore_axis_name="s")


@functools.partial(
    pl.kernel,
    out_type=jax.ShapeDtypeStruct((NC * NP,), jnp.float32),
    mesh=_mesh,
    scratch_types=[
        pltpu.VMEM((NBT, B), jnp.int32),
        pltpu.VMEM((B,), jnp.float32),
        pltpu.VMEM((RPT,), jnp.float32),
        pltpu.VMEM_SHARED((NP,), jnp.float32),
    ],
)
def _deg_kernel(dst_hbm, out_hbm, di_v, ones_v, zbuf_v, acc_sh):
    c = lax.axis_index("c")
    s = lax.axis_index("s")
    wid = c * NS + s

    for i in range(B // 16):
        ones_v[pl.ds(i * 16, 16)] = jnp.ones((16,), jnp.float32)

    def _zero(i, _):
        zbuf_v[pl.ds(i * 16, 16)] = jnp.zeros((16,), jnp.float32)
        return ()

    lax.fori_loop(0, RPT // 16, _zero, ())

    pltpu.sync_copy(zbuf_v, acc_sh.at[pl.ds(s * RPT, RPT)])
    pltpu.sync_copy(dst_hbm.at[wid], di_v)
    plsc.subcore_barrier()

    def _body(j, _):
        pltpu.sync_copy(ones_v, acc_sh.at[di_v.at[j]], add=True)
        return ()

    lax.fori_loop(0, NBT, _body, ())
    plsc.subcore_barrier()

    pltpu.sync_copy(acc_sh.at[pl.ds(s * RPT, RPT)],
                    out_hbm.at[pl.ds(c * NP + s * RPT, RPT)])


SAC = NP - 8


def _vb(v, lane):
    return v.at[jnp.full((16,), lane, jnp.int32)].get(mode="promise_in_bounds")


@functools.partial(
    pl.kernel,
    out_type=jax.ShapeDtypeStruct((NC * NP, H), jnp.float32),
    mesh=_mesh,
    scratch_types=[
        pltpu.VMEM((NBT, B), jnp.int32),
        pltpu.VMEM((NBT, B), jnp.int32),
        pltpu.VMEM((B, H), jnp.float32),
        pltpu.VMEM_SHARED((NP, H), jnp.float32),
    ],
    compiler_params=pltpu.CompilerParams(use_tc_tiling_on_sc=False),
)
def _edge_kernel(hs_hbm, src_hbm, dst_hbm, zeros_hbm, out_hbm, si_v, di_v,
                 rows_v, acc_sh):
    c = lax.axis_index("c")
    s = lax.axis_index("s")
    wid = c * NS + s

    pltpu.sync_copy(zeros_hbm.at[pl.ds(s * RPT, RPT), :],
                    acc_sh.at[pl.ds(s * RPT, RPT), :])
    pltpu.sync_copy(src_hbm.at[wid], si_v)
    pltpu.sync_copy(dst_hbm.at[wid], di_v)
    plsc.subcore_barrier()

    def _body(j, _):
        pltpu.sync_copy(hs_hbm.at[si_v.at[j]], rows_v)
        pltpu.sync_copy(rows_v, acc_sh.at[di_v.at[j]], add=True)
        return ()

    lax.fori_loop(0, NBT, _body, ())
    plsc.subcore_barrier()

    pltpu.sync_copy(acc_sh.at[pl.ds(s * RPT, RPT), :],
                    out_hbm.at[pl.ds(c * NP + s * RPT, RPT), :])


_NACC = 16
_ROUNDS, _REM = divmod(N // 8, _NACC)
_INV_N = 1.0 / N


def _xla_rowmean(src_ref, f):
    def step(i, accs):
        return tuple(accs[k] + f(src_ref[pl.ds((i * _NACC + k) * 8, 8), :])
                     for k in range(_NACC))

    accs = lax.fori_loop(
        0, _ROUNDS, step,
        tuple(jnp.zeros((8, H), jnp.float32) for _ in range(_NACC)))
    accs = list(accs)
    for k in range(_REM):
        accs[k] = accs[k] + f(src_ref[pl.ds((_ROUNDS * _NACC + k) * 8, 8), :])
    acc = accs[0]
    for k in range(1, _NACC):
        acc = acc + accs[k]
    b = acc[0:4] + acc[4:8]
    c = b[0:2] + b[2:4]
    return (c[0:1] + c[1:2]) * _INV_N


def _tc1_body(deg_ref, x_ref, w1_ref, hs_ref, dinv_ref):
    d = deg_ref[pl.ds(0, N), :] + deg_ref[pl.ds(NP, N), :]
    dinv = lax.rsqrt(d + 1.0)
    h = jnp.dot(x_ref[...], w1_ref[...], preferred_element_type=jnp.float32)
    hs_ref[...] = h * dinv
    dinv_ref[...] = dinv


def _tc2_body(part_ref, hs_ref, dinv_ref, b_ref, g_ref, bb_ref, w2_ref,
              out_ref, t_ref):
    dinv = dinv_ref[...]
    p = part_ref[pl.ds(0, N), :] + part_ref[pl.ds(NP, N), :] + hs_ref[...]
    t = dinv * p + b_ref[...]
    t_ref[...] = jnp.maximum(t, 0.0)
    mu = _xla_rowmean(t_ref, lambda v: v)
    var = _xla_rowmean(t_ref, lambda v: (v - mu) ** 2)
    t = (t_ref[...] - mu) * lax.rsqrt(var + EPS) * g_ref[...] + bb_ref[...]
    h = jnp.dot(t, w2_ref[...], preferred_element_type=jnp.float32)
    out_ref[...] = h * dinv


def _tc3_body(part_ref, hs_ref, dinv_ref, b_ref, g_ref, bb_ref,
              fc1w_ref, fc1b_ref, fc2w_ref, fc2b_ref, fc3w_ref, fc3b_ref,
              fc4w_ref, fc4b_ref, ow_ref, ob_ref, out_ref, t_ref):
    dinv = dinv_ref[...]
    p = part_ref[pl.ds(0, N), :] + part_ref[pl.ds(NP, N), :] + hs_ref[...]
    t = dinv * p + b_ref[...]
    t_ref[...] = jnp.maximum(t, 0.0)
    mu = _xla_rowmean(t_ref, lambda v: v)
    var = _xla_rowmean(t_ref, lambda v: (v - mu) ** 2)
    t_ref[...] = ((t_ref[...] - mu) * lax.rsqrt(var + EPS) * g_ref[...]
                  + bb_ref[...])
    g = _xla_rowmean(t_ref, lambda v: v)
    g = jnp.maximum(jnp.dot(g, fc1w_ref[...],
                            preferred_element_type=jnp.float32)
                    + fc1b_ref[...], 0.0)
    g = jnp.maximum(jnp.dot(g, fc2w_ref[...],
                            preferred_element_type=jnp.float32)
                    + fc2b_ref[...], 0.0)
    g = jnp.maximum(jnp.dot(g, fc3w_ref[...],
                            preferred_element_type=jnp.float32)
                    + fc3b_ref[...], 0.0)
    g = jnp.maximum(jnp.dot(g, fc4w_ref[...],
                            preferred_element_type=jnp.float32)
                    + fc4b_ref[...], 0.0)
    out_ref[...] = (jnp.dot(g, ow_ref[...],
                            preferred_element_type=jnp.float32)
                    + ob_ref[...])


_tc1 = pl.pallas_call(
    _tc1_body,
    out_shape=[jax.ShapeDtypeStruct((N, H), jnp.float32),
               jax.ShapeDtypeStruct((N, 1), jnp.float32)],
)

_tc2 = pl.pallas_call(
    _tc2_body,
    out_shape=jax.ShapeDtypeStruct((N, H), jnp.float32),
    scratch_shapes=[pltpu.VMEM((N, H), jnp.float32)],
)

_tc3 = pl.pallas_call(
    _tc3_body,
    out_shape=jax.ShapeDtypeStruct((1, 2), jnp.float32),
    scratch_shapes=[pltpu.VMEM((N, H), jnp.float32)],
)


def kernel(x, edge_index, W1, b1, bn1_g, bn1_b, W2, b2, bn2_g, bn2_b,
           fc1_w, fc1_b, fc2_w, fc2_b, fc3_w, fc3_b, fc4_w, fc4_b,
           out_w, out_b):
    src_i = edge_index[0].astype(jnp.int32)
    dst_i = edge_index[1].astype(jnp.int32)
    dst_c = jnp.pad(dst_i.reshape(NW, EPT), ((0, 0), (0, EPTP - EPT)),
                    constant_values=N).reshape(NW, NBT, B)

    order = jnp.argsort(dst_i, stable=True)
    src_p = jnp.pad(src_i[order], (0, NW * EPTP - E),
                    constant_values=0).reshape(NW, NBT, B)
    dst_p = jnp.pad(dst_i[order], (0, NW * EPTP - E),
                    constant_values=N).reshape(NW, NBT, B)

    zeros2d = jnp.zeros((NP, H), jnp.float32)

    deg_p = _deg_kernel(dst_c).reshape(NC * NP, 1)

    hs1, dinv = _tc1(deg_p, x, W1)
    part1 = _edge_kernel(hs1, src_p, dst_p, zeros2d)
    hs2 = _tc2(part1, hs1, dinv, b1.reshape(1, H), bn1_g.reshape(1, H),
               bn1_b.reshape(1, H), W2)
    part2 = _edge_kernel(hs2, src_p, dst_p, zeros2d)
    out = _tc3(part2, hs2, dinv, b2.reshape(1, H), bn2_g.reshape(1, H),
               bn2_b.reshape(1, H),
               fc1_w, fc1_b.reshape(1, -1), fc2_w, fc2_b.reshape(1, -1),
               fc3_w, fc3_b.reshape(1, -1), fc4_w, fc4_b.reshape(1, -1),
               out_w, out_b.reshape(1, -1))
    return out

# --- scband reference (transcript-rebuilt; emitter-appended) ---
"""Pipeline reference for scband-paper-gcnmodel-87617332838752 (READ-ONLY COPY).

The authoritative reference and input builder live on the scoring server;
editing this copy changes nothing except your own understanding.
"""

import jax, jax.numpy as jnp
import numpy as np

N = 10000
E = 320000
D = 128
H = 64
FC = [128, 64, 32, 16]
OUT = 2
EPS = 1e-5


def _w(k, shape):
    fan_in = shape[0] if len(shape) > 1 else shape[0]
    return jax.random.normal(k, shape, jnp.float32) / jnp.sqrt(jnp.float32(fan_in))


def setup_inputs(seed: int = 0) -> dict:
    key = jax.random.key(seed)
    ks = jax.random.split(key, 24)
    inp = {}
    inp['x'] = jax.random.normal(ks[0], (N, D), jnp.float32)
    inp['edge_index'] = jax.random.randint(ks[1], (2, E), 0, N)
    inp['W1'] = _w(ks[2], (D, H)); inp['b1'] = jnp.zeros((H,), jnp.float32)
    inp['bn1_g'] = jnp.ones((H,), jnp.float32); inp['bn1_b'] = jnp.zeros((H,), jnp.float32)
    inp['W2'] = _w(ks[3], (H, H)); inp['b2'] = jnp.zeros((H,), jnp.float32)
    inp['bn2_g'] = jnp.ones((H,), jnp.float32); inp['bn2_b'] = jnp.zeros((H,), jnp.float32)
    inp['fc1_w'] = _w(ks[4], (H, FC[0])); inp['fc1_b'] = jnp.zeros((FC[0],), jnp.float32)
    inp['fc2_w'] = _w(ks[5], (FC[0], FC[1])); inp['fc2_b'] = jnp.zeros((FC[1],), jnp.float32)
    inp['fc3_w'] = _w(ks[6], (FC[1], FC[2])); inp['fc3_b'] = jnp.zeros((FC[2],), jnp.float32)
    inp['fc4_w'] = _w(ks[7], (FC[2], FC[3])); inp['fc4_b'] = jnp.zeros((FC[3],), jnp.float32)
    inp['out_w'] = _w(ks[8], (FC[3], OUT)); inp['out_b'] = jnp.zeros((OUT,), jnp.float32)
    return inp


def _gcn_conv(x, edge_index, W, b):
    # PyG GCNConv: out = D^-1/2 (A + I) D^-1/2 (X W) + b
    h = x @ W
    n = x.shape[0]
    loop = jnp.arange(n)
    src = jnp.concatenate([edge_index[0], loop])
    dst = jnp.concatenate([edge_index[1], loop])
    deg = jnp.zeros((n,), x.dtype).at[dst].add(1.0)
    dinv = jax.lax.rsqrt(jnp.maximum(deg, 1.0))
    norm = dinv[src] * dinv[dst]
    msg = h[src] * norm[:, None]
    out = jnp.zeros((n, h.shape[1]), x.dtype).at[dst].add(msg)
    return out + b


def _batch_norm(x, gamma, beta):
    mu = jnp.mean(x, axis=0)
    var = jnp.mean((x - mu) ** 2, axis=0)
    return (x - mu) * jax.lax.rsqrt(var + EPS) * gamma + beta


def reference(x, edge_index, W1, b1, bn1_g, bn1_b, W2, b2, bn2_g, bn2_b,
              fc1_w, fc1_b, fc2_w, fc2_b, fc3_w, fc3_b, fc4_w, fc4_b, out_w, out_b):
    h = _gcn_conv(x, edge_index, W1, b1)
    h = jax.nn.relu(h)
    h = _batch_norm(h, bn1_g, bn1_b)
    # dropout: identity (eval mode)
    h = _gcn_conv(h, edge_index, W2, b2)
    h = jax.nn.relu(h)
    h = _batch_norm(h, bn2_g, bn2_b)
    # global_mean_pool with batch = zeros -> single graph mean
    g = jnp.mean(h, axis=0, keepdims=True)
    g = jax.nn.relu(g @ fc1_w + fc1_b)
    g = jax.nn.relu(g @ fc2_w + fc2_b)
    g = jax.nn.relu(g @ fc3_w + fc3_b)
    g = jax.nn.relu(g @ fc4_w + fc4_b)
    return g @ out_w + out_b


if False:  # reference __main__ guard neutralized (emitter)
    out = reference(**setup_inputs())
    print(out.shape)

if __name__ == "__main__":
    import jax
    _d = setup_inputs()
    print(jax.jit(kernel)(*tuple(_d.values())))

</pallas_src>

<mosaic_0001>
#map = affine_map<(d0, d1) -> (0, 0)>
#map1 = affine_map<(d0, d1) -> (0, 0, 0)>
module attributes {stable_mosaic.version = 14 : i64} {
  func.func @_edge_kernel(%arg0: i32, %arg1: i32, %arg2: memref<10000x64xf32, #tpu.memory_space<hbm>>, %arg3: memref<32x640x16xi32, #tpu.memory_space<hbm>>, %arg4: memref<32x640x16xi32, #tpu.memory_space<hbm>>, %arg5: memref<10240x64xf32, #tpu.memory_space<hbm>>, %arg6: memref<20480x64xf32, #tpu.memory_space<hbm>>, %arg7: memref<640x16xi32, #tpu.memory_space<vmem>>, %arg8: memref<640x16xi32, #tpu.memory_space<vmem>>, %arg9: memref<16x64xf32, #tpu.memory_space<vmem>>, %arg10: memref<10240x64xf32, #tpu.memory_space<vmem_shared>>) attributes {dimension_semantics = [#tpu.dimension_semantics<core_parallel>, #tpu.dimension_semantics<subcore_parallel>], iteration_bounds = array<i64: 2, 16>, scalar_prefetch = 0 : i64, scratch_operands = 4 : i64, tpu.core_type = #tpu.core_type<sc_vector_subcore>, window_params = [{transform_indices = #map}, {transform_indices = #map1}, {transform_indices = #map1}, {transform_indices = #map}, {transform_indices = #map}]} {
    %mul3A = arith.constant 16 : i32
    %mul3A_0 = arith.muli %arg0, %mul3A : i32
    %add3A = arith.addi %mul3A_0, %arg1 : i32
    %mul3A_1 = arith.constant 640 : i32
    %mul3A_2 = arith.muli %arg1, %mul3A_1 : i32
    %mul3A_3 = arith.constant 640 : i32
    %mul3A_4 = arith.muli %arg1, %mul3A_3 : i32
    "tpu.region"() ({
      %run_scoped3A = tpu.sem_alloc : memref<!tpu.dma_semaphore, #tpu.memory_space<semaphore_mem>>
      %dma_start3A = arith.constant 0 : i32
      %dma_start3A_17 = tpu.memref_slice %arg10[%mul3A_4, %dma_start3A] : memref<10240x64xf32, #tpu.memory_space<vmem_shared>> -> memref<640x64xf32, #tpu.memory_space<vmem_shared>>
      %dma_start3A_18 = arith.constant 0 : i32
      %dma_start3A_19 = tpu.memref_slice %arg5[%mul3A_2, %dma_start3A_18] : memref<10240x64xf32, #tpu.memory_space<hbm>> -> memref<640x64xf32, #tpu.memory_space<hbm>>
      tpu.enqueue_dma source(%dma_start3A_19 : memref<640x64xf32, #tpu.memory_space<hbm>>) target(%dma_start3A_17 : memref<640x64xf32, #tpu.memory_space<vmem_shared>>) target_semaphore(%run_scoped3A : memref<!tpu.dma_semaphore, #tpu.memory_space<semaphore_mem>>)
      %dma_wait3A = arith.constant 0 : i32
      %dma_wait3A_20 = tpu.memref_slice %arg10[%mul3A_4, %dma_wait3A] : memref<10240x64xf32, #tpu.memory_space<vmem_shared>> -> memref<640x64xf32, #tpu.memory_space<vmem_shared>>
      %dma_wait3A_21 = arith.constant 0 : i32
      %dma_wait3A_22 = tpu.memref_slice %arg5[%mul3A_2, %dma_wait3A_21] : memref<10240x64xf32, #tpu.memory_space<hbm>> -> memref<640x64xf32, #tpu.memory_space<hbm>>
      tpu.wait_dma2 semaphore(%run_scoped3A : memref<!tpu.dma_semaphore, #tpu.memory_space<semaphore_mem>>) src(%dma_wait3A_22 : memref<640x64xf32, #tpu.memory_space<hbm>>) dst(%dma_wait3A_20 : memref<640x64xf32, #tpu.memory_space<vmem_shared>>)
      tpu.yield
    }) : () -> ()
    "tpu.region"() ({
      %run_scoped3A = tpu.sem_alloc : memref<!tpu.dma_semaphore, #tpu.memory_space<semaphore_mem>>
      %dma_start3A = arith.constant 0 : i32
      %dma_start3A_17 = arith.constant 0 : i32
      %dma_start3A_18 = tpu.memref_slice %arg3[%add3A, %dma_start3A, %dma_start3A_17] : memref<32x640x16xi32, #tpu.memory_space<hbm>> -> memref<1x640x16xi32, #tpu.memory_space<hbm>>
      %dma_start3A_19 = tpu.memref_squeeze %dma_start3A_18 : memref<1x640x16xi32, #tpu.memory_space<hbm>> -> memref<640x16xi32, #tpu.memory_space<hbm>>
      %dma_start3A_20 = arith.constant 0 : i32
      %dma_start3A_21 = arith.constant 0 : i32
      %dma_start3A_22 = tpu.memref_slice %arg3[%add3A, %dma_start3A_20, %dma_start3A_21] : memref<32x640x16xi32, #tpu.memory_space<hbm>> -> memref<1x640x16xi32, #tpu.memory_space<hbm>>
      %dma_start3A_23 = tpu.memref_squeeze %dma_start3A_22 : memref<1x640x16xi32, #tpu.memory_space<hbm>> -> memref<640x16xi32, #tpu.memory_space<hbm>>
      tpu.enqueue_dma source(%dma_start3A_23 : memref<640x16xi32, #tpu.memory_space<hbm>>) target(%arg7 : memref<640x16xi32, #tpu.memory_space<vmem>>) target_semaphore(%run_scoped3A : memref<!tpu.dma_semaphore, #tpu.memory_space<semaphore_mem>>)
      %dma_wait3A = arith.constant 0 : i32
      %dma_wait3A_24 = arith.constant 0 : i32
      %dma_wait3A_25 = tpu.memref_slice %arg3[%add3A, %dma_wait3A, %dma_wait3A_24] : memref<32x640x16xi32, #tpu.memory_space<hbm>> -> memref<1x640x16xi32, #tpu.memory_space<hbm>>
      %dma_wait3A_26 = tpu.memref_squeeze %dma_wait3A_25 : memref<1x640x16xi32, #tpu.memory_space<hbm>> -> memref<640x16xi32, #tpu.memory_space<hbm>>
      %dma_wait3A_27 = arith.constant 0 : i32
      %dma_wait3A_28 = arith.constant 0 : i32
      %dma_wait3A_29 = tpu.memref_slice %arg3[%add3A, %dma_wait3A_27, %dma_wait3A_28] : memref<32x640x16xi32, #tpu.memory_space<hbm>> -> memref<1x640x16xi32, #tpu.memory_space<hbm>>
      %dma_wait3A_30 = tpu.memref_squeeze %dma_wait3A_29 : memref<1x640x16xi32, #tpu.memory_space<hbm>> -> memref<640x16xi32, #tpu.memory_space<hbm>>
      tpu.wait_dma2 semaphore(%run_scoped3A : memref<!tpu.dma_semaphore, #tpu.memory_space<semaphore_mem>>) src(%dma_wait3A_30 : memref<640x16xi32, #tpu.memory_space<hbm>>) dst(%arg7 : memref<640x16xi32, #tpu.memory_space<vmem>>)
      tpu.yield
    }) : () -> ()
    "tpu.region"() ({
      %run_scoped3A = tpu.sem_alloc : memref<!tpu.dma_semaphore, #tpu.memory_space<semaphore_mem>>
      %dma_start3A = arith.constant 0 : i32
      %dma_start3A_17 = arith.constant 0 : i32
      %dma_start3A_18 = tpu.memref_slice %arg4[%add3A, %dma_start3A, %dma_start3A_17] : memref<32x640x16xi32, #tpu.memory_space<hbm>> -> memref<1x640x16xi32, #tpu.memory_space<hbm>>
      %dma_start3A_19 = tpu.memref_squeeze %dma_start3A_18 : memref<1x640x16xi32, #tpu.memory_space<hbm>> -> memref<640x16xi32, #tpu.memory_space<hbm>>
      %dma_start3A_20 = arith.constant 0 : i32
      %dma_start3A_21 = arith.constant 0 : i32
      %dma_start3A_22 = tpu.memref_slice %arg4[%add3A, %dma_start3A_20, %dma_start3A_21] : memref<32x640x16xi32, #tpu.memory_space<hbm>> -> memref<1x640x16xi32, #tpu.memory_space<hbm>>
      %dma_start3A_23 = tpu.memref_squeeze %dma_start3A_22 : memref<1x640x16xi32, #tpu.memory_space<hbm>> -> memref<640x16xi32, #tpu.memory_space<hbm>>
      tpu.enqueue_dma source(%dma_start3A_23 : memref<640x16xi32, #tpu.memory_space<hbm>>) target(%arg8 : memref<640x16xi32, #tpu.memory_space<vmem>>) target_semaphore(%run_scoped3A : memref<!tpu.dma_semaphore, #tpu.memory_space<semaphore_mem>>)
      %dma_wait3A = arith.constant 0 : i32
      %dma_wait3A_24 = arith.constant 0 : i32
      %dma_wait3A_25 = tpu.memref_slice %arg4[%add3A, %dma_wait3A, %dma_wait3A_24] : memref<32x640x16xi32, #tpu.memory_space<hbm>> -> memref<1x640x16xi32, #tpu.memory_space<hbm>>
      %dma_wait3A_26 = tpu.memref_squeeze %dma_wait3A_25 : memref<1x640x16xi32, #tpu.memory_space<hbm>> -> memref<640x16xi32, #tpu.memory_space<hbm>>
      %dma_wait3A_27 = arith.constant 0 : i32
      %dma_wait3A_28 = arith.constant 0 : i32
      %dma_wait3A_29 = tpu.memref_slice %arg4[%add3A, %dma_wait3A_27, %dma_wait3A_28] : memref<32x640x16xi32, #tpu.memory_space<hbm>> -> memref<1x640x16xi32, #tpu.memory_space<hbm>>
      %dma_wait3A_30 = tpu.memref_squeeze %dma_wait3A_29 : memref<1x640x16xi32, #tpu.memory_space<hbm>> -> memref<640x16xi32, #tpu.memory_space<hbm>>
      tpu.wait_dma2 semaphore(%run_scoped3A : memref<!tpu.dma_semaphore, #tpu.memory_space<semaphore_mem>>) src(%dma_wait3A_30 : memref<640x16xi32, #tpu.memory_space<hbm>>) dst(%arg8 : memref<640x16xi32, #tpu.memory_space<vmem>>)
      tpu.yield
    }) : () -> ()
    %barrier3A = arith.constant 0 : index
    tpu.barrier barrier_id(%barrier3A)
    %scan3A = arith.constant 0 : i32
    %scan3A_5 = arith.constant 640 : i32
    %scan3A_6 = arith.addi %scan3A, %scan3A_5 : i32
    %scan3A_7 = arith.constant 1 : i32
    scf.for %scan3A_17 = %scan3A to %scan3A_6 step %scan3A_7  : i32 {
      "tpu.region"() ({
        %run_scoped3A = tpu.sem_alloc : memref<!tpu.dma_semaphore, #tpu.memory_space<semaphore_mem>>
        %dma_start3A = arith.constant 0 : i32
        %dma_start3A_18 = tpu.memref_slice %arg7[%scan3A_17, %dma_start3A] : memref<640x16xi32, #tpu.memory_space<vmem>> -> memref<1x16xi32, #tpu.memory_space<vmem>>
        %dma_start3A_19 = tpu.memref_squeeze %dma_start3A_18 : memref<1x16xi32, #tpu.memory_space<vmem>> -> memref<16xi32, #tpu.memory_space<vmem>>
        %dma_start3A_20 = arith.constant 0 : i32
        %dma_start3A_21 = arith.constant 0 : i32
        %dma_start3A_22 = tpu.memref_slice %arg2[%dma_start3A_20, %dma_start3A_21] : memref<10000x64xf32, #tpu.memory_space<hbm>> -> memref<10000x64xf32, #tpu.memory_space<hbm>>
        tpu.enqueue_indirect_dma source(%dma_start3A_22 : memref<10000x64xf32, #tpu.memory_space<hbm>>) target(%arg9 : memref<16x64xf32, #tpu.memory_space<vmem>>) offsets(%dma_start3A_19 : memref<16xi32, #tpu.memory_space<vmem>>) semaphore(%run_scoped3A : memref<!tpu.dma_semaphore, #tpu.memory_space<semaphore_mem>>)
        %dma_wait3A = arith.constant 0 : i32
        %dma_wait3A_23 = tpu.memref_slice %arg7[%scan3A_17, %dma_wait3A] : memref<640x16xi32, #tpu.memory_space<vmem>> -> memref<1x16xi32, #tpu.memory_space<vmem>>
        %dma_wait3A_24 = tpu.memref_squeeze %dma_wait3A_23 : memref<1x16xi32, #tpu.memory_space<vmem>> -> memref<16xi32, #tpu.memory_space<vmem>>
        %dma_wait3A_25 = arith.constant 0 : i32
        %dma_wait3A_26 = arith.constant 0 : i32
        %dma_wait3A_27 = tpu.memref_slice %arg2[%dma_wait3A_25, %dma_wait3A_26] : memref<10000x64xf32, #tpu.memory_space<hbm>> -> memref<10000x64xf32, #tpu.memory_space<hbm>>
        tpu.wait_indirect_dma semaphore(%run_scoped3A : memref<!tpu.dma_semaphore, #tpu.memory_space<semaphore_mem>>) src(%dma_wait3A_27 : memref<10000x64xf32, #tpu.memory_space<hbm>>) dst(%arg9 : memref<16x64xf32, #tpu.memory_space<vmem>>)
        tpu.yield
      }) : () -> ()
      "tpu.region"() ({
        %run_scoped3A = tpu.sem_alloc : memref<!tpu.dma_semaphore, #tpu.memory_space<semaphore_mem>>
        %dma_start3A = arith.constant 0 : i32
        %dma_start3A_18 = tpu.memref_slice %arg8[%scan3A_17, %dma_start3A] : memref<640x16xi32, #tpu.memory_space<vmem>> -> memref<1x16xi32, #tpu.memory_space<vmem>>
        %dma_start3A_19 = tpu.memref_squeeze %dma_start3A_18 : memref<1x16xi32, #tpu.memory_space<vmem>> -> memref<16xi32, #tpu.memory_space<vmem>>
        %dma_start3A_20 = arith.constant 0 : i32
        %dma_start3A_21 = arith.constant 0 : i32
        %dma_start3A_22 = tpu.memref_slice %arg10[%dma_start3A_20, %dma_start3A_21] : memref<10240x64xf32, #tpu.memory_space<vmem_shared>> -> memref<10240x64xf32, #tpu.memory_space<vmem_shared>>
        tpu.enqueue_indirect_dma source(%arg9 : memref<16x64xf32, #tpu.memory_space<vmem>>) target(%dma_start3A_22 : memref<10240x64xf32, #tpu.memory_space<vmem_shared>>) offsets(%dma_start3A_19 : memref<16xi32, #tpu.memory_space<vmem>>) semaphore(%run_scoped3A : memref<!tpu.dma_semaphore, #tpu.memory_space<semaphore_mem>>) {add = true}
        %dma_wait3A = arith.constant 0 : i32
        %dma_wait3A_23 = tpu.memref_slice %arg8[%scan3A_17, %dma_wait3A] : memref<640x16xi32, #tpu.memory_space<vmem>> -> memref<1x16xi32, #tpu.memory_space<vmem>>
        %dma_wait3A_24 = tpu.memref_squeeze %dma_wait3A_23 : memref<1x16xi32, #tpu.memory_space<vmem>> -> memref<16xi32, #tpu.memory_space<vmem>>
        %dma_wait3A_25 = arith.constant 0 : i32
        %dma_wait3A_26 = arith.constant 0 : i32
        %dma_wait3A_27 = tpu.memref_slice %arg10[%dma_wait3A_25, %dma_wait3A_26] : memref<10240x64xf32, #tpu.memory_space<vmem_shared>> -> memref<10240x64xf32, #tpu.memory_space<vmem_shared>>
        tpu.wait_indirect_dma semaphore(%run_scoped3A : memref<!tpu.dma_semaphore, #tpu.memory_space<semaphore_mem>>) src(%arg9 : memref<16x64xf32, #tpu.memory_space<vmem>>) dst(%dma_wait3A_27 : memref<10240x64xf32, #tpu.memory_space<vmem_shared>>)
        tpu.yield
      }) : () -> ()
    }
    %scan3A_8 = arith.constant 640 : i32
    %barrier3A_9 = arith.constant 0 : index
    tpu.barrier barrier_id(%barrier3A_9)
    %mul3A_10 = arith.constant 640 : i32
    %mul3A_11 = arith.muli %arg1, %mul3A_10 : i32
    %mul3A_12 = arith.constant 10240 : i32
    %mul3A_13 = arith.muli %arg0, %mul3A_12 : i32
    %mul3A_14 = arith.constant 640 : i32
    %mul3A_15 = arith.muli %arg1, %mul3A_14 : i32
    %add3A_16 = arith.addi %mul3A_13, %mul3A_15 : i32
    "tpu.region"() ({
      %run_scoped3A = tpu.sem_alloc : memref<!tpu.dma_semaphore, #tpu.memory_space<semaphore_mem>>
      %dma_start3A = arith.constant 0 : i32
      %dma_start3A_17 = tpu.memref_slice %arg6[%add3A_16, %dma_start3A] : memref<20480x64xf32, #tpu.memory_space<hbm>> -> memref<640x64xf32, #tpu.memory_space<hbm>>
      %dma_start3A_18 = arith.constant 0 : i32
      %dma_start3A_19 = tpu.memref_slice %arg10[%mul3A_11, %dma_start3A_18] : memref<10240x64xf32, #tpu.memory_space<vmem_shared>> -> memref<640x64xf32, #tpu.memory_space<vmem_shared>>
      tpu.enqueue_dma source(%dma_start3A_19 : memref<640x64xf32, #tpu.memory_space<vmem_shared>>) target(%dma_start3A_17 : memref<640x64xf32, #tpu.memory_space<hbm>>) target_semaphore(%run_scoped3A : memref<!tpu.dma_semaphore, #tpu.memory_space<semaphore_mem>>)
      %dma_wait3A = arith.constant 0 : i32
      %dma_wait3A_20 = tpu.memref_slice %arg6[%add3A_16, %dma_wait3A] : memref<20480x64xf32, #tpu.memory_space<hbm>> -> memref<640x64xf32, #tpu.memory_space<hbm>>
      %dma_wait3A_21 = arith.constant 0 : i32
      %dma_wait3A_22 = tpu.memref_slice %arg10[%mul3A_11, %dma_wait3A_21] : memref<10240x64xf32, #tpu.memory_space<vmem_shared>> -> memref<640x64xf32, #tpu.memory_space<vmem_shared>>
      tpu.wait_dma2 semaphore(%run_scoped3A : memref<!tpu.dma_semaphore, #tpu.memory_space<semaphore_mem>>) src(%dma_wait3A_22 : memref<640x64xf32, #tpu.memory_space<vmem_shared>>) dst(%dma_wait3A_20 : memref<640x64xf32, #tpu.memory_space<hbm>>)
      tpu.yield
    }) : () -> ()
    return
  }
}

#map = affine_map<(d0, d1) -> (0, 0)>
#map1 = affine_map<(d0, d1) -> (0, 0, 0)>
module attributes {stable_mosaic.version = 14 : i64} {
  func.func @_edge_kernel(%arg0: i32, %arg1: i32, %arg2: memref<10000x64xf32, #tpu.memory_space<hbm>>, %arg3: memref<32x640x16xi32, #tpu.memory_space<hbm>>, %arg4: memref<32x640x16xi32, #tpu.memory_space<hbm>>, %arg5: memref<10240x64xf32, #tpu.memory_space<hbm>>, %arg6: memref<20480x64xf32, #tpu.memory_space<hbm>>, %arg7: memref<640x16xi32, #tpu.memory_space<vmem>>, %arg8: memref<640x16xi32, #tpu.memory_space<vmem>>, %arg9: memref<16x64xf32, #tpu.memory_space<vmem>>, %arg10: memref<10240x64xf32, #tpu.memory_space<vmem_shared>>) attributes {dimension_semantics = [#tpu.dimension_semantics<core_parallel>, #tpu.dimension_semantics<subcore_parallel>], iteration_bounds = array<i64: 2, 16>, scalar_prefetch = 0 : i64, scratch_operands = 4 : i64, tpu.core_type = #tpu.core_type<sc_vector_subcore>, window_params = [{transform_indices = #map}, {transform_indices = #map1}, {transform_indices = #map1}, {transform_indices = #map}, {transform_indices = #map}]} {
    %mul3A = arith.constant 16 : i32
    %mul3A_0 = arith.muli %arg0, %mul3A : i32
    %add3A = arith.addi %mul3A_0, %arg1 : i32
    %mul3A_1 = arith.constant 640 : i32
    %mul3A_2 = arith.muli %arg1, %mul3A_1 : i32
    %mul3A_3 = arith.constant 640 : i32
    %mul3A_4 = arith.muli %arg1, %mul3A_3 : i32
    "tpu.region"() ({
      %run_scoped3A = tpu.sem_alloc : memref<!tpu.dma_semaphore, #tpu.memory_space<semaphore_mem>>
      %dma_start3A = arith.constant 0 : i32
      %dma_start3A_17 = tpu.memref_slice %arg10[%mul3A_4, %dma_start3A] : memref<10240x64xf32, #tpu.memory_space<vmem_shared>> -> memref<640x64xf32, #tpu.memory_space<vmem_shared>>
      %dma_start3A_18 = arith.constant 0 : i32
      %dma_start3A_19 = tpu.memref_slice %arg5[%mul3A_2, %dma_start3A_18] : memref<10240x64xf32, #tpu.memory_space<hbm>> -> memref<640x64xf32, #tpu.memory_space<hbm>>
      tpu.enqueue_dma source(%dma_start3A_19 : memref<640x64xf32, #tpu.memory_space<hbm>>) target(%dma_start3A_17 : memref<640x64xf32, #tpu.memory_space<vmem_shared>>) target_semaphore(%run_scoped3A : memref<!tpu.dma_semaphore, #tpu.memory_space<semaphore_mem>>)
      %dma_wait3A = arith.constant 0 : i32
      %dma_wait3A_20 = tpu.memref_slice %arg10[%mul3A_4, %dma_wait3A] : memref<10240x64xf32, #tpu.memory_space<vmem_shared>> -> memref<640x64xf32, #tpu.memory_space<vmem_shared>>
      %dma_wait3A_21 = arith.constant 0 : i32
      %dma_wait3A_22 = tpu.memref_slice %arg5[%mul3A_2, %dma_wait3A_21] : memref<10240x64xf32, #tpu.memory_space<hbm>> -> memref<640x64xf32, #tpu.memory_space<hbm>>
      tpu.wait_dma2 semaphore(%run_scoped3A : memref<!tpu.dma_semaphore, #tpu.memory_space<semaphore_mem>>) src(%dma_wait3A_22 : memref<640x64xf32, #tpu.memory_space<hbm>>) dst(%dma_wait3A_20 : memref<640x64xf32, #tpu.memory_space<vmem_shared>>)
      tpu.yield
    }) : () -> ()
    "tpu.region"() ({
      %run_scoped3A = tpu.sem_alloc : memref<!tpu.dma_semaphore, #tpu.memory_space<semaphore_mem>>
      %dma_start3A = arith.constant 0 : i32
      %dma_start3A_17 = arith.constant 0 : i32
      %dma_start3A_18 = tpu.memref_slice %arg3[%add3A, %dma_start3A, %dma_start3A_17] : memref<32x640x16xi32, #tpu.memory_space<hbm>> -> memref<1x640x16xi32, #tpu.memory_space<hbm>>
      %dma_start3A_19 = tpu.memref_squeeze %dma_start3A_18 : memref<1x640x16xi32, #tpu.memory_space<hbm>> -> memref<640x16xi32, #tpu.memory_space<hbm>>
      %dma_start3A_20 = arith.constant 0 : i32
      %dma_start3A_21 = arith.constant 0 : i32
      %dma_start3A_22 = tpu.memref_slice %arg3[%add3A, %dma_start3A_20, %dma_start3A_21] : memref<32x640x16xi32, #tpu.memory_space<hbm>> -> memref<1x640x16xi32, #tpu.memory_space<hbm>>
      %dma_start3A_23 = tpu.memref_squeeze %dma_start3A_22 : memref<1x640x16xi32, #tpu.memory_space<hbm>> -> memref<640x16xi32, #tpu.memory_space<hbm>>
      tpu.enqueue_dma source(%dma_start3A_23 : memref<640x16xi32, #tpu.memory_space<hbm>>) target(%arg7 : memref<640x16xi32, #tpu.memory_space<vmem>>) target_semaphore(%run_scoped3A : memref<!tpu.dma_semaphore, #tpu.memory_space<semaphore_mem>>)
      %dma_wait3A = arith.constant 0 : i32
      %dma_wait3A_24 = arith.constant 0 : i32
      %dma_wait3A_25 = tpu.memref_slice %arg3[%add3A, %dma_wait3A, %dma_wait3A_24] : memref<32x640x16xi32, #tpu.memory_space<hbm>> -> memref<1x640x16xi32, #tpu.memory_space<hbm>>
      %dma_wait3A_26 = tpu.memref_squeeze %dma_wait3A_25 : memref<1x640x16xi32, #tpu.memory_space<hbm>> -> memref<640x16xi32, #tpu.memory_space<hbm>>
      %dma_wait3A_27 = arith.constant 0 : i32
      %dma_wait3A_28 = arith.constant 0 : i32
      %dma_wait3A_29 = tpu.memref_slice %arg3[%add3A, %dma_wait3A_27, %dma_wait3A_28] : memref<32x640x16xi32, #tpu.memory_space<hbm>> -> memref<1x640x16xi32, #tpu.memory_space<hbm>>
      %dma_wait3A_30 = tpu.memref_squeeze %dma_wait3A_29 : memref<1x640x16xi32, #tpu.memory_space<hbm>> -> memref<640x16xi32, #tpu.memory_space<hbm>>
      tpu.wait_dma2 semaphore(%run_scoped3A : memref<!tpu.dma_semaphore, #tpu.memory_space<semaphore_mem>>) src(%dma_wait3A_30 : memref<640x16xi32, #tpu.memory_space<hbm>>) dst(%arg7 : memref<640x16xi32, #tpu.memory_space<vmem>>)
      tpu.yield
    }) : () -> ()
    "tpu.region"() ({
      %run_scoped3A = tpu.sem_alloc : memref<!tpu.dma_semaphore, #tpu.memory_space<semaphore_mem>>
      %dma_start3A = arith.constant 0 : i32
      %dma_start3A_17 = arith.constant 0 : i32
      %dma_start3A_18 = tpu.memref_slice %arg4[%add3A, %dma_start3A, %dma_start3A_17] : memref<32x640x16xi32, #tpu.memory_space<hbm>> -> memref<1x640x16xi32, #tpu.memory_space<hbm>>
      %dma_start3A_19 = tpu.memref_squeeze %dma_start3A_18 : memref<1x640x16xi32, #tpu.memory_space<hbm>> -> memref<640x16xi32, #tpu.memory_space<hbm>>
      %dma_start3A_20 = arith.constant 0 : i32
      %dma_start3A_21 = arith.constant 0 : i32
      %dma_start3A_22 = tpu.memref_slice %arg4[%add3A, %dma_start3A_20, %dma_start3A_21] : memref<32x640x16xi32, #tpu.memory_space<hbm>> -> memref<1x640x16xi32, #tpu.memory_space<hbm>>
      %dma_start3A_23 = tpu.memref_squeeze %dma_start3A_22 : memref<1x640x16xi32, #tpu.memory_space<hbm>> -> memref<640x16xi32, #tpu.memory_space<hbm>>
      tpu.enqueue_dma source(%dma_start3A_23 : memref<640x16xi32, #tpu.memory_space<hbm>>) target(%arg8 : memref<640x16xi32, #tpu.memory_space<vmem>>) target_semaphore(%run_scoped3A : memref<!tpu.dma_semaphore, #tpu.memory_space<semaphore_mem>>)
      %dma_wait3A = arith.constant 0 : i32
      %dma_wait3A_24 = arith.constant 0 : i32
      %dma_wait3A_25 = tpu.memref_slice %arg4[%add3A, %dma_wait3A, %dma_wait3A_24] : memref<32x640x16xi32, #tpu.memory_space<hbm>> -> memref<1x640x16xi32, #tpu.memory_space<hbm>>
      %dma_wait3A_26 = tpu.memref_squeeze %dma_wait3A_25 : memref<1x640x16xi32, #tpu.memory_space<hbm>> -> memref<640x16xi32, #tpu.memory_space<hbm>>
      %dma_wait3A_27 = arith.constant 0 : i32
      %dma_wait3A_28 = arith.constant 0 : i32
      %dma_wait3A_29 = tpu.memref_slice %arg4[%add3A, %dma_wait3A_27, %dma_wait3A_28] : memref<32x640x16xi32, #tpu.memory_space<hbm>> -> memref<1x640x16xi32, #tpu.memory_space<hbm>>
      %dma_wait3A_30 = tpu.memref_squeeze %dma_wait3A_29 : memref<1x640x16xi32, #tpu.memory_space<hbm>> -> memref<640x16xi32, #tpu.memory_space<hbm>>
      tpu.wait_dma2 semaphore(%run_scoped3A : memref<!tpu.dma_semaphore, #tpu.memory_space<semaphore_mem>>) src(%dma_wait3A_30 : memref<640x16xi32, #tpu.memory_space<hbm>>) dst(%arg8 : memref<640x16xi32, #tpu.memory_space<vmem>>)
      tpu.yield
    }) : () -> ()
    %barrier3A = arith.constant 0 : index
    tpu.barrier barrier_id(%barrier3A)
    %scan3A = arith.constant 0 : i32
    %scan3A_5 = arith.constant 640 : i32
    %scan3A_6 = arith.addi %scan3A, %scan3A_5 : i32
    %scan3A_7 = arith.constant 1 : i32
    scf.for %scan3A_17 = %scan3A to %scan3A_6 step %scan3A_7  : i32 {
      "tpu.region"() ({
        %run_scoped3A = tpu.sem_alloc : memref<!tpu.dma_semaphore, #tpu.memory_space<semaphore_mem>>
        %dma_start3A = arith.constant 0 : i32
        %dma_start3A_18 = tpu.memref_slice %arg7[%scan3A_17, %dma_start3A] : memref<640x16xi32, #tpu.memory_space<vmem>> -> memref<1x16xi32, #tpu.memory_space<vmem>>
        %dma_start3A_19 = tpu.memref_squeeze %dma_start3A_18 : memref<1x16xi32, #tpu.memory_space<vmem>> -> memref<16xi32, #tpu.memory_space<vmem>>
        %dma_start3A_20 = arith.constant 0 : i32
        %dma_start3A_21 = arith.constant 0 : i32
        %dma_start3A_22 = tpu.memref_slice %arg2[%dma_start3A_20, %dma_start3A_21] : memref<10000x64xf32, #tpu.memory_space<hbm>> -> memref<10000x64xf32, #tpu.memory_space<hbm>>
        tpu.enqueue_indirect_dma source(%dma_start3A_22 : memref<10000x64xf32, #tpu.memory_space<hbm>>) target(%arg9 : memref<16x64xf32, #tpu.memory_space<vmem>>) offsets(%dma_start3A_19 : memref<16xi32, #tpu.memory_space<vmem>>) semaphore(%run_scoped3A : memref<!tpu.dma_semaphore, #tpu.memory_space<semaphore_mem>>)
        %dma_wait3A = arith.constant 0 : i32
        %dma_wait3A_23 = tpu.memref_slice %arg7[%scan3A_17, %dma_wait3A] : memref<640x16xi32, #tpu.memory_space<vmem>> -> memref<1x16xi32, #tpu.memory_space<vmem>>
        %dma_wait3A_24 = tpu.memref_squeeze %dma_wait3A_23 : memref<1x16xi32, #tpu.memory_space<vmem>> -> memref<16xi32, #tpu.memory_space<vmem>>
        %dma_wait3A_25 = arith.constant 0 : i32
        %dma_wait3A_26 = arith.constant 0 : i32
        %dma_wait3A_27 = tpu.memref_slice %arg2[%dma_wait3A_25, %dma_wait3A_26] : memref<10000x64xf32, #tpu.memory_space<hbm>> -> memref<10000x64xf32, #tpu.memory_space<hbm>>
        tpu.wait_indirect_dma semaphore(%run_scoped3A : memref<!tpu.dma_semaphore, #tpu.memory_space<semaphore_mem>>) src(%dma_wait3A_27 : memref<10000x64xf32, #tpu.memory_space<hbm>>) dst(%arg9 : memref<16x64xf32, #tpu.memory_space<vmem>>)
        tpu.yield
      }) : () -> ()
      "tpu.region"() ({
        %run_scoped3A = tpu.sem_alloc : memref<!tpu.dma_semaphore, #tpu.memory_space<semaphore_mem>>
        %dma_start3A = arith.constant 0 : i32
        %dma_start3A_18 = tpu.memref_slice %arg8[%scan3A_17, %dma_start3A] : memref<640x16xi32, #tpu.memory_space<vmem>> -> memref<1x16xi32, #tpu.memory_space<vmem>>
        %dma_start3A_19 = tpu.memref_squeeze %dma_start3A_18 : memref<1x16xi32, #tpu.memory_space<vmem>> -> memref<16xi32, #tpu.memory_space<vmem>>
        %dma_start3A_20 = arith.constant 0 : i32
        %dma_start3A_21 = arith.constant 0 : i32
        %dma_start3A_22 = tpu.memref_slice %arg10[%dma_start3A_20, %dma_start3A_21] : memref<10240x64xf32, #tpu.memory_space<vmem_shared>> -> memref<10240x64xf32, #tpu.memory_space<vmem_shared>>
        tpu.enqueue_indirect_dma source(%arg9 : memref<16x64xf32, #tpu.memory_space<vmem>>) target(%dma_start3A_22 : memref<10240x64xf32, #tpu.memory_space<vmem_shared>>) offsets(%dma_start3A_19 : memref<16xi32, #tpu.memory_space<vmem>>) semaphore(%run_scoped3A : memref<!tpu.dma_semaphore, #tpu.memory_space<semaphore_mem>>) {add = true}
        %dma_wait3A = arith.constant 0 : i32
        %dma_wait3A_23 = tpu.memref_slice %arg8[%scan3A_17, %dma_wait3A] : memref<640x16xi32, #tpu.memory_space<vmem>> -> memref<1x16xi32, #tpu.memory_space<vmem>>
        %dma_wait3A_24 = tpu.memref_squeeze %dma_wait3A_23 : memref<1x16xi32, #tpu.memory_space<vmem>> -> memref<16xi32, #tpu.memory_space<vmem>>
        %dma_wait3A_25 = arith.constant 0 : i32
        %dma_wait3A_26 = arith.constant 0 : i32
        %dma_wait3A_27 = tpu.memref_slice %arg10[%dma_wait3A_25, %dma_wait3A_26] : memref<10240x64xf32, #tpu.memory_space<vmem_shared>> -> memref<10240x64xf32, #tpu.memory_space<vmem_shared>>
        tpu.wait_indirect_dma semaphore(%run_scoped3A : memref<!tpu.dma_semaphore, #tpu.memory_space<semaphore_mem>>) src(%arg9 : memref<16x64xf32, #tpu.memory_space<vmem>>) dst(%dma_wait3A_27 : memref<10240x64xf32, #tpu.memory_space<vmem_shared>>)
        tpu.yield
      }) : () -> ()
    }
    %scan3A_8 = arith.constant 640 : i32
    %barrier3A_9 = arith.constant 0 : index
    tpu.barrier barrier_id(%barrier3A_9)
    %mul3A_10 = arith.constant 640 : i32
    %mul3A_11 = arith.muli %arg1, %mul3A_10 : i32
    %mul3A_12 = arith.constant 10240 : i32
    %mul3A_13 = arith.muli %arg0, %mul3A_12 : i32
    %mul3A_14 = arith.constant 640 : i32
    %mul3A_15 = arith.muli %arg1, %mul3A_14 : i32
    %add3A_16 = arith.addi %mul3A_13, %mul3A_15 : i32
    "tpu.region"() ({
      %run_scoped3A = tpu.sem_alloc : memref<!tpu.dma_semaphore, #tpu.memory_space<semaphore_mem>>
      %dma_start3A = arith.constant 0 : i32
      %dma_start3A_17 = tpu.memref_slice %arg6[%add3A_16, %dma_start3A] : memref<20480x64xf32, #tpu.memory_space<hbm>> -> memref<640x64xf32, #tpu.memory_space<hbm>>
      %dma_start3A_18 = arith.constant 0 : i32
      %dma_start3A_19 = tpu.memref_slice %arg10[%mul3A_11, %dma_start3A_18] : memref<10240x64xf32, #tpu.memory_space<vmem_shared>> -> memref<640x64xf32, #tpu.memory_space<vmem_shared>>
      tpu.enqueue_dma source(%dma_start3A_19 : memref<640x64xf32, #tpu.memory_space<vmem_shared>>) target(%dma_start3A_17 : memref<640x64xf32, #tpu.memory_space<hbm>>) target_semaphore(%run_scoped3A : memref<!tpu.dma_semaphore, #tpu.memory_space<semaphore_mem>>)
      %dma_wait3A = arith.constant 0 : i32
      %dma_wait3A_20 = tpu.memref_slice %arg6[%add3A_16, %dma_wait3A] : memref<20480x64xf32, #tpu.memory_space<hbm>> -> memref<640x64xf32, #tpu.memory_space<hbm>>
      %dma_wait3A_21 = arith.constant 0 : i32
      %dma_wait3A_22 = tpu.memref_slice %arg10[%mul3A_11, %dma_wait3A_21] : memref<10240x64xf32, #tpu.memory_space<vmem_shared>> -> memref<640x64xf32, #tpu.memory_space<vmem_shared>>
      tpu.wait_dma2 semaphore(%run_scoped3A : memref<!tpu.dma_semaphore, #tpu.memory_space<semaphore_mem>>) src(%dma_wait3A_22 : memref<640x64xf32, #tpu.memory_space<vmem_shared>>) dst(%dma_wait3A_20 : memref<640x64xf32, #tpu.memory_space<hbm>>)
      tpu.yield
    }) : () -> ()
    return
  }
}

#map = affine_map<(d0, d1) -> (0, 0, 0)>
#map1 = affine_map<(d0, d1) -> (0)>
module attributes {stable_mosaic.version = 14 : i64} {
  func.func @_deg_kernel(%arg0: i32, %arg1: i32, %arg2: memref<32x640x16xi32, #tpu.memory_space<hbm>>, %arg3: memref<20480xf32, #tpu.memory_space<hbm>>, %arg4: memref<640x16xi32, #tpu.memory_space<vmem>>, %arg5: memref<16xf32, #tpu.memory_space<vmem>>, %arg6: memref<640xf32, #tpu.memory_space<vmem>>, %arg7: memref<10240xf32, #tpu.memory_space<vmem_shared>>) attributes {dimension_semantics = [#tpu.dimension_semantics<core_parallel>, #tpu.dimension_semantics<subcore_parallel>], iteration_bounds = array<i64: 2, 16>, scalar_prefetch = 0 : i64, scratch_operands = 4 : i64, tpu.core_type = #tpu.core_type<sc_vector_subcore>, window_params = [{transform_indices = #map}, {transform_indices = #map1}]} {
    %mul3A = arith.constant 16 : i32
    %mul3A_0 = arith.muli %arg0, %mul3A : i32
    %add3A = arith.addi %mul3A_0, %arg1 : i32
    %broadcast_in_dim3A = arith.constant 1.000000e+00 : f32
    %broadcast_in_dim3A_1 = vector.broadcast %broadcast_in_dim3A : f32 to vector<16xf32>
    %swap3A = arith.constant 0 : index
    %swap3A_2 = tpu.vector_load %arg5[%swap3A] {strides = array<i32>} : memref<16xf32, #tpu.memory_space<vmem>>, vector<16xf32>,
    %swap3A_3 = vector.shape_cast %swap3A_2 : vector<16xf32> to vector<16xf32>
    %swap3A_4 = vector.shape_cast %broadcast_in_dim3A_1 : vector<16xf32> to vector<16xf32>
    tpu.vector_store %arg5[%swap3A], %swap3A_4 {strides = array<i32>} : memref<16xf32, #tpu.memory_space<vmem>>, vector<16xf32>,
    %scan3A = arith.constant 0 : i32
    %scan3A_5 = arith.constant 40 : i32
    %scan3A_6 = arith.addi %scan3A, %scan3A_5 : i32
    %scan3A_7 = arith.constant 1 : i32
    scf.for %scan3A_24 = %scan3A to %scan3A_6 step %scan3A_7  : i32 {
      %broadcast_in_dim3A_25 = arith.constant 0.000000e+00 : f32
      %broadcast_in_dim3A_26 = vector.broadcast %broadcast_in_dim3A_25 : f32 to vector<16xf32>
      %mul3A_27 = arith.constant 16 : i32
      %mul3A_28 = arith.muli %scan3A_24, %mul3A_27 : i32
      %swap3A_29 = arith.index_cast %mul3A_28 : i32 to index
      %swap3A_30 = tpu.vector_load %arg6[%swap3A_29] {strides = array<i32>} : memref<640xf32, #tpu.memory_space<vmem>>, vector<16xf32>,
      %swap3A_31 = vector.shape_cast %swap3A_30 : vector<16xf32> to vector<16xf32>
      %swap3A_32 = vector.shape_cast %broadcast_in_dim3A_26 : vector<16xf32> to vector<16xf32>
      tpu.vector_store %arg6[%swap3A_29], %swap3A_32 {strides = array<i32>} : memref<640xf32, #tpu.memory_space<vmem>>, vector<16xf32>,
    }
    %scan3A_8 = arith.constant 40 : i32
    %mul3A_9 = arith.constant 640 : i32
    %mul3A_10 = arith.muli %arg1, %mul3A_9 : i32
    "tpu.region"() ({
      %run_scoped3A = tpu.sem_alloc : memref<!tpu.dma_semaphore, #tpu.memory_space<semaphore_mem>>
      %dma_start3A = tpu.memref_slice %arg7[%mul3A_10] : memref<10240xf32, #tpu.memory_space<vmem_shared>> -> memref<640xf32, #tpu.memory_space<vmem_shared>>
      %dma_start3A_24 = tpu.memref_slice %arg7[%mul3A_10] : memref<10240xf32, #tpu.memory_space<vmem_shared>> -> memref<640xf32, #tpu.memory_space<vmem_shared>>
      tpu.enqueue_dma source(%arg6 : memref<640xf32, #tpu.memory_space<vmem>>) target(%dma_start3A_24 : memref<640xf32, #tpu.memory_space<vmem_shared>>) target_semaphore(%run_scoped3A : memref<!tpu.dma_semaphore, #tpu.memory_space<semaphore_mem>>)
      %dma_wait3A = tpu.memref_slice %arg7[%mul3A_10] : memref<10240xf32, #tpu.memory_space<vmem_shared>> -> memref<640xf32, #tpu.memory_space<vmem_shared>>
      %dma_wait3A_25 = tpu.memref_slice %arg7[%mul3A_10] : memref<10240xf32, #tpu.memory_space<vmem_shared>> -> memref<640xf32, #tpu.memory_space<vmem_shared>>
      tpu.wait_dma2 semaphore(%run_scoped3A : memref<!tpu.dma_semaphore, #tpu.memory_space<semaphore_mem>>) src(%arg6 : memref<640xf32, #tpu.memory_space<vmem>>) dst(%dma_wait3A_25 : memref<640xf32, #tpu.memory_space<vmem_shared>>)
      tpu.yield
    }) : () -> ()
    "tpu.region"() ({
      %run_scoped3A = tpu.sem_alloc : memref<!tpu.dma_semaphore, #tpu.memory_space<semaphore_mem>>
      %dma_start3A = arith.constant 0 : i32
      %dma_start3A_24 = arith.constant 0 : i32
      %dma_start3A_25 = tpu.memref_slice %arg2[%add3A, %dma_start3A, %dma_start3A_24] : memref<32x640x16xi32, #tpu.memory_space<hbm>> -> memref<1x640x16xi32, #tpu.memory_space<hbm>>
      %dma_start3A_26 = tpu.memref_squeeze %dma_start3A_25 : memref<1x640x16xi32, #tpu.memory_space<hbm>> -> memref<640x16xi32, #tpu.memory_space<hbm>>
      %dma_start3A_27 = arith.constant 0 : i32
      %dma_start3A_28 = arith.constant 0 : i32
      %dma_start3A_29 = tpu.memref_slice %arg2[%add3A, %dma_start3A_27, %dma_start3A_28] : memref<32x640x16xi32, #tpu.memory_space<hbm>> -> memref<1x640x16xi32, #tpu.memory_space<hbm>>
      %dma_start3A_30 = tpu.memref_squeeze %dma_start3A_29 : memref<1x640x16xi32, #tpu.memory_space<hbm>> -> memref<640x16xi32, #tpu.memory_space<hbm>>
      tpu.enqueue_dma source(%dma_start3A_30 : memref<640x16xi32, #tpu.memory_space<hbm>>) target(%arg4 : memref<640x16xi32, #tpu.memory_space<vmem>>) target_semaphore(%run_scoped3A : memref<!tpu.dma_semaphore, #tpu.memory_space<semaphore_mem>>)
      %dma_wait3A = arith.constant 0 : i32
      %dma_wait3A_31 = arith.constant 0 : i32
      %dma_wait3A_32 = tpu.memref_slice %arg2[%add3A, %dma_wait3A, %dma_wait3A_31] : memref<32x640x16xi32, #tpu.memory_space<hbm>> -> memref<1x640x16xi32, #tpu.memory_space<hbm>>
      %dma_wait3A_33 = tpu.memref_squeeze %dma_wait3A_32 : memref<1x640x16xi32, #tpu.memory_space<hbm>> -> memref<640x16xi32, #tpu.memory_space<hbm>>
      %dma_wait3A_34 = arith.constant 0 : i32
      %dma_wait3A_35 = arith.constant 0 : i32
      %dma_wait3A_36 = tpu.memref_slice %arg2[%add3A, %dma_wait3A_34, %dma_wait3A_35] : memref<32x640x16xi32, #tpu.memory_space<hbm>> -> memref<1x640x16xi32, #tpu.memory_space<hbm>>
      %dma_wait3A_37 = tpu.memref_squeeze %dma_wait3A_36 : memref<1x640x16xi32, #tpu.memory_space<hbm>> -> memref<640x16xi32, #tpu.memory_space<hbm>>
      tpu.wait_dma2 semaphore(%run_scoped3A : memref<!tpu.dma_semaphore, #tpu.memory_space<semaphore_mem>>) src(%dma_wait3A_37 : memref<640x16xi32, #tpu.memory_space<hbm>>) dst(%arg4 : memref<640x16xi32, #tpu.memory_space<vmem>>)
      tpu.yield
    }) : () -> ()
    %barrier3A = arith.constant 0 : index
    tpu.barrier barrier_id(%barrier3A)
    %scan3A_11 = arith.constant 0 : i32
    %scan3A_12 = arith.constant 640 : i32
    %scan3A_13 = arith.addi %scan3A_11, %scan3A_12 : i32
    %scan3A_14 = arith.constant 1 : i32
    scf.for %scan3A_24 = %scan3A_11 to %scan3A_13 step %scan3A_14  : i32 {
      "tpu.region"() ({
        %run_scoped3A = tpu.sem_alloc : memref<!tpu.dma_semaphore, #tpu.memory_space<semaphore_mem>>
        %dma_start3A = arith.constant 0 : i32
        %dma_start3A_25 = tpu.memref_slice %arg4[%scan3A_24, %dma_start3A] : memref<640x16xi32, #tpu.memory_space<vmem>> -> memref<1x16xi32, #tpu.memory_space<vmem>>
        %dma_start3A_26 = tpu.memref_squeeze %dma_start3A_25 : memref<1x16xi32, #tpu.memory_space<vmem>> -> memref<16xi32, #tpu.memory_space<vmem>>
        %dma_start3A_27 = arith.constant 0 : i32
        %dma_start3A_28 = tpu.memref_slice %arg7[%dma_start3A_27] : memref<10240xf32, #tpu.memory_space<vmem_shared>> -> memref<10240xf32, #tpu.memory_space<vmem_shared>>
        tpu.enqueue_indirect_dma source(%arg5 : memref<16xf32, #tpu.memory_space<vmem>>) target(%dma_start3A_28 : memref<10240xf32, #tpu.memory_space<vmem_shared>>) offsets(%dma_start3A_26 : memref<16xi32, #tpu.memory_space<vmem>>) semaphore(%run_scoped3A : memref<!tpu.dma_semaphore, #tpu.memory_space<semaphore_mem>>) {add = true}
        %dma_wait3A = arith.constant 0 : i32
        %dma_wait3A_29 = tpu.memref_slice %arg4[%scan3A_24, %dma_wait3A] : memref<640x16xi32, #tpu.memory_space<vmem>> -> memref<1x16xi32, #tpu.memory_space<vmem>>
        %dma_wait3A_30 = tpu.memref_squeeze %dma_wait3A_29 : memref<1x16xi32, #tpu.memory_space<vmem>> -> memref<16xi32, #tpu.memory_space<vmem>>
        %dma_wait3A_31 = arith.constant 0 : i32
        %dma_wait3A_32 = tpu.memref_slice %arg7[%dma_wait3A_31] : memref<10240xf32, #tpu.memory_space<vmem_shared>> -> memref<10240xf32, #tpu.memory_space<vmem_shared>>
        tpu.wait_indirect_dma semaphore(%run_scoped3A : memref<!tpu.dma_semaphore, #tpu.memory_space<semaphore_mem>>) src(%arg5 : memref<16xf32, #tpu.memory_space<vmem>>) dst(%dma_wait3A_32 : memref<10240xf32, #tpu.memory_space<vmem_shared>>)
        tpu.yield
      }) : () -> ()
    }
    %scan3A_15 = arith.constant 640 : i32
    %barrier3A_16 = arith.constant 0 : index
    tpu.barrier barrier_id(%barrier3A_16)
    %mul3A_17 = arith.constant 640 : i32
    %mul3A_18 = arith.muli %arg1, %mul3A_17 : i32
    %mul3A_19 = arith.constant 10240 : i32
    %mul3A_20 = arith.muli %arg0, %mul3A_19 : i32
    %mul3A_21 = arith.constant 640 : i32
    %mul3A_22 = arith.muli %arg1, %mul3A_21 : i32
    %add3A_23 = arith.addi %mul3A_20, %mul3A_22 : i32
    "tpu.region"() ({
      %run_scoped3A = tpu.sem_alloc : memref<!tpu.dma_semaphore, #tpu.memory_space<semaphore_mem>>
      %dma_start3A = tpu.memref_slice %arg3[%add3A_23] : memref<20480xf32, #tpu.memory_space<hbm>> -> memref<640xf32, #tpu.memory_space<hbm>>
      %dma_start3A_24 = tpu.memref_slice %arg7[%mul3A_18] : memref<10240xf32, #tpu.memory_space<vmem_shared>> -> memref<640xf32, #tpu.memory_space<vmem_shared>>
      tpu.enqueue_dma source(%dma_start3A_24 : memref<640xf32, #tpu.memory_space<vmem_shared>>) target(%dma_start3A : memref<640xf32, #tpu.memory_space<hbm>>) target_semaphore(%run_scoped3A : memref<!tpu.dma_semaphore, #tpu.memory_space<semaphore_mem>>)
      %dma_wait3A = tpu.memref_slice %arg3[%add3A_23] : memref<20480xf32, #tpu.memory_space<hbm>> -> memref<640xf32, #tpu.memory_space<hbm>>
      %dma_wait3A_25 = tpu.memref_slice %arg7[%mul3A_18] : memref<10240xf32, #tpu.memory_space<vmem_shared>> -> memref<640xf32, #tpu.memory_space<vmem_shared>>
      tpu.wait_dma2 semaphore(%run_scoped3A : memref<!tpu.dma_semaphore, #tpu.memory_space<semaphore_mem>>) src(%dma_wait3A_25 : memref<640xf32, #tpu.memory_space<vmem_shared>>) dst(%dma_wait3A : memref<640xf32, #tpu.memory_space<hbm>>)
      tpu.yield
    }) : () -> ()
    return
  }
}

module attributes {stable_mosaic.version = 14 : i64} {
  func.func @_tc1_body(%arg0: memref<20480x1xf32, #tpu.memory_space<vmem>>, %arg1: memref<10000x128xf32, #tpu.memory_space<vmem>>, %arg2: memref<128x64xf32, #tpu.memory_space<vmem>>, %arg3: memref<10000x64xf32, #tpu.memory_space<vmem>>, %arg4: memref<10000x1xf32, #tpu.memory_space<vmem>>) attributes {dimension_semantics = [], scalar_prefetch = 0 : i64, scratch_operands = 0 : i64, tpu.core_type = #tpu.core_type<tc>} {
    %get3A = arith.constant 0 : index
    %get3A_0 = arith.constant 0 : index
    %get3A_1 = vector.load %arg0[%get3A, %get3A_0] : memref<20480x1xf32, #tpu.memory_space<vmem>>, vector<10000x1xf32>
    %get3A_2 = arith.constant 10240 : index
    %get3A_3 = arith.constant 0 : index
    %get3A_4 = vector.load %arg0[%get3A_2, %get3A_3] : memref<20480x1xf32, #tpu.memory_space<vmem>>, vector<10000x1xf32>
    %add3A = arith.addf %get3A_1, %get3A_4 : vector<10000x1xf32>
    %add3A_5 = arith.constant 1.000000e+00 : f32
    %add3A_6 = vector.broadcast %add3A_5 : f32 to vector<10000x1xf32>
    %add3A_7 = arith.addf %add3A, %add3A_6 : vector<10000x1xf32>
    %rsqrt3A = math.rsqrt %add3A_7 : vector<10000x1xf32>
    %get3A_8 = arith.constant 0 : index
    %get3A_9 = arith.constant 0 : index
    %get3A_10 = vector.load %arg1[%get3A_8, %get3A_9] : memref<10000x128xf32, #tpu.memory_space<vmem>>, vector<10000x128xf32>
    %get3A_11 = arith.constant 0 : index
    %get3A_12 = arith.constant 0 : index
    %get3A_13 = vector.load %arg2[%get3A_11, %get3A_12] : memref<128x64xf32, #tpu.memory_space<vmem>>, vector<128x64xf32>
    %dot_general3A = arith.constant dense<0.000000e+00> : vector<10000x64xf32>
    %dot_general3A_14 = tpu.matmul %get3A_10, %get3A_13, %dot_general3A {dimension_numbers = #tpu.dot_dimension_numbers<[1], [0], [0], [1], [0, 0, 1, 1], [], []>, transpose_lhs_hint = false} : vector<10000x128xf32>, vector<128x64xf32>, vector<10000x64xf32> -> vector<10000x64xf32>
    %mul3A = vector.broadcast %rsqrt3A : vector<10000x1xf32> to vector<10000x64xf32>
    %mul3A_15 = arith.mulf %dot_general3A_14, %mul3A : vector<10000x64xf32>
    %swap3A = arith.constant 0 : index
    %swap3A_16 = arith.constant 0 : index
    %swap3A_17 = vector.load %arg3[%swap3A, %swap3A_16] : memref<10000x64xf32, #tpu.memory_space<vmem>>, vector<10000x64xf32>
    tpu.vector_store %arg3[%swap3A, %swap3A_16], %mul3A_15 {strides = array<i32>} : memref<10000x64xf32, #tpu.memory_space<vmem>>, vector<10000x64xf32>,
    %swap3A_18 = arith.constant 0 : index
    %swap3A_19 = arith.constant 0 : index
    %swap3A_20 = vector.load %arg4[%swap3A_18, %swap3A_19] : memref<10000x1xf32, #tpu.memory_space<vmem>>, vector<10000x1xf32>
    tpu.vector_store %arg4[%swap3A_18, %swap3A_19], %rsqrt3A {strides = array<i32>} : memref<10000x1xf32, #tpu.memory_space<vmem>>, vector<10000x1xf32>,
    return
  }
}

module attributes {stable_mosaic.version = 14 : i64} {
  func.func @_tc2_body(%arg0: memref<20480x64xf32, #tpu.memory_space<vmem>>, %arg1: memref<10000x64xf32, #tpu.memory_space<vmem>>, %arg2: memref<10000x1xf32, #tpu.memory_space<vmem>>, %arg3: memref<1x64xf32, #tpu.memory_space<vmem>>, %arg4: memref<1x64xf32, #tpu.memory_space<vmem>>, %arg5: memref<1x64xf32, #tpu.memory_space<vmem>>, %arg6: memref<64x64xf32, #tpu.memory_space<vmem>>, %arg7: memref<10000x64xf32, #tpu.memory_space<vmem>>, %arg8: memref<10000x64xf32, #tpu.memory_space<vmem>>) attributes {dimension_semantics = [], scalar_prefetch = 0 : i64, scratch_operands = 1 : i64, tpu.core_type = #tpu.core_type<tc>} {
    %get3A = arith.constant 0 : index
    %get3A_0 = arith.constant 0 : index
    %get3A_1 = vector.load %arg2[%get3A, %get3A_0] : memref<10000x1xf32, #tpu.memory_space<vmem>>, vector<10000x1xf32>
    %get3A_2 = arith.constant 0 : index
    %get3A_3 = arith.constant 0 : index
    %get3A_4 = vector.load %arg0[%get3A_2, %get3A_3] : memref<20480x64xf32, #tpu.memory_space<vmem>>, vector<10000x64xf32>
    %get3A_5 = arith.constant 10240 : index
    %get3A_6 = arith.constant 0 : index
    %get3A_7 = vector.load %arg0[%get3A_5, %get3A_6] : memref<20480x64xf32, #tpu.memory_space<vmem>>, vector<10000x64xf32>
    %add3A = arith.addf %get3A_4, %get3A_7 : vector<10000x64xf32>
    %get3A_8 = arith.constant 0 : index
    %get3A_9 = arith.constant 0 : index
    %get3A_10 = vector.load %arg1[%get3A_8, %get3A_9] : memref<10000x64xf32, #tpu.memory_space<vmem>>, vector<10000x64xf32>
    %add3A_11 = arith.addf %add3A, %get3A_10 : vector<10000x64xf32>
    %mul3A = vector.broadcast %get3A_1 : vector<10000x1xf32> to vector<10000x64xf32>
    %mul3A_12 = arith.mulf %mul3A, %add3A_11 : vector<10000x64xf32>
    %get3A_13 = arith.constant 0 : index
    %get3A_14 = arith.constant 0 : index
    %get3A_15 = vector.load %arg3[%get3A_13, %get3A_14] : memref<1x64xf32, #tpu.memory_space<vmem>>, vector<1x64xf32>
    %add3A_16 = vector.broadcast %get3A_15 : vector<1x64xf32> to vector<10000x64xf32>
    %add3A_17 = arith.addf %mul3A_12, %add3A_16 : vector<10000x64xf32>
    %max3A = arith.constant 0.000000e+00 : f32
    %max3A_18 = vector.broadcast %max3A : f32 to vector<10000x64xf32>
    %max3A_19 = arith.maximumf %add3A_17, %max3A_18 : vector<10000x64xf32>
    %swap3A = arith.constant 0 : index
    %swap3A_20 = arith.constant 0 : index
    %swap3A_21 = vector.load %arg8[%swap3A, %swap3A_20] : memref<10000x64xf32, #tpu.memory_space<vmem>>, vector<10000x64xf32>
    tpu.vector_store %arg8[%swap3A, %swap3A_20], %max3A_19 {strides = array<i32>} : memref<10000x64xf32, #tpu.memory_space<vmem>>, vector<10000x64xf32>,
    %broadcast_in_dim3A = arith.constant 0.000000e+00 : f32
    %broadcast_in_dim3A_22 = vector.broadcast %broadcast_in_dim3A : f32 to vector<8x64xf32>
    %broadcast_in_dim3A_23 = arith.constant 0.000000e+00 : f32
    %broadcast_in_dim3A_24 = vector.broadcast %broadcast_in_dim3A_23 : f32 to vector<8x64xf32>
    %broadcast_in_dim3A_25 = arith.constant 0.000000e+00 : f32
    %broadcast_in_dim3A_26 = vector.broadcast %broadcast_in_dim3A_25 : f32 to vector<8x64xf32>
    %broadcast_in_dim3A_27 = arith.constant 0.000000e+00 : f32
    %broadcast_in_dim3A_28 = vector.broadcast %broadcast_in_dim3A_27 : f32 to vector<8x64xf32>
    %broadcast_in_dim3A_29 = arith.constant 0.000000e+00 : f32
    %broadcast_in_dim3A_30 = vector.broadcast %broadcast_in_dim3A_29 : f32 to vector<8x64xf32>
    %broadcast_in_dim3A_31 = arith.constant 0.000000e+00 : f32
    %broadcast_in_dim3A_32 = vector.broadcast %broadcast_in_dim3A_31 : f32 to vector<8x64xf32>
    %broadcast_in_dim3A_33 = arith.constant 0.000000e+00 : f32
    %broadcast_in_dim3A_34 = vector.broadcast %broadcast_in_dim3A_33 : f32 to vector<8x64xf32>
    %broadcast_in_dim3A_35 = arith.constant 0.000000e+00 : f32
    %broadcast_in_dim3A_36 = vector.broadcast %broadcast_in_dim3A_35 : f32 to vector<8x64xf32>
    %broadcast_in_dim3A_37 = arith.constant 0.000000e+00 : f32
    %broadcast_in_dim3A_38 = vector.broadcast %broadcast_in_dim3A_37 : f32 to vector<8x64xf32>
    %broadcast_in_dim3A_39 = arith.constant 0.000000e+00 : f32
    %broadcast_in_dim3A_40 = vector.broadcast %broadcast_in_dim3A_39 : f32 to vector<8x64xf32>
    %broadcast_in_dim3A_41 = arith.constant 0.000000e+00 : f32
    %broadcast_in_dim3A_42 = vector.broadcast %broadcast_in_dim3A_41 : f32 to vector<8x64xf32>
    %broadcast_in_dim3A_43 = arith.constant 0.000000e+00 : f32
    %broadcast_in_dim3A_44 = vector.broadcast %broadcast_in_dim3A_43 : f32 to vector<8x64xf32>
    %broadcast_in_dim3A_45 = arith.constant 0.000000e+00 : f32
    %broadcast_in_dim3A_46 = vector.broadcast %broadcast_in_dim3A_45 : f32 to vector<8x64xf32>
    %broadcast_in_dim3A_47 = arith.constant 0.000000e+00 : f32
    %broadcast_in_dim3A_48 = vector.broadcast %broadcast_in_dim3A_47 : f32 to vector<8x64xf32>
    %broadcast_in_dim3A_49 = arith.constant 0.000000e+00 : f32
    %broadcast_in_dim3A_50 = vector.broadcast %broadcast_in_dim3A_49 : f32 to vector<8x64xf32>
    %broadcast_in_dim3A_51 = arith.constant 0.000000e+00 : f32
    %broadcast_in_dim3A_52 = vector.broadcast %broadcast_in_dim3A_51 : f32 to vector<8x64xf32>
    %scan3A = arith.constant 0 : i32
    %scan3A_53 = arith.constant 78 : i32
    %scan3A_54 = arith.addi %scan3A, %scan3A_53 : i32
    %scan3A_55 = arith.constant 1 : i32
    %scan3A_56:16 = scf.for %scan3A_198 = %scan3A to %scan3A_54 step %scan3A_55 iter_args(%scan3A_199 = %broadcast_in_dim3A_22, %scan3A_200 = %broadcast_in_dim3A_24, %scan3A_201 = %broadcast_in_dim3A_26, %scan3A_202 = %broadcast_in_dim3A_28, %scan3A_203 = %broadcast_in_dim3A_30, %scan3A_204 = %broadcast_in_dim3A_32, %scan3A_205 = %broadcast_in_dim3A_34, %scan3A_206 = %broadcast_in_dim3A_36, %scan3A_207 = %broadcast_in_dim3A_38, %scan3A_208 = %broadcast_in_dim3A_40, %scan3A_209 = %broadcast_in_dim3A_42, %scan3A_210 = %broadcast_in_dim3A_44, %scan3A_211 = %broadcast_in_dim3A_46, %scan3A_212 = %broadcast_in_dim3A_48, %scan3A_213 = %broadcast_in_dim3A_50, %scan3A_214 = %broadcast_in_dim3A_52) -> (vector<8x64xf32>, vector<8x64xf32>, vector<8x64xf32>, vector<8x64xf32>, vector<8x64xf32>, vector<8x64xf32>, vector<8x64xf32>, vector<8x64xf32>, vector<8x64xf32>, vector<8x64xf32>, vector<8x64xf32>, vector<8x64xf32>, vector<8x64xf32>, vector<8x64xf32>, vector<8x64xf32>, vector<8x64xf32>)  : i32 {
      %mul3A_215 = arith.constant 16 : i32
      %mul3A_216 = arith.muli %scan3A_198, %mul3A_215 : i32
      %add3A_217 = arith.constant 0 : i32
      %add3A_218 = arith.addi %mul3A_216, %add3A_217 : i32
      %mul3A_219 = arith.constant 8 : i32
      %mul3A_220 = arith.muli %add3A_218, %mul3A_219 : i32
      %get3A_221 = arith.index_cast %mul3A_220 : i32 to index
      %get3A_222 = arith.constant 0 : index
      %get3A_223 = vector.load %arg8[%get3A_221, %get3A_222] : memref<10000x64xf32, #tpu.memory_space<vmem>>, vector<8x64xf32>
      %add3A_224 = arith.addf %scan3A_199, %get3A_223 : vector<8x64xf32>
      %mul3A_225 = arith.constant 16 : i32
      %mul3A_226 = arith.muli %scan3A_198, %mul3A_225 : i32
      %add3A_227 = arith.constant 1 : i32
      %add3A_228 = arith.addi %mul3A_226, %add3A_227 : i32
      %mul3A_229 = arith.constant 8 : i32
      %mul3A_230 = arith.muli %add3A_228, %mul3A_229 : i32
      %get3A_231 = arith.index_cast %mul3A_230 : i32 to index
      %get3A_232 = arith.constant 0 : index
      %get3A_233 = vector.load %arg8[%get3A_231, %get3A_232] : memref<10000x64xf32, #tpu.memory_space<vmem>>, vector<8x64xf32>
      %add3A_234 = arith.addf %scan3A_200, %get3A_233 : vector<8x64xf32>
      %mul3A_235 = arith.constant 16 : i32
      %mul3A_236 = arith.muli %scan3A_198, %mul3A_235 : i32
      %add3A_237 = arith.constant 2 : i32
      %add3A_238 = arith.addi %mul3A_236, %add3A_237 : i32
      %mul3A_239 = arith.constant 8 : i32
      %mul3A_240 = arith.muli %add3A_238, %mul3A_239 : i32
      %get3A_241 = arith.index_cast %mul3A_240 : i32 to index
      %get3A_242 = arith.constant 0 : index
      %get3A_243 = vector.load %arg8[%get3A_241, %get3A_242] : memref<10000x64xf32, #tpu.memory_space<vmem>>, vector<8x64xf32>
      %add3A_244 = arith.addf %scan3A_201, %get3A_243 : vector<8x64xf32>
      %mul3A_245 = arith.constant 16 : i32
      %mul3A_246 = arith.muli %scan3A_198, %mul3A_245 : i32
      %add3A_247 = arith.constant 3 : i32
      %add3A_248 = arith.addi %mul3A_246, %add3A_247 : i32
      %mul3A_249 = arith.constant 8 : i32
      %mul3A_250 = arith.muli %add3A_248, %mul3A_249 : i32
      %get3A_251 = arith.index_cast %mul3A_250 : i32 to index
      %get3A_252 = arith.constant 0 : index
      %get3A_253 = vector.load %arg8[%get3A_251, %get3A_252] : memref<10000x64xf32, #tpu.memory_space<vmem>>, vector<8x64xf32>
      %add3A_254 = arith.addf %scan3A_202, %get3A_253 : vector<8x64xf32>
      %mul3A_255 = arith.constant 16 : i32
      %mul3A_256 = arith.muli %scan3A_198, %mul3A_255 : i32
      %add3A_257 = arith.constant 4 : i32
      %add3A_258 = arith.addi %mul3A_256, %add3A_257 : i32
      %mul3A_259 = arith.constant 8 : i32
      %mul3A_260 = arith.muli %add3A_258, %mul3A_259 : i32
      %get3A_261 = arith.index_cast %mul3A_260 : i32 to index
      %get3A_262 = arith.constant 0 : index
      %get3A_263 = vector.load %arg8[%get3A_261, %get3A_262] : memref<10000x64xf32, #tpu.memory_space<vmem>>, vector<8x64xf32>
      %add3A_264 = arith.addf %scan3A_203, %get3A_263 : vector<8x64xf32>
      %mul3A_265 = arith.constant 16 : i32
      %mul3A_266 = arith.muli %scan3A_198, %mul3A_265 : i32
      %add3A_267 = arith.constant 5 : i32
      %add3A_268 = arith.addi %mul3A_266, %add3A_267 : i32
      %mul3A_269 = arith.constant 8 : i32
      %mul3A_270 = arith.muli %add3A_268, %mul3A_269 : i32
      %get3A_271 = arith.index_cast %mul3A_270 : i32 to index
      %get3A_272 = arith.constant 0 : index
      %get3A_273 = vector.load %arg8[%get3A_271, %get3A_272] : memref<10000x64xf32, #tpu.memory_space<vmem>>, vector<8x64xf32>
      %add3A_274 = arith.addf %scan3A_204, %get3A_273 : vector<8x64xf32>
      %mul3A_275 = arith.constant 16 : i32
      %mul3A_276 = arith.muli %scan3A_198, %mul3A_275 : i32
      %add3A_277 = arith.constant 6 : i32
      %add3A_278 = arith.addi %mul3A_276, %add3A_277 : i32
      %mul3A_279 = arith.constant 8 : i32
      %mul3A_280 = arith.muli %add3A_278, %mul3A_279 : i32
      %get3A_281 = arith.index_cast %mul3A_280 : i32 to index
      %get3A_282 = arith.constant 0 : index
      %get3A_283 = vector.load %arg8[%get3A_281, %get3A_282] : memref<10000x64xf32, #tpu.memory_space<vmem>>, vector<8x64xf32>
      %add3A_284 = arith.addf %scan3A_205, %get3A_283 : vector<8x64xf32>
      %mul3A_285 = arith.constant 16 : i32
      %mul3A_286 = arith.muli %scan3A_198, %mul3A_285 : i32
      %add3A_287 = arith.constant 7 : i32
      %add3A_288 = arith.addi %mul3A_286, %add3A_287 : i32
      %mul3A_289 = arith.constant 8 : i32
      %mul3A_290 = arith.muli %add3A_288, %mul3A_289 : i32
      %get3A_291 = arith.index_cast %mul3A_290 : i32 to index
      %get3A_292 = arith.constant 0 : index
      %get3A_293 = vector.load %arg8[%get3A_291, %get3A_292] : memref<10000x64xf32, #tpu.memory_space<vmem>>, vector<8x64xf32>
      %add3A_294 = arith.addf %scan3A_206, %get3A_293 : vector<8x64xf32>
      %mul3A_295 = arith.constant 16 : i32
      %mul3A_296 = arith.muli %scan3A_198, %mul3A_295 : i32
      %add3A_297 = arith.constant 8 : i32
      %add3A_298 = arith.addi %mul3A_296, %add3A_297 : i32
      %mul3A_299 = arith.constant 8 : i32
      %mul3A_300 = arith.muli %add3A_298, %mul3A_299 : i32
      %get3A_301 = arith.index_cast %mul3A_300 : i32 to index
      %get3A_302 = arith.constant 0 : index
      %get3A_303 = vector.load %arg8[%get3A_301, %get3A_302] : memref<10000x64xf32, #tpu.memory_space<vmem>>, vector<8x64xf32>
      %add3A_304 = arith.addf %scan3A_207, %get3A_303 : vector<8x64xf32>
      %mul3A_305 = arith.constant 16 : i32
      %mul3A_306 = arith.muli %scan3A_198, %mul3A_305 : i32
      %add3A_307 = arith.constant 9 : i32
      %add3A_308 = arith.addi %mul3A_306, %add3A_307 : i32
      %mul3A_309 = arith.constant 8 : i32
      %mul3A_310 = arith.muli %add3A_308, %mul3A_309 : i32
      %get3A_311 = arith.index_cast %mul3A_310 : i32 to index
      %get3A_312 = arith.constant 0 : index
      %get3A_313 = vector.load %arg8[%get3A_311, %get3A_312] : memref<10000x64xf32, #tpu.memory_space<vmem>>, vector<8x64xf32>
      %add3A_314 = arith.addf %scan3A_208, %get3A_313 : vector<8x64xf32>
      %mul3A_315 = arith.constant 16 : i32
      %mul3A_316 = arith.muli %scan3A_198, %mul3A_315 : i32
      %add3A_317 = arith.constant 10 : i32
      %add3A_318 = arith.addi %mul3A_316, %add3A_317 : i32
      %mul3A_319 = arith.constant 8 : i32
      %mul3A_320 = arith.muli %add3A_318, %mul3A_319 : i32
      %get3A_321 = arith.index_cast %mul3A_320 : i32 to index
      %get3A_322 = arith.constant 0 : index
      %get3A_323 = vector.load %arg8[%get3A_321, %get3A_322] : memref<10000x64xf32, #tpu.memory_space<vmem>>, vector<8x64xf32>
      %add3A_324 = arith.addf %scan3A_209, %get3A_323 : vector<8x64xf32>
      %mul3A_325 = arith.constant 16 : i32
      %mul3A_326 = arith.muli %scan3A_198, %mul3A_325 : i32
      %add3A_327 = arith.constant 11 : i32
      %add3A_328 = arith.addi %mul3A_326, %add3A_327 : i32
      %mul3A_329 = arith.constant 8 : i32
      %mul3A_330 = arith.muli %add3A_328, %mul3A_329 : i32
      %get3A_331 = arith.index_cast %mul3A_330 : i32 to index
      %get3A_332 = arith.constant 0 : index
      %get3A_333 = vector.load %arg8[%get3A_331, %get3A_332] : memref<10000x64xf32, #tpu.memory_space<vmem>>, vector<8x64xf32>
      %add3A_334 = arith.addf %scan3A_210, %get3A_333 : vector<8x64xf32>
      %mul3A_335 = arith.constant 16 : i32
      %mul3A_336 = arith.muli %scan3A_198, %mul3A_335 : i32
      %add3A_337 = arith.constant 12 : i32
      %add3A_338 = arith.addi %mul3A_336, %add3A_337 : i32
      %mul3A_339 = arith.constant 8 : i32
      %mul3A_340 = arith.muli %add3A_338, %mul3A_339 : i32
      %get3A_341 = arith.index_cast %mul3A_340 : i32 to index
      %get3A_342 = arith.constant 0 : index
      %get3A_343 = vector.load %arg8[%get3A_341, %get3A_342] : memref<10000x64xf32, #tpu.memory_space<vmem>>, vector<8x64xf32>
      %add3A_344 = arith.addf %scan3A_211, %get3A_343 : vector<8x64xf32>
      %mul3A_345 = arith.constant 16 : i32
      %mul3A_346 = arith.muli %scan3A_198, %mul3A_345 : i32
      %add3A_347 = arith.constant 13 : i32
      %add3A_348 = arith.addi %mul3A_346, %add3A_347 : i32
      %mul3A_349 = arith.constant 8 : i32
      %mul3A_350 = arith.muli %add3A_348, %mul3A_349 : i32
      %get3A_351 = arith.index_cast %mul3A_350 : i32 to index
      %get3A_352 = arith.constant 0 : index
      %get3A_353 = vector.load %arg8[%get3A_351, %get3A_352] : memref<10000x64xf32, #tpu.memory_space<vmem>>, vector<8x64xf32>
      %add3A_354 = arith.addf %scan3A_212, %get3A_353 : vector<8x64xf32>
      %mul3A_355 = arith.constant 16 : i32
      %mul3A_356 = arith.muli %scan3A_198, %mul3A_355 : i32
      %add3A_357 = arith.constant 14 : i32
      %add3A_358 = arith.addi %mul3A_356, %add3A_357 : i32
      %mul3A_359 = arith.constant 8 : i32
      %mul3A_360 = arith.muli %add3A_358, %mul3A_359 : i32
      %get3A_361 = arith.index_cast %mul3A_360 : i32 to index
      %get3A_362 = arith.constant 0 : index
      %get3A_363 = vector.load %arg8[%get3A_361, %get3A_362] : memref<10000x64xf32, #tpu.memory_space<vmem>>, vector<8x64xf32>
      %add3A_364 = arith.addf %scan3A_213, %get3A_363 : vector<8x64xf32>
      %mul3A_365 = arith.constant 16 : i32
      %mul3A_366 = arith.muli %scan3A_198, %mul3A_365 : i32
      %add3A_367 = arith.constant 15 : i32
      %add3A_368 = arith.addi %mul3A_366, %add3A_367 : i32
      %mul3A_369 = arith.constant 8 : i32
      %mul3A_370 = arith.muli %add3A_368, %mul3A_369 : i32
      %get3A_371 = arith.index_cast %mul3A_370 : i32 to index
      %get3A_372 = arith.constant 0 : index
      %get3A_373 = vector.load %arg8[%get3A_371, %get3A_372] : memref<10000x64xf32, #tpu.memory_space<vmem>>, vector<8x64xf32>
      %add3A_374 = arith.addf %scan3A_214, %get3A_373 : vector<8x64xf32>
      scf.yield %add3A_224, %add3A_234, %add3A_244, %add3A_254, %add3A_264, %add3A_274, %add3A_284, %add3A_294, %add3A_304, %add3A_314, %add3A_324, %add3A_334, %add3A_344, %add3A_354, %add3A_364, %add3A_374 : vector<8x64xf32>, vector<8x64xf32>, vector<8x64xf32>, vector<8x64xf32>, vector<8x64xf32>, vector<8x64xf32>, vector<8x64xf32>, vector<8x64xf32>, vector<8x64xf32>, vector<8x64xf32>, vector<8x64xf32>, vector<8x64xf32>, vector<8x64xf32>, vector<8x64xf32>, vector<8x64xf32>, vector<8x64xf32>
    }
    %scan3A_57 = arith.constant 78 : i32
    %get3A_58 = arith.constant 9984 : index
    %get3A_59 = arith.constant 0 : index
    %get3A_60 = vector.load %arg8[%get3A_58, %get3A_59] : memref<10000x64xf32, #tpu.memory_space<vmem>>, vector<8x64xf32>
    %add3A_61 = arith.addf %scan3A_56#0, %get3A_60 : vector<8x64xf32>
    %get3A_62 = arith.constant 9992 : index
    %get3A_63 = arith.constant 0 : index
    %get3A_64 = vector.load %arg8[%get3A_62, %get3A_63] : memref<10000x64xf32, #tpu.memory_space<vmem>>, vector<8x64xf32>
    %add3A_65 = arith.addf %scan3A_56#1, %get3A_64 : vector<8x64xf32>
    %add3A_66 = arith.addf %add3A_61, %add3A_65 : vector<8x64xf32>
    %add3A_67 = arith.addf %add3A_66, %scan3A_56#2 : vector<8x64xf32>
    %add3A_68 = arith.addf %add3A_67, %scan3A_56#3 : vector<8x64xf32>
    %add3A_69 = arith.addf %add3A_68, %scan3A_56#4 : vector<8x64xf32>
    %add3A_70 = arith.addf %add3A_69, %scan3A_56#5 : vector<8x64xf32>
    %add3A_71 = arith.addf %add3A_70, %scan3A_56#6 : vector<8x64xf32>
    %add3A_72 = arith.addf %add3A_71, %scan3A_56#7 : vector<8x64xf32>
    %add3A_73 = arith.addf %add3A_72, %scan3A_56#8 : vector<8x64xf32>
    %add3A_74 = arith.addf %add3A_73, %scan3A_56#9 : vector<8x64xf32>
    %add3A_75 = arith.addf %add3A_74, %scan3A_56#10 : vector<8x64xf32>
    %add3A_76 = arith.addf %add3A_75, %scan3A_56#11 : vector<8x64xf32>
    %add3A_77 = arith.addf %add3A_76, %scan3A_56#12 : vector<8x64xf32>
    %add3A_78 = arith.addf %add3A_77, %scan3A_56#13 : vector<8x64xf32>
    %add3A_79 = arith.addf %add3A_78, %scan3A_56#14 : vector<8x64xf32>
    %add3A_80 = arith.addf %add3A_79, %scan3A_56#15 : vector<8x64xf32>
    %slice3A = vector.extract_strided_slice %add3A_80 {offsets = [0, 0], sizes = [4, 64], strides = [1, 1]} : vector<8x64xf32> to vector<4x64xf32>
    %slice3A_81 = vector.extract_strided_slice %add3A_80 {offsets = [4, 0], sizes = [4, 64], strides = [1, 1]} : vector<8x64xf32> to vector<4x64xf32>
    %add3A_82 = arith.addf %slice3A, %slice3A_81 : vector<4x64xf32>
    %slice3A_83 = vector.extract_strided_slice %add3A_82 {offsets = [0, 0], sizes = [2, 64], strides = [1, 1]} : vector<4x64xf32> to vector<2x64xf32>
    %slice3A_84 = vector.extract_strided_slice %add3A_82 {offsets = [2, 0], sizes = [2, 64], strides = [1, 1]} : vector<4x64xf32> to vector<2x64xf32>
    %add3A_85 = arith.addf %slice3A_83, %slice3A_84 : vector<2x64xf32>
    %slice3A_86 = vector.extract_strided_slice %add3A_85 {offsets = [0, 0], sizes = [1, 64], strides = [1, 1]} : vector<2x64xf32> to vector<1x64xf32>
    %slice3A_87 = vector.extract_strided_slice %add3A_85 {offsets = [1, 0], sizes = [1, 64], strides = [1, 1]} : vector<2x64xf32> to vector<1x64xf32>
    %add3A_88 = arith.addf %slice3A_86, %slice3A_87 : vector<1x64xf32>
    %mul3A_89 = arith.constant 9.99999974E-5 : f32
    %mul3A_90 = vector.broadcast %mul3A_89 : f32 to vector<1x64xf32>
    %mul3A_91 = arith.mulf %add3A_88, %mul3A_90 : vector<1x64xf32>
    %broadcast_in_dim3A_92 = arith.constant 0.000000e+00 : f32
    %broadcast_in_dim3A_93 = vector.broadcast %broadcast_in_dim3A_92 : f32 to vector<8x64xf32>
    %broadcast_in_dim3A_94 = arith.constant 0.000000e+00 : f32
    %broadcast_in_dim3A_95 = vector.broadcast %broadcast_in_dim3A_94 : f32 to vector<8x64xf32>
    %broadcast_in_dim3A_96 = arith.constant 0.000000e+00 : f32
    %broadcast_in_dim3A_97 = vector.broadcast %broadcast_in_dim3A_96 : f32 to vector<8x64xf32>
    %broadcast_in_dim3A_98 = arith.constant 0.000000e+00 : f32
    %broadcast_in_dim3A_99 = vector.broadcast %broadcast_in_dim3A_98 : f32 to vector<8x64xf32>
    %broadcast_in_dim3A_100 = arith.constant 0.000000e+00 : f32
    %broadcast_in_dim3A_101 = vector.broadcast %broadcast_in_dim3A_100 : f32 to vector<8x64xf32>
    %broadcast_in_dim3A_102 = arith.constant 0.000000e+00 : f32
    %broadcast_in_dim3A_103 = vector.broadcast %broadcast_in_dim3A_102 : f32 to vector<8x64xf32>
    %broadcast_in_dim3A_104 = arith.constant 0.000000e+00 : f32
    %broadcast_in_dim3A_105 = vector.broadcast %broadcast_in_dim3A_104 : f32 to vector<8x64xf32>
    %broadcast_in_dim3A_106 = arith.constant 0.000000e+00 : f32
    %broadcast_in_dim3A_107 = vector.broadcast %broadcast_in_dim3A_106 : f32 to vector<8x64xf32>
    %broadcast_in_dim3A_108 = arith.constant 0.000000e+00 : f32
    %broadcast_in_dim3A_109 = vector.broadcast %broadcast_in_dim3A_108 : f32 to vector<8x64xf32>
    %broadcast_in_dim3A_110 = arith.constant 0.000000e+00 : f32
    %broadcast_in_dim3A_111 = vector.broadcast %broadcast_in_dim3A_110 : f32 to vector<8x64xf32>
    %broadcast_in_dim3A_112 = arith.constant 0.000000e+00 : f32
    %broadcast_in_dim3A_113 = vector.broadcast %broadcast_in_dim3A_112 : f32 to vector<8x64xf32>
    %broadcast_in_dim3A_114 = arith.constant 0.000000e+00 : f32
    %broadcast_in_dim3A_115 = vector.broadcast %broadcast_in_dim3A_114 : f32 to vector<8x64xf32>
    %broadcast_in_dim3A_116 = arith.constant 0.000000e+00 : f32
    %broadcast_in_dim3A_117 = vector.broadcast %broadcast_in_dim3A_116 : f32 to vector<8x64xf32>
    %broadcast_in_dim3A_118 = arith.constant 0.000000e+00 : f32
    %broadcast_in_dim3A_119 = vector.broadcast %broadcast_in_dim3A_118 : f32 to vector<8x64xf32>
    %broadcast_in_dim3A_120 = arith.constant 0.000000e+00 : f32
    %broadcast_in_dim3A_121 = vector.broadcast %broadcast_in_dim3A_120 : f32 to vector<8x64xf32>
    %broadcast_in_dim3A_122 = arith.constant 0.000000e+00 : f32
    %broadcast_in_dim3A_123 = vector.broadcast %broadcast_in_dim3A_122 : f32 to vector<8x64xf32>
    %scan3A_124 = arith.constant 0 : i32
    %scan3A_125 = arith.constant 78 : i32
    %scan3A_126 = arith.addi %scan3A_124, %scan3A_125 : i32
    %scan3A_127 = arith.constant 1 : i32
    %scan3A_128:16 = scf.for %scan3A_198 = %scan3A_124 to %scan3A_126 step %scan3A_127 iter_args(%scan3A_199 = %broadcast_in_dim3A_93, %scan3A_200 = %broadcast_in_dim3A_95, %scan3A_201 = %broadcast_in_dim3A_97, %scan3A_202 = %broadcast_in_dim3A_99, %scan3A_203 = %broadcast_in_dim3A_101, %scan3A_204 = %broadcast_in_dim3A_103, %scan3A_205 = %broadcast_in_dim3A_105, %scan3A_206 = %broadcast_in_dim3A_107, %scan3A_207 = %broadcast_in_dim3A_109, %scan3A_208 = %broadcast_in_dim3A_111, %scan3A_209 = %broadcast_in_dim3A_113, %scan3A_210 = %broadcast_in_dim3A_115, %scan3A_211 = %broadcast_in_dim3A_117, %scan3A_212 = %broadcast_in_dim3A_119, %scan3A_213 = %broadcast_in_dim3A_121, %scan3A_214 = %broadcast_in_dim3A_123) -> (vector<8x64xf32>, vector<8x64xf32>, vector<8x64xf32>, vector<8x64xf32>, vector<8x64xf32>, vector<8x64xf32>, vector<8x64xf32>, vector<8x64xf32>, vector<8x64xf32>, vector<8x64xf32>, vector<8x64xf32>, vector<8x64xf32>, vector<8x64xf32>, vector<8x64xf32>, vector<8x64xf32>, vector<8x64xf32>)  : i32 {
      %mul3A_215 = arith.constant 16 : i32
      %mul3A_216 = arith.muli %scan3A_198, %mul3A_215 : i32
      %add3A_217 = arith.constant 0 : i32
      %add3A_218 = arith.addi %mul3A_216, %add3A_217 : i32
      %mul3A_219 = arith.constant 8 : i32
      %mul3A_220 = arith.muli %add3A_218, %mul3A_219 : i32
      %get3A_221 = arith.index_cast %mul3A_220 : i32 to index
      %get3A_222 = arith.constant 0 : index
      %get3A_223 = vector.load %arg8[%get3A_221, %get3A_222] : memref<10000x64xf32, #tpu.memory_space<vmem>>, vector<8x64xf32>
      %sub3A_224 = vector.broadcast %mul3A_91 : vector<1x64xf32> to vector<8x64xf32>
      %sub3A_225 = arith.subf %get3A_223, %sub3A_224 : vector<8x64xf32>
      %integer_pow3A_226 = arith.mulf %sub3A_225, %sub3A_225 : vector<8x64xf32>
      %add3A_227 = arith.addf %scan3A_199, %integer_pow3A_226 : vector<8x64xf32>
      %mul3A_228 = arith.constant 16 : i32
      %mul3A_229 = arith.muli %scan3A_198, %mul3A_228 : i32
      %add3A_230 = arith.constant 1 : i32
      %add3A_231 = arith.addi %mul3A_229, %add3A_230 : i32
      %mul3A_232 = arith.constant 8 : i32
      %mul3A_233 = arith.muli %add3A_231, %mul3A_232 : i32
      %get3A_234 = arith.index_cast %mul3A_233 : i32 to index
      %get3A_235 = arith.constant 0 : index
      %get3A_236 = vector.load %arg8[%get3A_234, %get3A_235] : memref<10000x64xf32, #tpu.memory_space<vmem>>, vector<8x64xf32>
      %sub3A_237 = vector.broadcast %mul3A_91 : vector<1x64xf32> to vector<8x64xf32>
      %sub3A_238 = arith.subf %get3A_236, %sub3A_237 : vector<8x64xf32>
      %integer_pow3A_239 = arith.mulf %sub3A_238, %sub3A_238 : vector<8x64xf32>
      %add3A_240 = arith.addf %scan3A_200, %integer_pow3A_239 : vector<8x64xf32>
      %mul3A_241 = arith.constant 16 : i32
      %mul3A_242 = arith.muli %scan3A_198, %mul3A_241 : i32
      %add3A_243 = arith.constant 2 : i32
      %add3A_244 = arith.addi %mul3A_242, %add3A_243 : i32
      %mul3A_245 = arith.constant 8 : i32
      %mul3A_246 = arith.muli %add3A_244, %mul3A_245 : i32
      %get3A_247 = arith.index_cast %mul3A_246 : i32 to index
      %get3A_248 = arith.constant 0 : index
      %get3A_249 = vector.load %arg8[%get3A_247, %get3A_248] : memref<10000x64xf32, #tpu.memory_space<vmem>>, vector<8x64xf32>
      %sub3A_250 = vector.broadcast %mul3A_91 : vector<1x64xf32> to vector<8x64xf32>
      %sub3A_251 = arith.subf %get3A_249, %sub3A_250 : vector<8x64xf32>
      %integer_pow3A_252 = arith.mulf %sub3A_251, %sub3A_251 : vector<8x64xf32>
      %add3A_253 = arith.addf %scan3A_201, %integer_pow3A_252 : vector<8x64xf32>
      %mul3A_254 = arith.constant 16 : i32
      %mul3A_255 = arith.muli %scan3A_198, %mul3A_254 : i32
      %add3A_256 = arith.constant 3 : i32
      %add3A_257 = arith.addi %mul3A_255, %add3A_256 : i32
      %mul3A_258 = arith.constant 8 : i32
      %mul3A_259 = arith.muli %add3A_257, %mul3A_258 : i32
      %get3A_260 = arith.index_cast %mul3A_259 : i32 to index
      %get3A_261 = arith.constant 0 : index
      %get3A_262 = vector.load %arg8[%get3A_260, %get3A_261] : memref<10000x64xf32, #tpu.memory_space<vmem>>, vector<8x64xf32>
      %sub3A_263 = vector.broadcast %mul3A_91 : vector<1x64xf32> to vector<8x64xf32>
      %sub3A_264 = arith.subf %get3A_262, %sub3A_263 : vector<8x64xf32>
      %integer_pow3A_265 = arith.mulf %sub3A_264, %sub3A_264 : vector<8x64xf32>
      %add3A_266 = arith.addf %scan3A_202, %integer_pow3A_265 : vector<8x64xf32>
      %mul3A_267 = arith.constant 16 : i32
      %mul3A_268 = arith.muli %scan3A_198, %mul3A_267 : i32
      %add3A_269 = arith.constant 4 : i32
      %add3A_270 = arith.addi %mul3A_268, %add3A_269 : i32
      %mul3A_271 = arith.constant 8 : i32
      %mul3A_272 = arith.muli %add3A_270, %mul3A_271 : i32
      %get3A_273 = arith.index_cast %mul3A_272 : i32 to index
      %get3A_274 = arith.constant 0 : index
      %get3A_275 = vector.load %arg8[%get3A_273, %get3A_274] : memref<10000x64xf32, #tpu.memory_space<vmem>>, vector<8x64xf32>
      %sub3A_276 = vector.broadcast %mul3A_91 : vector<1x64xf32> to vector<8x64xf32>
      %sub3A_277 = arith.subf %get3A_275, %sub3A_276 : vector<8x64xf32>
      %integer_pow3A_278 = arith.mulf %sub3A_277, %sub3A_277 : vector<8x64xf32>
      %add3A_279 = arith.addf %scan3A_203, %integer_pow3A_278 : vector<8x64xf32>
      %mul3A_280 = arith.constant 16 : i32
      %mul3A_281 = arith.muli %scan3A_198, %mul3A_280 : i32
      %add3A_282 = arith.constant 5 : i32
      %add3A_283 = arith.addi %mul3A_281, %add3A_282 : i32
      %mul3A_284 = arith.constant 8 : i32
      %mul3A_285 = arith.muli %add3A_283, %mul3A_284 : i32
      %get3A_286 = arith.index_cast %mul3A_285 : i32 to index
      %get3A_287 = arith.constant 0 : index
      %get3A_288 = vector.load %arg8[%get3A_286, %get3A_287] : memref<10000x64xf32, #tpu.memory_space<vmem>>, vector<8x64xf32>
      %sub3A_289 = vector.broadcast %mul3A_91 : vector<1x64xf32> to vector<8x64xf32>
      %sub3A_290 = arith.subf %get3A_288, %sub3A_289 : vector<8x64xf32>
      %integer_pow3A_291 = arith.mulf %sub3A_290, %sub3A_290 : vector<8x64xf32>
      %add3A_292 = arith.addf %scan3A_204, %integer_pow3A_291 : vector<8x64xf32>
      %mul3A_293 = arith.constant 16 : i32
      %mul3A_294 = arith.muli %scan3A_198, %mul3A_293 : i32
      %add3A_295 = arith.constant 6 : i32
      %add3A_296 = arith.addi %mul3A_294, %add3A_295 : i32
      %mul3A_297 = arith.constant 8 : i32
      %mul3A_298 = arith.muli %add3A_296, %mul3A_297 : i32
      %get3A_299 = arith.index_cast %mul3A_298 : i32 to index
      %get3A_300 = arith.constant 0 : index
      %get3A_301 = vector.load %arg8[%get3A_299, %get3A_300] : memref<10000x64xf32, #tpu.memory_space<vmem>>, vector<8x64xf32>
      %sub3A_302 = vector.broadcast %mul3A_91 : vector<1x64xf32> to vector<8x64xf32>
      %sub3A_303 = arith.subf %get3A_301, %sub3A_302 : vector<8x64xf32>
      %integer_pow3A_304 = arith.mulf %sub3A_303, %sub3A_303 : vector<8x64xf32>
      %add3A_305 = arith.addf %scan3A_205, %integer_pow3A_304 : vector<8x64xf32>
      %mul3A_306 = arith.constant 16 : i32
      %mul3A_307 = arith.muli %scan3A_198, %mul3A_306 : i32
      %add3A_308 = arith.constant 7 : i32
      %add3A_309 = arith.addi %mul3A_307, %add3A_308 : i32
      %mul3A_310 = arith.constant 8 : i32
      %mul3A_311 = arith.muli %add3A_309, %mul3A_310 : i32
      %get3A_312 = arith.index_cast %mul3A_311 : i32 to index
      %get3A_313 = arith.constant 0 : index
      %get3A_314 = vector.load %arg8[%get3A_312, %get3A_313] : memref<10000x64xf32, #tpu.memory_space<vmem>>, vector<8x64xf32>
      %sub3A_315 = vector.broadcast %mul3A_91 : vector<1x64xf32> to vector<8x64xf32>
      %sub3A_316 = arith.subf %get3A_314, %sub3A_315 : vector<8x64xf32>
      %integer_pow3A_317 = arith.mulf %sub3A_316, %sub3A_316 : vector<8x64xf32>
      %add3A_318 = arith.addf %scan3A_206, %integer_pow3A_317 : vector<8x64xf32>
      %mul3A_319 = arith.constant 16 : i32
      %mul3A_320 = arith.muli %scan3A_198, %mul3A_319 : i32
      %add3A_321 = arith.constant 8 : i32
      %add3A_322 = arith.addi %mul3A_320, %add3A_321 : i32
      %mul3A_323 = arith.constant 8 : i32
      %mul3A_324 = arith.muli %add3A_322, %mul3A_323 : i32
      %get3A_325 = arith.index_cast %mul3A_324 : i32 to index
      %get3A_326 = arith.constant 0 : index
      %get3A_327 = vector.load %arg8[%get3A_325, %get3A_326] : memref<10000x64xf32, #tpu.memory_space<vmem>>, vector<8x64xf32>
      %sub3A_328 = vector.broadcast %mul3A_91 : vector<1x64xf32> to vector<8x64xf32>
      %sub3A_329 = arith.subf %get3A_327, %sub3A_328 : vector<8x64xf32>
      %integer_pow3A_330 = arith.mulf %sub3A_329, %sub3A_329 : vector<8x64xf32>
      %add3A_331 = arith.addf %scan3A_207, %integer_pow3A_330 : vector<8x64xf32>
      %mul3A_332 = arith.constant 16 : i32
      %mul3A_333 = arith.muli %scan3A_198, %mul3A_332 : i32
      %add3A_334 = arith.constant 9 : i32
      %add3A_335 = arith.addi %mul3A_333, %add3A_334 : i32
      %mul3A_336 = arith.constant 8 : i32
      %mul3A_337 = arith.muli %add3A_335, %mul3A_336 : i32
      %get3A_338 = arith.index_cast %mul3A_337 : i32 to index
      %get3A_339 = arith.constant 0 : index
      %get3A_340 = vector.load %arg8[%get3A_338, %get3A_339] : memref<10000x64xf32, #tpu.memory_space<vmem>>, vector<8x64xf32>
      %sub3A_341 = vector.broadcast %mul3A_91 : vector<1x64xf32> to vector<8x64xf32>
      %sub3A_342 = arith.subf %get3A_340, %sub3A_341 : vector<8x64xf32>
      %integer_pow3A_343 = arith.mulf %sub3A_342, %sub3A_342 : vector<8x64xf32>
      %add3A_344 = arith.addf %scan3A_208, %integer_pow3A_343 : vector<8x64xf32>
      %mul3A_345 = arith.constant 16 : i32
      %mul3A_346 = arith.muli %scan3A_198, %mul3A_345 : i32
      %add3A_347 = arith.constant 10 : i32
      %add3A_348 = arith.addi %mul3A_346, %add3A_347 : i32
      %mul3A_349 = arith.constant 8 : i32
      %mul3A_350 = arith.muli %add3A_348, %mul3A_349 : i32
      %get3A_351 = arith.index_cast %mul3A_350 : i32 to index
      %get3A_352 = arith.constant 0 : index
      %get3A_353 = vector.load %arg8[%get3A_351, %get3A_352] : memref<10000x64xf32, #tpu.memory_space<vmem>>, vector<8x64xf32>
      %sub3A_354 = vector.broadcast %mul3A_91 : vector<1x64xf32> to vector<8x64xf32>
      %sub3A_355 = arith.subf %get3A_353, %sub3A_354 : vector<8x64xf32>
      %integer_pow3A_356 = arith.mulf %sub3A_355, %sub3A_355 : vector<8x64xf32>
      %add3A_357 = arith.addf %scan3A_209, %integer_pow3A_356 : vector<8x64xf32>
      %mul3A_358 = arith.constant 16 : i32
      %mul3A_359 = arith.muli %scan3A_198, %mul3A_358 : i32
      %add3A_360 = arith.constant 11 : i32
      %add3A_361 = arith.addi %mul3A_359, %add3A_360 : i32
      %mul3A_362 = arith.constant 8 : i32
      %mul3A_363 = arith.muli %add3A_361, %mul3A_362 : i32
      %get3A_364 = arith.index_cast %mul3A_363 : i32 to index
      %get3A_365 = arith.constant 0 : index
      %get3A_366 = vector.load %arg8[%get3A_364, %get3A_365] : memref<10000x64xf32, #tpu.memory_space<vmem>>, vector<8x64xf32>
      %sub3A_367 = vector.broadcast %mul3A_91 : vector<1x64xf32> to vector<8x64xf32>
      %sub3A_368 = arith.subf %get3A_366, %sub3A_367 : vector<8x64xf32>
      %integer_pow3A_369 = arith.mulf %sub3A_368, %sub3A_368 : vector<8x64xf32>
      %add3A_370 = arith.addf %scan3A_210, %integer_pow3A_369 : vector<8x64xf32>
      %mul3A_371 = arith.constant 16 : i32
      %mul3A_372 = arith.muli %scan3A_198, %mul3A_371 : i32
      %add3A_373 = arith.constant 12 : i32
      %add3A_374 = arith.addi %mul3A_372, %add3A_373 : i32
      %mul3A_375 = arith.constant 8 : i32
      %mul3A_376 = arith.muli %add3A_374, %mul3A_375 : i32
      %get3A_377 = arith.index_cast %mul3A_376 : i32 to index
      %get3A_378 = arith.constant 0 : index
      %get3A_379 = vector.load %arg8[%get3A_377, %get3A_378] : memref<10000x64xf32, #tpu.memory_space<vmem>>, vector<8x64xf32>
      %sub3A_380 = vector.broadcast %mul3A_91 : vector<1x64xf32> to vector<8x64xf32>
      %sub3A_381 = arith.subf %get3A_379, %sub3A_380 : vector<8x64xf32>
      %integer_pow3A_382 = arith.mulf %sub3A_381, %sub3A_381 : vector<8x64xf32>
      %add3A_383 = arith.addf %scan3A_211, %integer_pow3A_382 : vector<8x64xf32>
      %mul3A_384 = arith.constant 16 : i32
      %mul3A_385 = arith.muli %scan3A_198, %mul3A_384 : i32
      %add3A_386 = arith.constant 13 : i32
      %add3A_387 = arith.addi %mul3A_385, %add3A_386 : i32
      %mul3A_388 = arith.constant 8 : i32
      %mul3A_389 = arith.muli %add3A_387, %mul3A_388 : i32
      %get3A_390 = arith.index_cast %mul3A_389 : i32 to index
      %get3A_391 = arith.constant 0 : index
      %get3A_392 = vector.load %arg8[%get3A_390, %get3A_391] : memref<10000x64xf32, #tpu.memory_space<vmem>>, vector<8x64xf32>
      %sub3A_393 = vector.broadcast %mul3A_91 : vector<1x64xf32> to vector<8x64xf32>
      %sub3A_394 = arith.subf %get3A_392, %sub3A_393 : vector<8x64xf32>
      %integer_pow3A_395 = arith.mulf %sub3A_394, %sub3A_394 : vector<8x64xf32>
      %add3A_396 = arith.addf %scan3A_212, %integer_pow3A_395 : vector<8x64xf32>
      %mul3A_397 = arith.constant 16 : i32
      %mul3A_398 = arith.muli %scan3A_198, %mul3A_397 : i32
      %add3A_399 = arith.constant 14 : i32
      %add3A_400 = arith.addi %mul3A_398, %add3A_399 : i32
      %mul3A_401 = arith.constant 8 : i32
      %mul3A_402 = arith.muli %add3A_400, %mul3A_401 : i32
      %get3A_403 = arith.index_cast %mul3A_402 : i32 to index
      %get3A_404 = arith.constant 0 : index
      %get3A_405 = vector.load %arg8[%get3A_403, %get3A_404] : memref<10000x64xf32, #tpu.memory_space<vmem>>, vector<8x64xf32>
      %sub3A_406 = vector.broadcast %mul3A_91 : vector<1x64xf32> to vector<8x64xf32>
      %sub3A_407 = arith.subf %get3A_405, %sub3A_406 : vector<8x64xf32>
      %integer_pow3A_408 = arith.mulf %sub3A_407, %sub3A_407 : vector<8x64xf32>
      %add3A_409 = arith.addf %scan3A_213, %integer_pow3A_408 : vector<8x64xf32>
      %mul3A_410 = arith.constant 16 : i32
      %mul3A_411 = arith.muli %scan3A_198, %mul3A_410 : i32
      %add3A_412 = arith.constant 15 : i32
      %add3A_413 = arith.addi %mul3A_411, %add3A_412 : i32
      %mul3A_414 = arith.constant 8 : i32
      %mul3A_415 = arith.muli %add3A_413, %mul3A_414 : i32
      %get3A_416 = arith.index_cast %mul3A_415 : i32 to index
      %get3A_417 = arith.constant 0 : index
      %get3A_418 = vector.load %arg8[%get3A_416, %get3A_417] : memref<10000x64xf32, #tpu.memory_space<vmem>>, vector<8x64xf32>
      %sub3A_419 = vector.broadcast %mul3A_91 : vector<1x64xf32> to vector<8x64xf32>
      %sub3A_420 = arith.subf %get3A_418, %sub3A_419 : vector<8x64xf32>
      %integer_pow3A_421 = arith.mulf %sub3A_420, %sub3A_420 : vector<8x64xf32>
      %add3A_422 = arith.addf %scan3A_214, %integer_pow3A_421 : vector<8x64xf32>
      scf.yield %add3A_227, %add3A_240, %add3A_253, %add3A_266, %add3A_279, %add3A_292, %add3A_305, %add3A_318, %add3A_331, %add3A_344, %add3A_357, %add3A_370, %add3A_383, %add3A_396, %add3A_409, %add3A_422 : vector<8x64xf32>, vector<8x64xf32>, vector<8x64xf32>, vector<8x64xf32>, vector<8x64xf32>, vector<8x64xf32>, vector<8x64xf32>, vector<8x64xf32>, vector<8x64xf32>, vector<8x64xf32>, vector<8x64xf32>, vector<8x64xf32>, vector<8x64xf32>, vector<8x64xf32>, vector<8x64xf32>, vector<8x64xf32>
    }
    %scan3A_129 = arith.constant 78 : i32
    %get3A_130 = arith.constant 9984 : index
    %get3A_131 = arith.constant 0 : index
    %get3A_132 = vector.load %arg8[%get3A_130, %get3A_131] : memref<10000x64xf32, #tpu.memory_space<vmem>>, vector<8x64xf32>
    %sub3A = vector.broadcast %mul3A_91 : vector<1x64xf32> to vector<8x64xf32>
    %sub3A_133 = arith.subf %get3A_132, %sub3A : vector<8x64xf32>
    %integer_pow3A = arith.mulf %sub3A_133, %sub3A_133 : vector<8x64xf32>
    %add3A_134 = arith.addf %scan3A_128#0, %integer_pow3A : vector<8x64xf32>
    %get3A_135 = arith.constant 9992 : index
    %get3A_136 = arith.constant 0 : index
    %get3A_137 = vector.load %arg8[%get3A_135, %get3A_136] : memref<10000x64xf32, #tpu.memory_space<vmem>>, vector<8x64xf32>
    %sub3A_138 = vector.broadcast %mul3A_91 : vector<1x64xf32> to vector<8x64xf32>
    %sub3A_139 = arith.subf %get3A_137, %sub3A_138 : vector<8x64xf32>
    %integer_pow3A_140 = arith.mulf %sub3A_139, %sub3A_139 : vector<8x64xf32>
    %add3A_141 = arith.addf %scan3A_128#1, %integer_pow3A_140 : vector<8x64xf32>
    %add3A_142 = arith.addf %add3A_134, %add3A_141 : vector<8x64xf32>
    %add3A_143 = arith.addf %add3A_142, %scan3A_128#2 : vector<8x64xf32>
    %add3A_144 = arith.addf %add3A_143, %scan3A_128#3 : vector<8x64xf32>
    %add3A_145 = arith.addf %add3A_144, %scan3A_128#4 : vector<8x64xf32>
    %add3A_146 = arith.addf %add3A_145, %scan3A_128#5 : vector<8x64xf32>
    %add3A_147 = arith.addf %add3A_146, %scan3A_128#6 : vector<8x64xf32>
    %add3A_148 = arith.addf %add3A_147, %scan3A_128#7 : vector<8x64xf32>
    %add3A_149 = arith.addf %add3A_148, %scan3A_128#8 : vector<8x64xf32>
    %add3A_150 = arith.addf %add3A_149, %scan3A_128#9 : vector<8x64xf32>
    %add3A_151 = arith.addf %add3A_150, %scan3A_128#10 : vector<8x64xf32>
    %add3A_152 = arith.addf %add3A_151, %scan3A_128#11 : vector<8x64xf32>
    %add3A_153 = arith.addf %add3A_152, %scan3A_128#12 : vector<8x64xf32>
    %add3A_154 = arith.addf %add3A_153, %scan3A_128#13 : vector<8x64xf32>
    %add3A_155 = arith.addf %add3A_154, %scan3A_128#14 : vector<8x64xf32>
    %add3A_156 = arith.addf %add3A_155, %scan3A_128#15 : vector<8x64xf32>
    %slice3A_157 = vector.extract_strided_slice %add3A_156 {offsets = [0, 0], sizes = [4, 64], strides = [1, 1]} : vector<8x64xf32> to vector<4x64xf32>
    %slice3A_158 = vector.extract_strided_slice %add3A_156 {offsets = [4, 0], sizes = [4, 64], strides = [1, 1]} : vector<8x64xf32> to vector<4x64xf32>
    %add3A_159 = arith.addf %slice3A_157, %slice3A_158 : vector<4x64xf32>
    %slice3A_160 = vector.extract_strided_slice %add3A_159 {offsets = [0, 0], sizes = [2, 64], strides = [1, 1]} : vector<4x64xf32> to vector<2x64xf32>
    %slice3A_161 = vector.extract_strided_slice %add3A_159 {offsets = [2, 0], sizes = [2, 64], strides = [1, 1]} : vector<4x64xf32> to vector<2x64xf32>
    %add3A_162 = arith.addf %slice3A_160, %slice3A_161 : vector<2x64xf32>
    %slice3A_163 = vector.extract_strided_slice %add3A_162 {offsets = [0, 0], sizes = [1, 64], strides = [1, 1]} : vector<2x64xf32> to vector<1x64xf32>
    %slice3A_164 = vector.extract_strided_slice %add3A_162 {offsets = [1, 0], sizes = [1, 64], strides = [1, 1]} : vector<2x64xf32> to vector<1x64xf32>
    %add3A_165 = arith.addf %slice3A_163, %slice3A_164 : vector<1x64xf32>
    %mul3A_166 = arith.constant 9.99999974E-5 : f32
    %mul3A_167 = vector.broadcast %mul3A_166 : f32 to vector<1x64xf32>
    %mul3A_168 = arith.mulf %add3A_165, %mul3A_167 : vector<1x64xf32>
    %get3A_169 = arith.constant 0 : index
    %get3A_170 = arith.constant 0 : index
    %get3A_171 = vector.load %arg8[%get3A_169, %get3A_170] : memref<10000x64xf32, #tpu.memory_space<vmem>>, vector<10000x64xf32>
    %sub3A_172 = vector.broadcast %mul3A_91 : vector<1x64xf32> to vector<10000x64xf32>
    %sub3A_173 = arith.subf %get3A_171, %sub3A_172 : vector<10000x64xf32>
    %add3A_174 = arith.constant 9.99999974E-6 : f32
    %add3A_175 = vector.broadcast %add3A_174 : f32 to vector<1x64xf32>
    %add3A_176 = arith.addf %mul3A_168, %add3A_175 : vector<1x64xf32>
    %rsqrt3A = math.rsqrt %add3A_176 : vector<1x64xf32>
    %mul3A_177 = vector.broadcast %rsqrt3A : vector<1x64xf32> to vector<10000x64xf32>
    %mul3A_178 = arith.mulf %sub3A_173, %mul3A_177 : vector<10000x64xf32>
    %get3A_179 = arith.constant 0 : index
    %get3A_180 = arith.constant 0 : index
    %get3A_181 = vector.load %arg4[%get3A_179, %get3A_180] : memref<1x64xf32, #tpu.memory_space<vmem>>, vector<1x64xf32>
    %mul3A_182 = vector.broadcast %get3A_181 : vector<1x64xf32> to vector<10000x64xf32>
    %mul3A_183 = arith.mulf %mul3A_178, %mul3A_182 : vector<10000x64xf32>
    %get3A_184 = arith.constant 0 : index
    %get3A_185 = arith.constant 0 : index
    %get3A_186 = vector.load %arg5[%get3A_184, %get3A_185] : memref<1x64xf32, #tpu.memory_space<vmem>>, vector<1x64xf32>
    %add3A_187 = vector.broadcast %get3A_186 : vector<1x64xf32> to vector<10000x64xf32>
    %add3A_188 = arith.addf %mul3A_183, %add3A_187 : vector<10000x64xf32>
    %get3A_189 = arith.constant 0 : index
    %get3A_190 = arith.constant 0 : index
    %get3A_191 = vector.load %arg6[%get3A_189, %get3A_190] : memref<64x64xf32, #tpu.memory_space<vmem>>, vector<64x64xf32>
    %dot_general3A = arith.constant dense<0.000000e+00> : vector<10000x64xf32>
    %dot_general3A_192 = tpu.matmul %add3A_188, %get3A_191, %dot_general3A {dimension_numbers = #tpu.dot_dimension_numbers<[1], [0], [0], [1], [0, 0, 1, 1], [], []>, transpose_lhs_hint = false} : vector<10000x64xf32>, vector<64x64xf32>, vector<10000x64xf32> -> vector<10000x64xf32>
    %mul3A_193 = vector.broadcast %get3A_1 : vector<10000x1xf32> to vector<10000x64xf32>
    %mul3A_194 = arith.mulf %dot_general3A_192, %mul3A_193 : vector<10000x64xf32>
    %swap3A_195 = arith.constant 0 : index
    %swap3A_196 = arith.constant 0 : index
    %swap3A_197 = vector.load %arg7[%swap3A_195, %swap3A_196] : memref<10000x64xf32, #tpu.memory_space<vmem>>, vector<10000x64xf32>
    tpu.vector_store %arg7[%swap3A_195, %swap3A_196], %mul3A_194 {strides = array<i32>} : memref<10000x64xf32, #tpu.memory_space<vmem>>, vector<10000x64xf32>,
    return
  }
}

module attributes {stable_mosaic.version = 14 : i64} {
  func.func @_tc3_body(%arg0: memref<20480x64xf32, #tpu.memory_space<vmem>>, %arg1: memref<10000x64xf32, #tpu.memory_space<vmem>>, %arg2: memref<10000x1xf32, #tpu.memory_space<vmem>>, %arg3: memref<1x64xf32, #tpu.memory_space<vmem>>, %arg4: memref<1x64xf32, #tpu.memory_space<vmem>>, %arg5: memref<1x64xf32, #tpu.memory_space<vmem>>, %arg6: memref<64x128xf32, #tpu.memory_space<vmem>>, %arg7: memref<1x128xf32, #tpu.memory_space<vmem>>, %arg8: memref<128x64xf32, #tpu.memory_space<vmem>>, %arg9: memref<1x64xf32, #tpu.memory_space<vmem>>, %arg10: memref<64x32xf32, #tpu.memory_space<vmem>>, %arg11: memref<1x32xf32, #tpu.memory_space<vmem>>, %arg12: memref<32x16xf32, #tpu.memory_space<vmem>>, %arg13: memref<1x16xf32, #tpu.memory_space<vmem>>, %arg14: memref<16x2xf32, #tpu.memory_space<vmem>>, %arg15: memref<1x2xf32, #tpu.memory_space<vmem>>, %arg16: memref<1x2xf32, #tpu.memory_space<vmem>>, %arg17: memref<10000x64xf32, #tpu.memory_space<vmem>>) attributes {dimension_semantics = [], scalar_prefetch = 0 : i64, scratch_operands = 1 : i64, tpu.core_type = #tpu.core_type<tc>} {
    %get3A = arith.constant 0 : index
    %get3A_0 = arith.constant 0 : index
    %get3A_1 = vector.load %arg2[%get3A, %get3A_0] : memref<10000x1xf32, #tpu.memory_space<vmem>>, vector<10000x1xf32>
    %get3A_2 = arith.constant 0 : index
    %get3A_3 = arith.constant 0 : index
    %get3A_4 = vector.load %arg0[%get3A_2, %get3A_3] : memref<20480x64xf32, #tpu.memory_space<vmem>>, vector<10000x64xf32>
    %get3A_5 = arith.constant 10240 : index
    %get3A_6 = arith.constant 0 : index
    %get3A_7 = vector.load %arg0[%get3A_5, %get3A_6] : memref<20480x64xf32, #tpu.memory_space<vmem>>, vector<10000x64xf32>
    %add3A = arith.addf %get3A_4, %get3A_7 : vector<10000x64xf32>
    %get3A_8 = arith.constant 0 : index
    %get3A_9 = arith.constant 0 : index
    %get3A_10 = vector.load %arg1[%get3A_8, %get3A_9] : memref<10000x64xf32, #tpu.memory_space<vmem>>, vector<10000x64xf32>
    %add3A_11 = arith.addf %add3A, %get3A_10 : vector<10000x64xf32>
    %mul3A = vector.broadcast %get3A_1 : vector<10000x1xf32> to vector<10000x64xf32>
    %mul3A_12 = arith.mulf %mul3A, %add3A_11 : vector<10000x64xf32>
    %get3A_13 = arith.constant 0 : index
    %get3A_14 = arith.constant 0 : index
    %get3A_15 = vector.load %arg3[%get3A_13, %get3A_14] : memref<1x64xf32, #tpu.memory_space<vmem>>, vector<1x64xf32>
    %add3A_16 = vector.broadcast %get3A_15 : vector<1x64xf32> to vector<10000x64xf32>
    %add3A_17 = arith.addf %mul3A_12, %add3A_16 : vector<10000x64xf32>
    %max3A = arith.constant 0.000000e+00 : f32
    %max3A_18 = vector.broadcast %max3A : f32 to vector<10000x64xf32>
    %max3A_19 = arith.maximumf %add3A_17, %max3A_18 : vector<10000x64xf32>
    %swap3A = arith.constant 0 : index
    %swap3A_20 = arith.constant 0 : index
    %swap3A_21 = vector.load %arg17[%swap3A, %swap3A_20] : memref<10000x64xf32, #tpu.memory_space<vmem>>, vector<10000x64xf32>
    tpu.vector_store %arg17[%swap3A, %swap3A_20], %max3A_19 {strides = array<i32>} : memref<10000x64xf32, #tpu.memory_space<vmem>>, vector<10000x64xf32>,
    %broadcast_in_dim3A = arith.constant 0.000000e+00 : f32
    %broadcast_in_dim3A_22 = vector.broadcast %broadcast_in_dim3A : f32 to vector<8x64xf32>
    %broadcast_in_dim3A_23 = arith.constant 0.000000e+00 : f32
    %broadcast_in_dim3A_24 = vector.broadcast %broadcast_in_dim3A_23 : f32 to vector<8x64xf32>
    %broadcast_in_dim3A_25 = arith.constant 0.000000e+00 : f32
    %broadcast_in_dim3A_26 = vector.broadcast %broadcast_in_dim3A_25 : f32 to vector<8x64xf32>
    %broadcast_in_dim3A_27 = arith.constant 0.000000e+00 : f32
    %broadcast_in_dim3A_28 = vector.broadcast %broadcast_in_dim3A_27 : f32 to vector<8x64xf32>
    %broadcast_in_dim3A_29 = arith.constant 0.000000e+00 : f32
    %broadcast_in_dim3A_30 = vector.broadcast %broadcast_in_dim3A_29 : f32 to vector<8x64xf32>
    %broadcast_in_dim3A_31 = arith.constant 0.000000e+00 : f32
    %broadcast_in_dim3A_32 = vector.broadcast %broadcast_in_dim3A_31 : f32 to vector<8x64xf32>
    %broadcast_in_dim3A_33 = arith.constant 0.000000e+00 : f32
    %broadcast_in_dim3A_34 = vector.broadcast %broadcast_in_dim3A_33 : f32 to vector<8x64xf32>
    %broadcast_in_dim3A_35 = arith.constant 0.000000e+00 : f32
    %broadcast_in_dim3A_36 = vector.broadcast %broadcast_in_dim3A_35 : f32 to vector<8x64xf32>
    %broadcast_in_dim3A_37 = arith.constant 0.000000e+00 : f32
    %broadcast_in_dim3A_38 = vector.broadcast %broadcast_in_dim3A_37 : f32 to vector<8x64xf32>
    %broadcast_in_dim3A_39 = arith.constant 0.000000e+00 : f32
    %broadcast_in_dim3A_40 = vector.broadcast %broadcast_in_dim3A_39 : f32 to vector<8x64xf32>
    %broadcast_in_dim3A_41 = arith.constant 0.000000e+00 : f32
    %broadcast_in_dim3A_42 = vector.broadcast %broadcast_in_dim3A_41 : f32 to vector<8x64xf32>
    %broadcast_in_dim3A_43 = arith.constant 0.000000e+00 : f32
    %broadcast_in_dim3A_44 = vector.broadcast %broadcast_in_dim3A_43 : f32 to vector<8x64xf32>
    %broadcast_in_dim3A_45 = arith.constant 0.000000e+00 : f32
    %broadcast_in_dim3A_46 = vector.broadcast %broadcast_in_dim3A_45 : f32 to vector<8x64xf32>
    %broadcast_in_dim3A_47 = arith.constant 0.000000e+00 : f32
    %broadcast_in_dim3A_48 = vector.broadcast %broadcast_in_dim3A_47 : f32 to vector<8x64xf32>
    %broadcast_in_dim3A_49 = arith.constant 0.000000e+00 : f32
    %broadcast_in_dim3A_50 = vector.broadcast %broadcast_in_dim3A_49 : f32 to vector<8x64xf32>
    %broadcast_in_dim3A_51 = arith.constant 0.000000e+00 : f32
    %broadcast_in_dim3A_52 = vector.broadcast %broadcast_in_dim3A_51 : f32 to vector<8x64xf32>
    %scan3A = arith.constant 0 : i32
    %scan3A_53 = arith.constant 78 : i32
    %scan3A_54 = arith.addi %scan3A, %scan3A_53 : i32
    %scan3A_55 = arith.constant 1 : i32
    %scan3A_56:16 = scf.for %scan3A_324 = %scan3A to %scan3A_54 step %scan3A_55 iter_args(%scan3A_325 = %broadcast_in_dim3A_22, %scan3A_326 = %broadcast_in_dim3A_24, %scan3A_327 = %broadcast_in_dim3A_26, %scan3A_328 = %broadcast_in_dim3A_28, %scan3A_329 = %broadcast_in_dim3A_30, %scan3A_330 = %broadcast_in_dim3A_32, %scan3A_331 = %broadcast_in_dim3A_34, %scan3A_332 = %broadcast_in_dim3A_36, %scan3A_333 = %broadcast_in_dim3A_38, %scan3A_334 = %broadcast_in_dim3A_40, %scan3A_335 = %broadcast_in_dim3A_42, %scan3A_336 = %broadcast_in_dim3A_44, %scan3A_337 = %broadcast_in_dim3A_46, %scan3A_338 = %broadcast_in_dim3A_48, %scan3A_339 = %broadcast_in_dim3A_50, %scan3A_340 = %broadcast_in_dim3A_52) -> (vector<8x64xf32>, vector<8x64xf32>, vector<8x64xf32>, vector<8x64xf32>, vector<8x64xf32>, vector<8x64xf32>, vector<8x64xf32>, vector<8x64xf32>, vector<8x64xf32>, vector<8x64xf32>, vector<8x64xf32>, vector<8x64xf32>, vector<8x64xf32>, vector<8x64xf32>, vector<8x64xf32>, vector<8x64xf32>)  : i32 {
      %mul3A_341 = arith.constant 16 : i32
      %mul3A_342 = arith.muli %scan3A_324, %mul3A_341 : i32
      %add3A_343 = arith.constant 0 : i32
      %add3A_344 = arith.addi %mul3A_342, %add3A_343 : i32
      %mul3A_345 = arith.constant 8 : i32
      %mul3A_346 = arith.muli %add3A_344, %mul3A_345 : i32
      %get3A_347 = arith.index_cast %mul3A_346 : i32 to index
      %get3A_348 = arith.constant 0 : index
      %get3A_349 = vector.load %arg17[%get3A_347, %get3A_348] : memref<10000x64xf32, #tpu.memory_space<vmem>>, vector<8x64xf32>
      %add3A_350 = arith.addf %scan3A_325, %get3A_349 : vector<8x64xf32>
      %mul3A_351 = arith.constant 16 : i32
      %mul3A_352 = arith.muli %scan3A_324, %mul3A_351 : i32
      %add3A_353 = arith.constant 1 : i32
      %add3A_354 = arith.addi %mul3A_352, %add3A_353 : i32
      %mul3A_355 = arith.constant 8 : i32
      %mul3A_356 = arith.muli %add3A_354, %mul3A_355 : i32
      %get3A_357 = arith.index_cast %mul3A_356 : i32 to index
      %get3A_358 = arith.constant 0 : index
      %get3A_359 = vector.load %arg17[%get3A_357, %get3A_358] : memref<10000x64xf32, #tpu.memory_space<vmem>>, vector<8x64xf32>
      %add3A_360 = arith.addf %scan3A_326, %get3A_359 : vector<8x64xf32>
      %mul3A_361 = arith.constant 16 : i32
      %mul3A_362 = arith.muli %scan3A_324, %mul3A_361 : i32
      %add3A_363 = arith.constant 2 : i32
      %add3A_364 = arith.addi %mul3A_362, %add3A_363 : i32
      %mul3A_365 = arith.constant 8 : i32
      %mul3A_366 = arith.muli %add3A_364, %mul3A_365 : i32
      %get3A_367 = arith.index_cast %mul3A_366 : i32 to index
      %get3A_368 = arith.constant 0 : index
      %get3A_369 = vector.load %arg17[%get3A_367, %get3A_368] : memref<10000x64xf32, #tpu.memory_space<vmem>>, vector<8x64xf32>
      %add3A_370 = arith.addf %scan3A_327, %get3A_369 : vector<8x64xf32>
      %mul3A_371 = arith.constant 16 : i32
      %mul3A_372 = arith.muli %scan3A_324, %mul3A_371 : i32
      %add3A_373 = arith.constant 3 : i32
      %add3A_374 = arith.addi %mul3A_372, %add3A_373 : i32
      %mul3A_375 = arith.constant 8 : i32
      %mul3A_376 = arith.muli %add3A_374, %mul3A_375 : i32
      %get3A_377 = arith.index_cast %mul3A_376 : i32 to index
      %get3A_378 = arith.constant 0 : index
      %get3A_379 = vector.load %arg17[%get3A_377, %get3A_378] : memref<10000x64xf32, #tpu.memory_space<vmem>>, vector<8x64xf32>
      %add3A_380 = arith.addf %scan3A_328, %get3A_379 : vector<8x64xf32>
      %mul3A_381 = arith.constant 16 : i32
      %mul3A_382 = arith.muli %scan3A_324, %mul3A_381 : i32
      %add3A_383 = arith.constant 4 : i32
      %add3A_384 = arith.addi %mul3A_382, %add3A_383 : i32
      %mul3A_385 = arith.constant 8 : i32
      %mul3A_386 = arith.muli %add3A_384, %mul3A_385 : i32
      %get3A_387 = arith.index_cast %mul3A_386 : i32 to index
      %get3A_388 = arith.constant 0 : index
      %get3A_389 = vector.load %arg17[%get3A_387, %get3A_388] : memref<10000x64xf32, #tpu.memory_space<vmem>>, vector<8x64xf32>
      %add3A_390 = arith.addf %scan3A_329, %get3A_389 : vector<8x64xf32>
      %mul3A_391 = arith.constant 16 : i32
      %mul3A_392 = arith.muli %scan3A_324, %mul3A_391 : i32
      %add3A_393 = arith.constant 5 : i32
      %add3A_394 = arith.addi %mul3A_392, %add3A_393 : i32
      %mul3A_395 = arith.constant 8 : i32
      %mul3A_396 = arith.muli %add3A_394, %mul3A_395 : i32
      %get3A_397 = arith.index_cast %mul3A_396 : i32 to index
      %get3A_398 = arith.constant 0 : index
      %get3A_399 = vector.load %arg17[%get3A_397, %get3A_398] : memref<10000x64xf32, #tpu.memory_space<vmem>>, vector<8x64xf32>
      %add3A_400 = arith.addf %scan3A_330, %get3A_399 : vector<8x64xf32>
      %mul3A_401 = arith.constant 16 : i32
      %mul3A_402 = arith.muli %scan3A_324, %mul3A_401 : i32
      %add3A_403 = arith.constant 6 : i32
      %add3A_404 = arith.addi %mul3A_402, %add3A_403 : i32
      %mul3A_405 = arith.constant 8 : i32
      %mul3A_406 = arith.muli %add3A_404, %mul3A_405 : i32
      %get3A_407 = arith.index_cast %mul3A_406 : i32 to index
      %get3A_408 = arith.constant 0 : index
      %get3A_409 = vector.load %arg17[%get3A_407, %get3A_408] : memref<10000x64xf32, #tpu.memory_space<vmem>>, vector<8x64xf32>
      %add3A_410 = arith.addf %scan3A_331, %get3A_409 : vector<8x64xf32>
      %mul3A_411 = arith.constant 16 : i32
      %mul3A_412 = arith.muli %scan3A_324, %mul3A_411 : i32
      %add3A_413 = arith.constant 7 : i32
      %add3A_414 = arith.addi %mul3A_412, %add3A_413 : i32
      %mul3A_415 = arith.constant 8 : i32
      %mul3A_416 = arith.muli %add3A_414, %mul3A_415 : i32
      %get3A_417 = arith.index_cast %mul3A_416 : i32 to index
      %get3A_418 = arith.constant 0 : index
      %get3A_419 = vector.load %arg17[%get3A_417, %get3A_418] : memref<10000x64xf32, #tpu.memory_space<vmem>>, vector<8x64xf32>
      %add3A_420 = arith.addf %scan3A_332, %get3A_419 : vector<8x64xf32>
      %mul3A_421 = arith.constant 16 : i32
      %mul3A_422 = arith.muli %scan3A_324, %mul3A_421 : i32
      %add3A_423 = arith.constant 8 : i32
      %add3A_424 = arith.addi %mul3A_422, %add3A_423 : i32
      %mul3A_425 = arith.constant 8 : i32
      %mul3A_426 = arith.muli %add3A_424, %mul3A_425 : i32
      %get3A_427 = arith.index_cast %mul3A_426 : i32 to index
      %get3A_428 = arith.constant 0 : index
      %get3A_429 = vector.load %arg17[%get3A_427, %get3A_428] : memref<10000x64xf32, #tpu.memory_space<vmem>>, vector<8x64xf32>
      %add3A_430 = arith.addf %scan3A_333, %get3A_429 : vector<8x64xf32>
      %mul3A_431 = arith.constant 16 : i32
      %mul3A_432 = arith.muli %scan3A_324, %mul3A_431 : i32
      %add3A_433 = arith.constant 9 : i32
      %add3A_434 = arith.addi %mul3A_432, %add3A_433 : i32
      %mul3A_435 = arith.constant 8 : i32
      %mul3A_436 = arith.muli %add3A_434, %mul3A_435 : i32
      %get3A_437 = arith.index_cast %mul3A_436 : i32 to index
      %get3A_438 = arith.constant 0 : index
      %get3A_439 = vector.load %arg17[%get3A_437, %get3A_438] : memref<10000x64xf32, #tpu.memory_space<vmem>>, vector<8x64xf32>
      %add3A_440 = arith.addf %scan3A_334, %get3A_439 : vector<8x64xf32>
      %mul3A_441 = arith.constant 16 : i32
      %mul3A_442 = arith.muli %scan3A_324, %mul3A_441 : i32
      %add3A_443 = arith.constant 10 : i32
      %add3A_444 = arith.addi %mul3A_442, %add3A_443 : i32
      %mul3A_445 = arith.constant 8 : i32
      %mul3A_446 = arith.muli %add3A_444, %mul3A_445 : i32
      %get3A_447 = arith.index_cast %mul3A_446 : i32 to index
      %get3A_448 = arith.constant 0 : index
      %get3A_449 = vector.load %arg17[%get3A_447, %get3A_448] : memref<10000x64xf32, #tpu.memory_space<vmem>>, vector<8x64xf32>
      %add3A_450 = arith.addf %scan3A_335, %get3A_449 : vector<8x64xf32>
      %mul3A_451 = arith.constant 16 : i32
      %mul3A_452 = arith.muli %scan3A_324, %mul3A_451 : i32
      %add3A_453 = arith.constant 11 : i32
      %add3A_454 = arith.addi %mul3A_452, %add3A_453 : i32
      %mul3A_455 = arith.constant 8 : i32
      %mul3A_456 = arith.muli %add3A_454, %mul3A_455 : i32
      %get3A_457 = arith.index_cast %mul3A_456 : i32 to index
      %get3A_458 = arith.constant 0 : index
      %get3A_459 = vector.load %arg17[%get3A_457, %get3A_458] : memref<10000x64xf32, #tpu.memory_space<vmem>>, vector<8x64xf32>
      %add3A_460 = arith.addf %scan3A_336, %get3A_459 : vector<8x64xf32>
      %mul3A_461 = arith.constant 16 : i32
      %mul3A_462 = arith.muli %scan3A_324, %mul3A_461 : i32
      %add3A_463 = arith.constant 12 : i32
      %add3A_464 = arith.addi %mul3A_462, %add3A_463 : i32
      %mul3A_465 = arith.constant 8 : i32
      %mul3A_466 = arith.muli %add3A_464, %mul3A_465 : i32
      %get3A_467 = arith.index_cast %mul3A_466 : i32 to index
      %get3A_468 = arith.constant 0 : index
      %get3A_469 = vector.load %arg17[%get3A_467, %get3A_468] : memref<10000x64xf32, #tpu.memory_space<vmem>>, vector<8x64xf32>
      %add3A_470 = arith.addf %scan3A_337, %get3A_469 : vector<8x64xf32>
      %mul3A_471 = arith.constant 16 : i32
      %mul3A_472 = arith.muli %scan3A_324, %mul3A_471 : i32
      %add3A_473 = arith.constant 13 : i32
      %add3A_474 = arith.addi %mul3A_472, %add3A_473 : i32
      %mul3A_475 = arith.constant 8 : i32
      %mul3A_476 = arith.muli %add3A_474, %mul3A_475 : i32
      %get3A_477 = arith.index_cast %mul3A_476 : i32 to index
      %get3A_478 = arith.constant 0 : index
      %get3A_479 = vector.load %arg17[%get3A_477, %get3A_478] : memref<10000x64xf32, #tpu.memory_space<vmem>>, vector<8x64xf32>
      %add3A_480 = arith.addf %scan3A_338, %get3A_479 : vector<8x64xf32>
      %mul3A_481 = arith.constant 16 : i32
      %mul3A_482 = arith.muli %scan3A_324, %mul3A_481 : i32
      %add3A_483 = arith.constant 14 : i32
      %add3A_484 = arith.addi %mul3A_482, %add3A_483 : i32
      %mul3A_485 = arith.constant 8 : i32
      %mul3A_486 = arith.muli %add3A_484, %mul3A_485 : i32
      %get3A_487 = arith.index_cast %mul3A_486 : i32 to index
      %get3A_488 = arith.constant 0 : index
      %get3A_489 = vector.load %arg17[%get3A_487, %get3A_488] : memref<10000x64xf32, #tpu.memory_space<vmem>>, vector<8x64xf32>
      %add3A_490 = arith.addf %scan3A_339, %get3A_489 : vector<8x64xf32>
      %mul3A_491 = arith.constant 16 : i32
      %mul3A_492 = arith.muli %scan3A_324, %mul3A_491 : i32
      %add3A_493 = arith.constant 15 : i32
      %add3A_494 = arith.addi %mul3A_492, %add3A_493 : i32
      %mul3A_495 = arith.constant 8 : i32
      %mul3A_496 = arith.muli %add3A_494, %mul3A_495 : i32
      %get3A_497 = arith.index_cast %mul3A_496 : i32 to index
      %get3A_498 = arith.constant 0 : index
      %get3A_499 = vector.load %arg17[%get3A_497, %get3A_498] : memref<10000x64xf32, #tpu.memory_space<vmem>>, vector<8x64xf32>
      %add3A_500 = arith.addf %scan3A_340, %get3A_499 : vector<8x64xf32>
      scf.yield %add3A_350, %add3A_360, %add3A_370, %add3A_380, %add3A_390, %add3A_400, %add3A_410, %add3A_420, %add3A_430, %add3A_440, %add3A_450, %add3A_460, %add3A_470, %add3A_480, %add3A_490, %add3A_500 : vector<8x64xf32>, vector<8x64xf32>, vector<8x64xf32>, vector<8x64xf32>, vector<8x64xf32>, vector<8x64xf32>, vector<8x64xf32>, vector<8x64xf32>, vector<8x64xf32>, vector<8x64xf32>, vector<8x64xf32>, vector<8x64xf32>, vector<8x64xf32>, vector<8x64xf32>, vector<8x64xf32>, vector<8x64xf32>
    }
    %scan3A_57 = arith.constant 78 : i32
    %get3A_58 = arith.constant 9984 : index
    %get3A_59 = arith.constant 0 : index
    %get3A_60 = vector.load %arg17[%get3A_58, %get3A_59] : memref<10000x64xf32, #tpu.memory_space<vmem>>, vector<8x64xf32>
    %add3A_61 = arith.addf %scan3A_56#0, %get3A_60 : vector<8x64xf32>
    %get3A_62 = arith.constant 9992 : index
    %get3A_63 = arith.constant 0 : index
    %get3A_64 = vector.load %arg17[%get3A_62, %get3A_63] : memref<10000x64xf32, #tpu.memory_space<vmem>>, vector<8x64xf32>
    %add3A_65 = arith.addf %scan3A_56#1, %get3A_64 : vector<8x64xf32>
    %add3A_66 = arith.addf %add3A_61, %add3A_65 : vector<8x64xf32>
    %add3A_67 = arith.addf %add3A_66, %scan3A_56#2 : vector<8x64xf32>
    %add3A_68 = arith.addf %add3A_67, %scan3A_56#3 : vector<8x64xf32>
    %add3A_69 = arith.addf %add3A_68, %scan3A_56#4 : vector<8x64xf32>
    %add3A_70 = arith.addf %add3A_69, %scan3A_56#5 : vector<8x64xf32>
    %add3A_71 = arith.addf %add3A_70, %scan3A_56#6 : vector<8x64xf32>
    %add3A_72 = arith.addf %add3A_71, %scan3A_56#7 : vector<8x64xf32>
    %add3A_73 = arith.addf %add3A_72, %scan3A_56#8 : vector<8x64xf32>
    %add3A_74 = arith.addf %add3A_73, %scan3A_56#9 : vector<8x64xf32>
    %add3A_75 = arith.addf %add3A_74, %scan3A_56#10 : vector<8x64xf32>
    %add3A_76 = arith.addf %add3A_75, %scan3A_56#11 : vector<8x64xf32>
    %add3A_77 = arith.addf %add3A_76, %scan3A_56#12 : vector<8x64xf32>
    %add3A_78 = arith.addf %add3A_77, %scan3A_56#13 : vector<8x64xf32>
    %add3A_79 = arith.addf %add3A_78, %scan3A_56#14 : vector<8x64xf32>
    %add3A_80 = arith.addf %add3A_79, %scan3A_56#15 : vector<8x64xf32>
    %slice3A = vector.extract_strided_slice %add3A_80 {offsets = [0, 0], sizes = [4, 64], strides = [1, 1]} : vector<8x64xf32> to vector<4x64xf32>
    %slice3A_81 = vector.extract_strided_slice %add3A_80 {offsets = [4, 0], sizes = [4, 64], strides = [1, 1]} : vector<8x64xf32> to vector<4x64xf32>
    %add3A_82 = arith.addf %slice3A, %slice3A_81 : vector<4x64xf32>
    %slice3A_83 = vector.extract_strided_slice %add3A_82 {offsets = [0, 0], sizes = [2, 64], strides = [1, 1]} : vector<4x64xf32> to vector<2x64xf32>
    %slice3A_84 = vector.extract_strided_slice %add3A_82 {offsets = [2, 0], sizes = [2, 64], strides = [1, 1]} : vector<4x64xf32> to vector<2x64xf32>
    %add3A_85 = arith.addf %slice3A_83, %slice3A_84 : vector<2x64xf32>
    %slice3A_86 = vector.extract_strided_slice %add3A_85 {offsets = [0, 0], sizes = [1, 64], strides = [1, 1]} : vector<2x64xf32> to vector<1x64xf32>
    %slice3A_87 = vector.extract_strided_slice %add3A_85 {offsets = [1, 0], sizes = [1, 64], strides = [1, 1]} : vector<2x64xf32> to vector<1x64xf32>
    %add3A_88 = arith.addf %slice3A_86, %slice3A_87 : vector<1x64xf32>
    %mul3A_89 = arith.constant 9.99999974E-5 : f32
    %mul3A_90 = vector.broadcast %mul3A_89 : f32 to vector<1x64xf32>
    %mul3A_91 = arith.mulf %add3A_88, %mul3A_90 : vector<1x64xf32>
    %broadcast_in_dim3A_92 = arith.constant 0.000000e+00 : f32
    %broadcast_in_dim3A_93 = vector.broadcast %broadcast_in_dim3A_92 : f32 to vector<8x64xf32>
    %broadcast_in_dim3A_94 = arith.constant 0.000000e+00 : f32
    %broadcast_in_dim3A_95 = vector.broadcast %broadcast_in_dim3A_94 : f32 to vector<8x64xf32>
    %broadcast_in_dim3A_96 = arith.constant 0.000000e+00 : f32
    %broadcast_in_dim3A_97 = vector.broadcast %broadcast_in_dim3A_96 : f32 to vector<8x64xf32>
    %broadcast_in_dim3A_98 = arith.constant 0.000000e+00 : f32
    %broadcast_in_dim3A_99 = vector.broadcast %broadcast_in_dim3A_98 : f32 to vector<8x64xf32>
    %broadcast_in_dim3A_100 = arith.constant 0.000000e+00 : f32
    %broadcast_in_dim3A_101 = vector.broadcast %broadcast_in_dim3A_100 : f32 to vector<8x64xf32>
    %broadcast_in_dim3A_102 = arith.constant 0.000000e+00 : f32
    %broadcast_in_dim3A_103 = vector.broadcast %broadcast_in_dim3A_102 : f32 to vector<8x64xf32>
    %broadcast_in_dim3A_104 = arith.constant 0.000000e+00 : f32
    %broadcast_in_dim3A_105 = vector.broadcast %broadcast_in_dim3A_104 : f32 to vector<8x64xf32>
    %broadcast_in_dim3A_106 = arith.constant 0.000000e+00 : f32
    %broadcast_in_dim3A_107 = vector.broadcast %broadcast_in_dim3A_106 : f32 to vector<8x64xf32>
    %broadcast_in_dim3A_108 = arith.constant 0.000000e+00 : f32
    %broadcast_in_dim3A_109 = vector.broadcast %broadcast_in_dim3A_108 : f32 to vector<8x64xf32>
    %broadcast_in_dim3A_110 = arith.constant 0.000000e+00 : f32
    %broadcast_in_dim3A_111 = vector.broadcast %broadcast_in_dim3A_110 : f32 to vector<8x64xf32>
    %broadcast_in_dim3A_112 = arith.constant 0.000000e+00 : f32
    %broadcast_in_dim3A_113 = vector.broadcast %broadcast_in_dim3A_112 : f32 to vector<8x64xf32>
    %broadcast_in_dim3A_114 = arith.constant 0.000000e+00 : f32
    %broadcast_in_dim3A_115 = vector.broadcast %broadcast_in_dim3A_114 : f32 to vector<8x64xf32>
    %broadcast_in_dim3A_116 = arith.constant 0.000000e+00 : f32
    %broadcast_in_dim3A_117 = vector.broadcast %broadcast_in_dim3A_116 : f32 to vector<8x64xf32>
    %broadcast_in_dim3A_118 = arith.constant 0.000000e+00 : f32
    %broadcast_in_dim3A_119 = vector.broadcast %broadcast_in_dim3A_118 : f32 to vector<8x64xf32>
    %broadcast_in_dim3A_120 = arith.constant 0.000000e+00 : f32
    %broadcast_in_dim3A_121 = vector.broadcast %broadcast_in_dim3A_120 : f32 to vector<8x64xf32>
    %broadcast_in_dim3A_122 = arith.constant 0.000000e+00 : f32
    %broadcast_in_dim3A_123 = vector.broadcast %broadcast_in_dim3A_122 : f32 to vector<8x64xf32>
    %scan3A_124 = arith.constant 0 : i32
    %scan3A_125 = arith.constant 78 : i32
    %scan3A_126 = arith.addi %scan3A_124, %scan3A_125 : i32
    %scan3A_127 = arith.constant 1 : i32
    %scan3A_128:16 = scf.for %scan3A_324 = %scan3A_124 to %scan3A_126 step %scan3A_127 iter_args(%scan3A_325 = %broadcast_in_dim3A_93, %scan3A_326 = %broadcast_in_dim3A_95, %scan3A_327 = %broadcast_in_dim3A_97, %scan3A_328 = %broadcast_in_dim3A_99, %scan3A_329 = %broadcast_in_dim3A_101, %scan3A_330 = %broadcast_in_dim3A_103, %scan3A_331 = %broadcast_in_dim3A_105, %scan3A_332 = %broadcast_in_dim3A_107, %scan3A_333 = %broadcast_in_dim3A_109, %scan3A_334 = %broadcast_in_dim3A_111, %scan3A_335 = %broadcast_in_dim3A_113, %scan3A_336 = %broadcast_in_dim3A_115, %scan3A_337 = %broadcast_in_dim3A_117, %scan3A_338 = %broadcast_in_dim3A_119, %scan3A_339 = %broadcast_in_dim3A_121, %scan3A_340 = %broadcast_in_dim3A_123) -> (vector<8x64xf32>, vector<8x64xf32>, vector<8x64xf32>, vector<8x64xf32>, vector<8x64xf32>, vector<8x64xf32>, vector<8x64xf32>, vector<8x64xf32>, vector<8x64xf32>, vector<8x64xf32>, vector<8x64xf32>, vector<8x64xf32>, vector<8x64xf32>, vector<8x64xf32>, vector<8x64xf32>, vector<8x64xf32>)  : i32 {
      %mul3A_341 = arith.constant 16 : i32
      %mul3A_342 = arith.muli %scan3A_324, %mul3A_341 : i32
      %add3A_343 = arith.constant 0 : i32
      %add3A_344 = arith.addi %mul3A_342, %add3A_343 : i32
      %mul3A_345 = arith.constant 8 : i32
      %mul3A_346 = arith.muli %add3A_344, %mul3A_345 : i32
      %get3A_347 = arith.index_cast %mul3A_346 : i32 to index
      %get3A_348 = arith.constant 0 : index
      %get3A_349 = vector.load %arg17[%get3A_347, %get3A_348] : memref<10000x64xf32, #tpu.memory_space<vmem>>, vector<8x64xf32>
      %sub3A_350 = vector.broadcast %mul3A_91 : vector<1x64xf32> to vector<8x64xf32>
      %sub3A_351 = arith.subf %get3A_349, %sub3A_350 : vector<8x64xf32>
      %integer_pow3A_352 = arith.mulf %sub3A_351, %sub3A_351 : vector<8x64xf32>
      %add3A_353 = arith.addf %scan3A_325, %integer_pow3A_352 : vector<8x64xf32>
      %mul3A_354 = arith.constant 16 : i32
      %mul3A_355 = arith.muli %scan3A_324, %mul3A_354 : i32
      %add3A_356 = arith.constant 1 : i32
      %add3A_357 = arith.addi %mul3A_355, %add3A_356 : i32
      %mul3A_358 = arith.constant 8 : i32
      %mul3A_359 = arith.muli %add3A_357, %mul3A_358 : i32
      %get3A_360 = arith.index_cast %mul3A_359 : i32 to index
      %get3A_361 = arith.constant 0 : index
      %get3A_362 = vector.load %arg17[%get3A_360, %get3A_361] : memref<10000x64xf32, #tpu.memory_space<vmem>>, vector<8x64xf32>
      %sub3A_363 = vector.broadcast %mul3A_91 : vector<1x64xf32> to vector<8x64xf32>
      %sub3A_364 = arith.subf %get3A_362, %sub3A_363 : vector<8x64xf32>
      %integer_pow3A_365 = arith.mulf %sub3A_364, %sub3A_364 : vector<8x64xf32>
      %add3A_366 = arith.addf %scan3A_326, %integer_pow3A_365 : vector<8x64xf32>
      %mul3A_367 = arith.constant 16 : i32
      %mul3A_368 = arith.muli %scan3A_324, %mul3A_367 : i32
      %add3A_369 = arith.constant 2 : i32
      %add3A_370 = arith.addi %mul3A_368, %add3A_369 : i32
      %mul3A_371 = arith.constant 8 : i32
      %mul3A_372 = arith.muli %add3A_370, %mul3A_371 : i32
      %get3A_373 = arith.index_cast %mul3A_372 : i32 to index
      %get3A_374 = arith.constant 0 : index
      %get3A_375 = vector.load %arg17[%get3A_373, %get3A_374] : memref<10000x64xf32, #tpu.memory_space<vmem>>, vector<8x64xf32>
      %sub3A_376 = vector.broadcast %mul3A_91 : vector<1x64xf32> to vector<8x64xf32>
      %sub3A_377 = arith.subf %get3A_375, %sub3A_376 : vector<8x64xf32>
      %integer_pow3A_378 = arith.mulf %sub3A_377, %sub3A_377 : vector<8x64xf32>
      %add3A_379 = arith.addf %scan3A_327, %integer_pow3A_378 : vector<8x64xf32>
      %mul3A_380 = arith.constant 16 : i32
      %mul3A_381 = arith.muli %scan3A_324, %mul3A_380 : i32
      %add3A_382 = arith.constant 3 : i32
      %add3A_383 = arith.addi %mul3A_381, %add3A_382 : i32
      %mul3A_384 = arith.constant 8 : i32
      %mul3A_385 = arith.muli %add3A_383, %mul3A_384 : i32
      %get3A_386 = arith.index_cast %mul3A_385 : i32 to index
      %get3A_387 = arith.constant 0 : index
      %get3A_388 = vector.load %arg17[%get3A_386, %get3A_387] : memref<10000x64xf32, #tpu.memory_space<vmem>>, vector<8x64xf32>
      %sub3A_389 = vector.broadcast %mul3A_91 : vector<1x64xf32> to vector<8x64xf32>
      %sub3A_390 = arith.subf %get3A_388, %sub3A_389 : vector<8x64xf32>
      %integer_pow3A_391 = arith.mulf %sub3A_390, %sub3A_390 : vector<8x64xf32>
      %add3A_392 = arith.addf %scan3A_328, %integer_pow3A_391 : vector<8x64xf32>
      %mul3A_393 = arith.constant 16 : i32
      %mul3A_394 = arith.muli %scan3A_324, %mul3A_393 : i32
      %add3A_395 = arith.constant 4 : i32
      %add3A_396 = arith.addi %mul3A_394, %add3A_395 : i32
      %mul3A_397 = arith.constant 8 : i32
      %mul3A_398 = arith.muli %add3A_396, %mul3A_397 : i32
      %get3A_399 = arith.index_cast %mul3A_398 : i32 to index
      %get3A_400 = arith.constant 0 : index
      %get3A_401 = vector.load %arg17[%get3A_399, %get3A_400] : memref<10000x64xf32, #tpu.memory_space<vmem>>, vector<8x64xf32>
      %sub3A_402 = vector.broadcast %mul3A_91 : vector<1x64xf32> to vector<8x64xf32>
      %sub3A_403 = arith.subf %get3A_401, %sub3A_402 : vector<8x64xf32>
      %integer_pow3A_404 = arith.mulf %sub3A_403, %sub3A_403 : vector<8x64xf32>
      %add3A_405 = arith.addf %scan3A_329, %integer_pow3A_404 : vector<8x64xf32>
      %mul3A_406 = arith.constant 16 : i32
      %mul3A_407 = arith.muli %scan3A_324, %mul3A_406 : i32
      %add3A_408 = arith.constant 5 : i32
      %add3A_409 = arith.addi %mul3A_407, %add3A_408 : i32
      %mul3A_410 = arith.constant 8 : i32
      %mul3A_411 = arith.muli %add3A_409, %mul3A_410 : i32
      %get3A_412 = arith.index_cast %mul3A_411 : i32 to index
      %get3A_413 = arith.constant 0 : index
      %get3A_414 = vector.load %arg17[%get3A_412, %get3A_413] : memref<10000x64xf32, #tpu.memory_space<vmem>>, vector<8x64xf32>
      %sub3A_415 = vector.broadcast %mul3A_91 : vector<1x64xf32> to vector<8x64xf32>
      %sub3A_416 = arith.subf %get3A_414, %sub3A_415 : vector<8x64xf32>
      %integer_pow3A_417 = arith.mulf %sub3A_416, %sub3A_416 : vector<8x64xf32>
      %add3A_418 = arith.addf %scan3A_330, %integer_pow3A_417 : vector<8x64xf32>
      %mul3A_419 = arith.constant 16 : i32
      %mul3A_420 = arith.muli %scan3A_324, %mul3A_419 : i32
      %add3A_421 = arith.constant 6 : i32
      %add3A_422 = arith.addi %mul3A_420, %add3A_421 : i32
      %mul3A_423 = arith.constant 8 : i32
      %mul3A_424 = arith.muli %add3A_422, %mul3A_423 : i32
      %get3A_425 = arith.index_cast %mul3A_424 : i32 to index
      %get3A_426 = arith.constant 0 : index
      %get3A_427 = vector.load %arg17[%get3A_425, %get3A_426] : memref<10000x64xf32, #tpu.memory_space<vmem>>, vector<8x64xf32>
      %sub3A_428 = vector.broadcast %mul3A_91 : vector<1x64xf32> to vector<8x64xf32>
      %sub3A_429 = arith.subf %get3A_427, %sub3A_428 : vector<8x64xf32>
      %integer_pow3A_430 = arith.mulf %sub3A_429, %sub3A_429 : vector<8x64xf32>
      %add3A_431 = arith.addf %scan3A_331, %integer_pow3A_430 : vector<8x64xf32>
      %mul3A_432 = arith.constant 16 : i32
      %mul3A_433 = arith.muli %scan3A_324, %mul3A_432 : i32
      %add3A_434 = arith.constant 7 : i32
      %add3A_435 = arith.addi %mul3A_433, %add3A_434 : i32
      %mul3A_436 = arith.constant 8 : i32
      %mul3A_437 = arith.muli %add3A_435, %mul3A_436 : i32
      %get3A_438 = arith.index_cast %mul3A_437 : i32 to index
      %get3A_439 = arith.constant 0 : index
      %get3A_440 = vector.load %arg17[%get3A_438, %get3A_439] : memref<10000x64xf32, #tpu.memory_space<vmem>>, vector<8x64xf32>
      %sub3A_441 = vector.broadcast %mul3A_91 : vector<1x64xf32> to vector<8x64xf32>
      %sub3A_442 = arith.subf %get3A_440, %sub3A_441 : vector<8x64xf32>
      %integer_pow3A_443 = arith.mulf %sub3A_442, %sub3A_442 : vector<8x64xf32>
      %add3A_444 = arith.addf %scan3A_332, %integer_pow3A_443 : vector<8x64xf32>
      %mul3A_445 = arith.constant 16 : i32
      %mul3A_446 = arith.muli %scan3A_324, %mul3A_445 : i32
      %add3A_447 = arith.constant 8 : i32
      %add3A_448 = arith.addi %mul3A_446, %add3A_447 : i32
      %mul3A_449 = arith.constant 8 : i32
      %mul3A_450 = arith.muli %add3A_448, %mul3A_449 : i32
      %get3A_451 = arith.index_cast %mul3A_450 : i32 to index
      %get3A_452 = arith.constant 0 : index
      %get3A_453 = vector.load %arg17[%get3A_451, %get3A_452] : memref<10000x64xf32, #tpu.memory_space<vmem>>, vector<8x64xf32>
      %sub3A_454 = vector.broadcast %mul3A_91 : vector<1x64xf32> to vector<8x64xf32>
      %sub3A_455 = arith.subf %get3A_453, %sub3A_454 : vector<8x64xf32>
      %integer_pow3A_456 = arith.mulf %sub3A_455, %sub3A_455 : vector<8x64xf32>
      %add3A_457 = arith.addf %scan3A_333, %integer_pow3A_456 : vector<8x64xf32>
      %mul3A_458 = arith.constant 16 : i32
      %mul3A_459 = arith.muli %scan3A_324, %mul3A_458 : i32
      %add3A_460 = arith.constant 9 : i32
      %add3A_461 = arith.addi %mul3A_459, %add3A_460 : i32
      %mul3A_462 = arith.constant 8 : i32
      %mul3A_463 = arith.muli %add3A_461, %mul3A_462 : i32
      %get3A_464 = arith.index_cast %mul3A_463 : i32 to index
      %get3A_465 = arith.constant 0 : index
      %get3A_466 = vector.load %arg17[%get3A_464, %get3A_465] : memref<10000x64xf32, #tpu.memory_space<vmem>>, vector<8x64xf32>
      %sub3A_467 = vector.broadcast %mul3A_91 : vector<1x64xf32> to vector<8x64xf32>
      %sub3A_468 = arith.subf %get3A_466, %sub3A_467 : vector<8x64xf32>
      %integer_pow3A_469 = arith.mulf %sub3A_468, %sub3A_468 : vector<8x64xf32>
      %add3A_470 = arith.addf %scan3A_334, %integer_pow3A_469 : vector<8x64xf32>
      %mul3A_471 = arith.constant 16 : i32
      %mul3A_472 = arith.muli %scan3A_324, %mul3A_471 : i32
      %add3A_473 = arith.constant 10 : i32
      %add3A_474 = arith.addi %mul3A_472, %add3A_473 : i32
      %mul3A_475 = arith.constant 8 : i32
      %mul3A_476 = arith.muli %add3A_474, %mul3A_475 : i32
      %get3A_477 = arith.index_cast %mul3A_476 : i32 to index
      %get3A_478 = arith.constant 0 : index
      %get3A_479 = vector.load %arg17[%get3A_477, %get3A_478] : memref<10000x64xf32, #tpu.memory_space<vmem>>, vector<8x64xf32>
      %sub3A_480 = vector.broadcast %mul3A_91 : vector<1x64xf32> to vector<8x64xf32>
      %sub3A_481 = arith.subf %get3A_479, %sub3A_480 : vector<8x64xf32>
      %integer_pow3A_482 = arith.mulf %sub3A_481, %sub3A_481 : vector<8x64xf32>
      %add3A_483 = arith.addf %scan3A_335, %integer_pow3A_482 : vector<8x64xf32>
      %mul3A_484 = arith.constant 16 : i32
      %mul3A_485 = arith.muli %scan3A_324, %mul3A_484 : i32
      %add3A_486 = arith.constant 11 : i32
      %add3A_487 = arith.addi %mul3A_485, %add3A_486 : i32
      %mul3A_488 = arith.constant 8 : i32
      %mul3A_489 = arith.muli %add3A_487, %mul3A_488 : i32
      %get3A_490 = arith.index_cast %mul3A_489 : i32 to index
      %get3A_491 = arith.constant 0 : index
      %get3A_492 = vector.load %arg17[%get3A_490, %get3A_491] : memref<10000x64xf32, #tpu.memory_space<vmem>>, vector<8x64xf32>
      %sub3A_493 = vector.broadcast %mul3A_91 : vector<1x64xf32> to vector<8x64xf32>
      %sub3A_494 = arith.subf %get3A_492, %sub3A_493 : vector<8x64xf32>
      %integer_pow3A_495 = arith.mulf %sub3A_494, %sub3A_494 : vector<8x64xf32>
      %add3A_496 = arith.addf %scan3A_336, %integer_pow3A_495 : vector<8x64xf32>
      %mul3A_497 = arith.constant 16 : i32
      %mul3A_498 = arith.muli %scan3A_324, %mul3A_497 : i32
      %add3A_499 = arith.constant 12 : i32
      %add3A_500 = arith.addi %mul3A_498, %add3A_499 : i32
      %mul3A_501 = arith.constant 8 : i32
      %mul3A_502 = arith.muli %add3A_500, %mul3A_501 : i32
      %get3A_503 = arith.index_cast %mul3A_502 : i32 to index
      %get3A_504 = arith.constant 0 : index
      %get3A_505 = vector.load %arg17[%get3A_503, %get3A_504] : memref<10000x64xf32, #tpu.memory_space<vmem>>, vector<8x64xf32>
      %sub3A_506 = vector.broadcast %mul3A_91 : vector<1x64xf32> to vector<8x64xf32>
      %sub3A_507 = arith.subf %get3A_505, %sub3A_506 : vector<8x64xf32>
      %integer_pow3A_508 = arith.mulf %sub3A_507, %sub3A_507 : vector<8x64xf32>
      %add3A_509 = arith.addf %scan3A_337, %integer_pow3A_508 : vector<8x64xf32>
      %mul3A_510 = arith.constant 16 : i32
      %mul3A_511 = arith.muli %scan3A_324, %mul3A_510 : i32
      %add3A_512 = arith.constant 13 : i32
      %add3A_513 = arith.addi %mul3A_511, %add3A_512 : i32
      %mul3A_514 = arith.constant 8 : i32
      %mul3A_515 = arith.muli %add3A_513, %mul3A_514 : i32
      %get3A_516 = arith.index_cast %mul3A_515 : i32 to index
      %get3A_517 = arith.constant 0 : index
      %get3A_518 = vector.load %arg17[%get3A_516, %get3A_517] : memref<10000x64xf32, #tpu.memory_space<vmem>>, vector<8x64xf32>
      %sub3A_519 = vector.broadcast %mul3A_91 : vector<1x64xf32> to vector<8x64xf32>
      %sub3A_520 = arith.subf %get3A_518, %sub3A_519 : vector<8x64xf32>
      %integer_pow3A_521 = arith.mulf %sub3A_520, %sub3A_520 : vector<8x64xf32>
      %add3A_522 = arith.addf %scan3A_338, %integer_pow3A_521 : vector<8x64xf32>
      %mul3A_523 = arith.constant 16 : i32
      %mul3A_524 = arith.muli %scan3A_324, %mul3A_523 : i32
      %add3A_525 = arith.constant 14 : i32
      %add3A_526 = arith.addi %mul3A_524, %add3A_525 : i32
      %mul3A_527 = arith.constant 8 : i32
      %mul3A_528 = arith.muli %add3A_526, %mul3A_527 : i32
      %get3A_529 = arith.index_cast %mul3A_528 : i32 to index
      %get3A_530 = arith.constant 0 : index
      %get3A_531 = vector.load %arg17[%get3A_529, %get3A_530] : memref<10000x64xf32, #tpu.memory_space<vmem>>, vector<8x64xf32>
      %sub3A_532 = vector.broadcast %mul3A_91 : vector<1x64xf32> to vector<8x64xf32>
      %sub3A_533 = arith.subf %get3A_531, %sub3A_532 : vector<8x64xf32>
      %integer_pow3A_534 = arith.mulf %sub3A_533, %sub3A_533 : vector<8x64xf32>
      %add3A_535 = arith.addf %scan3A_339, %integer_pow3A_534 : vector<8x64xf32>
      %mul3A_536 = arith.constant 16 : i32
      %mul3A_537 = arith.muli %scan3A_324, %mul3A_536 : i32
      %add3A_538 = arith.constant 15 : i32
      %add3A_539 = arith.addi %mul3A_537, %add3A_538 : i32
      %mul3A_540 = arith.constant 8 : i32
      %mul3A_541 = arith.muli %add3A_539, %mul3A_540 : i32
      %get3A_542 = arith.index_cast %mul3A_541 : i32 to index
      %get3A_543 = arith.constant 0 : index
      %get3A_544 = vector.load %arg17[%get3A_542, %get3A_543] : memref<10000x64xf32, #tpu.memory_space<vmem>>, vector<8x64xf32>
      %sub3A_545 = vector.broadcast %mul3A_91 : vector<1x64xf32> to vector<8x64xf32>
      %sub3A_546 = arith.subf %get3A_544, %sub3A_545 : vector<8x64xf32>
      %integer_pow3A_547 = arith.mulf %sub3A_546, %sub3A_546 : vector<8x64xf32>
      %add3A_548 = arith.addf %scan3A_340, %integer_pow3A_547 : vector<8x64xf32>
      scf.yield %add3A_353, %add3A_366, %add3A_379, %add3A_392, %add3A_405, %add3A_418, %add3A_431, %add3A_444, %add3A_457, %add3A_470, %add3A_483, %add3A_496, %add3A_509, %add3A_522, %add3A_535, %add3A_548 : vector<8x64xf32>, vector<8x64xf32>, vector<8x64xf32>, vector<8x64xf32>, vector<8x64xf32>, vector<8x64xf32>, vector<8x64xf32>, vector<8x64xf32>, vector<8x64xf32>, vector<8x64xf32>, vector<8x64xf32>, vector<8x64xf32>, vector<8x64xf32>, vector<8x64xf32>, vector<8x64xf32>, vector<8x64xf32>
    }
    %scan3A_129 = arith.constant 78 : i32
    %get3A_130 = arith.constant 9984 : index
    %get3A_131 = arith.constant 0 : index
    %get3A_132 = vector.load %arg17[%get3A_130, %get3A_131] : memref<10000x64xf32, #tpu.memory_space<vmem>>, vector<8x64xf32>
    %sub3A = vector.broadcast %mul3A_91 : vector<1x64xf32> to vector<8x64xf32>
    %sub3A_133 = arith.subf %get3A_132, %sub3A : vector<8x64xf32>
    %integer_pow3A = arith.mulf %sub3A_133, %sub3A_133 : vector<8x64xf32>
    %add3A_134 = arith.addf %scan3A_128#0, %integer_pow3A : vector<8x64xf32>
    %get3A_135 = arith.constant 9992 : index
    %get3A_136 = arith.constant 0 : index
    %get3A_137 = vector.load %arg17[%get3A_135, %get3A_136] : memref<10000x64xf32, #tpu.memory_space<vmem>>, vector<8x64xf32>
    %sub3A_138 = vector.broadcast %mul3A_91 : vector<1x64xf32> to vector<8x64xf32>
    %sub3A_139 = arith.subf %get3A_137, %sub3A_138 : vector<8x64xf32>
    %integer_pow3A_140 = arith.mulf %sub3A_139, %sub3A_139 : vector<8x64xf32>
    %add3A_141 = arith.addf %scan3A_128#1, %integer_pow3A_140 : vector<8x64xf32>
    %add3A_142 = arith.addf %add3A_134, %add3A_141 : vector<8x64xf32>
    %add3A_143 = arith.addf %add3A_142, %scan3A_128#2 : vector<8x64xf32>
    %add3A_144 = arith.addf %add3A_143, %scan3A_128#3 : vector<8x64xf32>
    %add3A_145 = arith.addf %add3A_144, %scan3A_128#4 : vector<8x64xf32>
    %add3A_146 = arith.addf %add3A_145, %scan3A_128#5 : vector<8x64xf32>
    %add3A_147 = arith.addf %add3A_146, %scan3A_128#6 : vector<8x64xf32>
    %add3A_148 = arith.addf %add3A_147, %scan3A_128#7 : vector<8x64xf32>
    %add3A_149 = arith.addf %add3A_148, %scan3A_128#8 : vector<8x64xf32>
    %add3A_150 = arith.addf %add3A_149, %scan3A_128#9 : vector<8x64xf32>
    %add3A_151 = arith.addf %add3A_150, %scan3A_128#10 : vector<8x64xf32>
    %add3A_152 = arith.addf %add3A_151, %scan3A_128#11 : vector<8x64xf32>
    %add3A_153 = arith.addf %add3A_152, %scan3A_128#12 : vector<8x64xf32>
    %add3A_154 = arith.addf %add3A_153, %scan3A_128#13 : vector<8x64xf32>
    %add3A_155 = arith.addf %add3A_154, %scan3A_128#14 : vector<8x64xf32>
    %add3A_156 = arith.addf %add3A_155, %scan3A_128#15 : vector<8x64xf32>
    %slice3A_157 = vector.extract_strided_slice %add3A_156 {offsets = [0, 0], sizes = [4, 64], strides = [1, 1]} : vector<8x64xf32> to vector<4x64xf32>
    %slice3A_158 = vector.extract_strided_slice %add3A_156 {offsets = [4, 0], sizes = [4, 64], strides = [1, 1]} : vector<8x64xf32> to vector<4x64xf32>
    %add3A_159 = arith.addf %slice3A_157, %slice3A_158 : vector<4x64xf32>
    %slice3A_160 = vector.extract_strided_slice %add3A_159 {offsets = [0, 0], sizes = [2, 64], strides = [1, 1]} : vector<4x64xf32> to vector<2x64xf32>
    %slice3A_161 = vector.extract_strided_slice %add3A_159 {offsets = [2, 0], sizes = [2, 64], strides = [1, 1]} : vector<4x64xf32> to vector<2x64xf32>
    %add3A_162 = arith.addf %slice3A_160, %slice3A_161 : vector<2x64xf32>
    %slice3A_163 = vector.extract_strided_slice %add3A_162 {offsets = [0, 0], sizes = [1, 64], strides = [1, 1]} : vector<2x64xf32> to vector<1x64xf32>
    %slice3A_164 = vector.extract_strided_slice %add3A_162 {offsets = [1, 0], sizes = [1, 64], strides = [1, 1]} : vector<2x64xf32> to vector<1x64xf32>
    %add3A_165 = arith.addf %slice3A_163, %slice3A_164 : vector<1x64xf32>
    %mul3A_166 = arith.constant 9.99999974E-5 : f32
    %mul3A_167 = vector.broadcast %mul3A_166 : f32 to vector<1x64xf32>
    %mul3A_168 = arith.mulf %add3A_165, %mul3A_167 : vector<1x64xf32>
    %get3A_169 = arith.constant 0 : index
    %get3A_170 = arith.constant 0 : index
    %get3A_171 = vector.load %arg17[%get3A_169, %get3A_170] : memref<10000x64xf32, #tpu.memory_space<vmem>>, vector<10000x64xf32>
    %sub3A_172 = vector.broadcast %mul3A_91 : vector<1x64xf32> to vector<10000x64xf32>
    %sub3A_173 = arith.subf %get3A_171, %sub3A_172 : vector<10000x64xf32>
    %add3A_174 = arith.constant 9.99999974E-6 : f32
    %add3A_175 = vector.broadcast %add3A_174 : f32 to vector<1x64xf32>
    %add3A_176 = arith.addf %mul3A_168, %add3A_175 : vector<1x64xf32>
    %rsqrt3A = math.rsqrt %add3A_176 : vector<1x64xf32>
    %mul3A_177 = vector.broadcast %rsqrt3A : vector<1x64xf32> to vector<10000x64xf32>
    %mul3A_178 = arith.mulf %sub3A_173, %mul3A_177 : vector<10000x64xf32>
    %get3A_179 = arith.constant 0 : index
    %get3A_180 = arith.constant 0 : index
    %get3A_181 = vector.load %arg4[%get3A_179, %get3A_180] : memref<1x64xf32, #tpu.memory_space<vmem>>, vector<1x64xf32>
    %mul3A_182 = vector.broadcast %get3A_181 : vector<1x64xf32> to vector<10000x64xf32>
    %mul3A_183 = arith.mulf %mul3A_178, %mul3A_182 : vector<10000x64xf32>
    %get3A_184 = arith.constant 0 : index
    %get3A_185 = arith.constant 0 : index
    %get3A_186 = vector.load %arg5[%get3A_184, %get3A_185] : memref<1x64xf32, #tpu.memory_space<vmem>>, vector<1x64xf32>
    %add3A_187 = vector.broadcast %get3A_186 : vector<1x64xf32> to vector<10000x64xf32>
    %add3A_188 = arith.addf %mul3A_183, %add3A_187 : vector<10000x64xf32>
    %swap3A_189 = arith.constant 0 : index
    %swap3A_190 = arith.constant 0 : index
    %swap3A_191 = vector.load %arg17[%swap3A_189, %swap3A_190] : memref<10000x64xf32, #tpu.memory_space<vmem>>, vector<10000x64xf32>
    tpu.vector_store %arg17[%swap3A_189, %swap3A_190], %add3A_188 {strides = array<i32>} : memref<10000x64xf32, #tpu.memory_space<vmem>>, vector<10000x64xf32>,
    %broadcast_in_dim3A_192 = arith.constant 0.000000e+00 : f32
    %broadcast_in_dim3A_193 = vector.broadcast %broadcast_in_dim3A_192 : f32 to vector<8x64xf32>
    %broadcast_in_dim3A_194 = arith.constant 0.000000e+00 : f32
    %broadcast_in_dim3A_195 = vector.broadcast %broadcast_in_dim3A_194 : f32 to vector<8x64xf32>
    %broadcast_in_dim3A_196 = arith.constant 0.000000e+00 : f32
    %broadcast_in_dim3A_197 = vector.broadcast %broadcast_in_dim3A_196 : f32 to vector<8x64xf32>
    %broadcast_in_dim3A_198 = arith.constant 0.000000e+00 : f32
    %broadcast_in_dim3A_199 = vector.broadcast %broadcast_in_dim3A_198 : f32 to vector<8x64xf32>
    %broadcast_in_dim3A_200 = arith.constant 0.000000e+00 : f32
    %broadcast_in_dim3A_201 = vector.broadcast %broadcast_in_dim3A_200 : f32 to vector<8x64xf32>
    %broadcast_in_dim3A_202 = arith.constant 0.000000e+00 : f32
    %broadcast_in_dim3A_203 = vector.broadcast %broadcast_in_dim3A_202 : f32 to vector<8x64xf32>
    %broadcast_in_dim3A_204 = arith.constant 0.000000e+00 : f32
    %broadcast_in_dim3A_205 = vector.broadcast %broadcast_in_dim3A_204 : f32 to vector<8x64xf32>
    %broadcast_in_dim3A_206 = arith.constant 0.000000e+00 : f32
    %broadcast_in_dim3A_207 = vector.broadcast %broadcast_in_dim3A_206 : f32 to vector<8x64xf32>
    %broadcast_in_dim3A_208 = arith.constant 0.000000e+00 : f32
    %broadcast_in_dim3A_209 = vector.broadcast %broadcast_in_dim3A_208 : f32 to vector<8x64xf32>
    %broadcast_in_dim3A_210 = arith.constant 0.000000e+00 : f32
    %broadcast_in_dim3A_211 = vector.broadcast %broadcast_in_dim3A_210 : f32 to vector<8x64xf32>
    %broadcast_in_dim3A_212 = arith.constant 0.000000e+00 : f32
    %broadcast_in_dim3A_213 = vector.broadcast %broadcast_in_dim3A_212 : f32 to vector<8x64xf32>
    %broadcast_in_dim3A_214 = arith.constant 0.000000e+00 : f32
    %broadcast_in_dim3A_215 = vector.broadcast %broadcast_in_dim3A_214 : f32 to vector<8x64xf32>
    %broadcast_in_dim3A_216 = arith.constant 0.000000e+00 : f32
    %broadcast_in_dim3A_217 = vector.broadcast %broadcast_in_dim3A_216 : f32 to vector<8x64xf32>
    %broadcast_in_dim3A_218 = arith.constant 0.000000e+00 : f32
    %broadcast_in_dim3A_219 = vector.broadcast %broadcast_in_dim3A_218 : f32 to vector<8x64xf32>
    %broadcast_in_dim3A_220 = arith.constant 0.000000e+00 : f32
    %broadcast_in_dim3A_221 = vector.broadcast %broadcast_in_dim3A_220 : f32 to vector<8x64xf32>
    %broadcast_in_dim3A_222 = arith.constant 0.000000e+00 : f32
    %broadcast_in_dim3A_223 = vector.broadcast %broadcast_in_dim3A_222 : f32 to vector<8x64xf32>
    %scan3A_224 = arith.constant 0 : i32
    %scan3A_225 = arith.constant 78 : i32
    %scan3A_226 = arith.addi %scan3A_224, %scan3A_225 : i32
    %scan3A_227 = arith.constant 1 : i32
    %scan3A_228:16 = scf.for %scan3A_324 = %scan3A_224 to %scan3A_226 step %scan3A_227 iter_args(%scan3A_325 = %broadcast_in_dim3A_193, %scan3A_326 = %broadcast_in_dim3A_195, %scan3A_327 = %broadcast_in_dim3A_197, %scan3A_328 = %broadcast_in_dim3A_199, %scan3A_329 = %broadcast_in_dim3A_201, %scan3A_330 = %broadcast_in_dim3A_203, %scan3A_331 = %broadcast_in_dim3A_205, %scan3A_332 = %broadcast_in_dim3A_207, %scan3A_333 = %broadcast_in_dim3A_209, %scan3A_334 = %broadcast_in_dim3A_211, %scan3A_335 = %broadcast_in_dim3A_213, %scan3A_336 = %broadcast_in_dim3A_215, %scan3A_337 = %broadcast_in_dim3A_217, %scan3A_338 = %broadcast_in_dim3A_219, %scan3A_339 = %broadcast_in_dim3A_221, %scan3A_340 = %broadcast_in_dim3A_223) -> (vector<8x64xf32>, vector<8x64xf32>, vector<8x64xf32>, vector<8x64xf32>, vector<8x64xf32>, vector<8x64xf32>, vector<8x64xf32>, vector<8x64xf32>, vector<8x64xf32>, vector<8x64xf32>, vector<8x64xf32>, vector<8x64xf32>, vector<8x64xf32>, vector<8x64xf32>, vector<8x64xf32>, vector<8x64xf32>)  : i32 {
      %mul3A_341 = arith.constant 16 : i32
      %mul3A_342 = arith.muli %scan3A_324, %mul3A_341 : i32
      %add3A_343 = arith.constant 0 : i32
      %add3A_344 = arith.addi %mul3A_342, %add3A_343 : i32
      %mul3A_345 = arith.constant 8 : i32
      %mul3A_346 = arith.muli %add3A_344, %mul3A_345 : i32
      %get3A_347 = arith.index_cast %mul3A_346 : i32 to index
      %get3A_348 = arith.constant 0 : index
      %get3A_349 = vector.load %arg17[%get3A_347, %get3A_348] : memref<10000x64xf32, #tpu.memory_space<vmem>>, vector<8x64xf32>
      %add3A_350 = arith.addf %scan3A_325, %get3A_349 : vector<8x64xf32>
      %mul3A_351 = arith.constant 16 : i32
      %mul3A_352 = arith.muli %scan3A_324, %mul3A_351 : i32
      %add3A_353 = arith.constant 1 : i32
      %add3A_354 = arith.addi %mul3A_352, %add3A_353 : i32
      %mul3A_355 = arith.constant 8 : i32
      %mul3A_356 = arith.muli %add3A_354, %mul3A_355 : i32
      %get3A_357 = arith.index_cast %mul3A_356 : i32 to index
      %get3A_358 = arith.constant 0 : index
      %get3A_359 = vector.load %arg17[%get3A_357, %get3A_358] : memref<10000x64xf32, #tpu.memory_space<vmem>>, vector<8x64xf32>
      %add3A_360 = arith.addf %scan3A_326, %get3A_359 : vector<8x64xf32>
      %mul3A_361 = arith.constant 16 : i32
      %mul3A_362 = arith.muli %scan3A_324, %mul3A_361 : i32
      %add3A_363 = arith.constant 2 : i32
      %add3A_364 = arith.addi %mul3A_362, %add3A_363 : i32
      %mul3A_365 = arith.constant 8 : i32
      %mul3A_366 = arith.muli %add3A_364, %mul3A_365 : i32
      %get3A_367 = arith.index_cast %mul3A_366 : i32 to index
      %get3A_368 = arith.constant 0 : index
      %get3A_369 = vector.load %arg17[%get3A_367, %get3A_368] : memref<10000x64xf32, #tpu.memory_space<vmem>>, vector<8x64xf32>
      %add3A_370 = arith.addf %scan3A_327, %get3A_369 : vector<8x64xf32>
      %mul3A_371 = arith.constant 16 : i32
      %mul3A_372 = arith.muli %scan3A_324, %mul3A_371 : i32
      %add3A_373 = arith.constant 3 : i32
      %add3A_374 = arith.addi %mul3A_372, %add3A_373 : i32
      %mul3A_375 = arith.constant 8 : i32
      %mul3A_376 = arith.muli %add3A_374, %mul3A_375 : i32
      %get3A_377 = arith.index_cast %mul3A_376 : i32 to index
      %get3A_378 = arith.constant 0 : index
      %get3A_379 = vector.load %arg17[%get3A_377, %get3A_378] : memref<10000x64xf32, #tpu.memory_space<vmem>>, vector<8x64xf32>
      %add3A_380 = arith.addf %scan3A_328, %get3A_379 : vector<8x64xf32>
      %mul3A_381 = arith.constant 16 : i32
      %mul3A_382 = arith.muli %scan3A_324, %mul3A_381 : i32
      %add3A_383 = arith.constant 4 : i32
      %add3A_384 = arith.addi %mul3A_382, %add3A_383 : i32
      %mul3A_385 = arith.constant 8 : i32
      %mul3A_386 = arith.muli %add3A_384, %mul3A_385 : i32
      %get3A_387 = arith.index_cast %mul3A_386 : i32 to index
      %get3A_388 = arith.constant 0 : index
      %get3A_389 = vector.load %arg17[%get3A_387, %get3A_388] : memref<10000x64xf32, #tpu.memory_space<vmem>>, vector<8x64xf32>
      %add3A_390 = arith.addf %scan3A_329, %get3A_389 : vector<8x64xf32>
      %mul3A_391 = arith.constant 16 : i32
      %mul3A_392 = arith.muli %scan3A_324, %mul3A_391 : i32
      %add3A_393 = arith.constant 5 : i32
      %add3A_394 = arith.addi %mul3A_392, %add3A_393 : i32
      %mul3A_395 = arith.constant 8 : i32
      %mul3A_396 = arith.muli %add3A_394, %mul3A_395 : i32
      %get3A_397 = arith.index_cast %mul3A_396 : i32 to index
      %get3A_398 = arith.constant 0 : index
      %get3A_399 = vector.load %arg17[%get3A_397, %get3A_398] : memref<10000x64xf32, #tpu.memory_space<vmem>>, vector<8x64xf32>
      %add3A_400 = arith.addf %scan3A_330, %get3A_399 : vector<8x64xf32>
      %mul3A_401 = arith.constant 16 : i32
      %mul3A_402 = arith.muli %scan3A_324, %mul3A_401 : i32
      %add3A_403 = arith.constant 6 : i32
      %add3A_404 = arith.addi %mul3A_402, %add3A_403 : i32
      %mul3A_405 = arith.constant 8 : i32
      %mul3A_406 = arith.muli %add3A_404, %mul3A_405 : i32
      %get3A_407 = arith.index_cast %mul3A_406 : i32 to index
      %get3A_408 = arith.constant 0 : index
      %get3A_409 = vector.load %arg17[%get3A_407, %get3A_408] : memref<10000x64xf32, #tpu.memory_space<vmem>>, vector<8x64xf32>
      %add3A_410 = arith.addf %scan3A_331, %get3A_409 : vector<8x64xf32>
      %mul3A_411 = arith.constant 16 : i32
      %mul3A_412 = arith.muli %scan3A_324, %mul3A_411 : i32
      %add3A_413 = arith.constant 7 : i32
      %add3A_414 = arith.addi %mul3A_412, %add3A_413 : i32
      %mul3A_415 = arith.constant 8 : i32
      %mul3A_416 = arith.muli %add3A_414, %mul3A_415 : i32
      %get3A_417 = arith.index_cast %mul3A_416 : i32 to index
      %get3A_418 = arith.constant 0 : index
      %get3A_419 = vector.load %arg17[%get3A_417, %get3A_418] : memref<10000x64xf32, #tpu.memory_space<vmem>>, vector<8x64xf32>
      %add3A_420 = arith.addf %scan3A_332, %get3A_419 : vector<8x64xf32>
      %mul3A_421 = arith.constant 16 : i32
      %mul3A_422 = arith.muli %scan3A_324, %mul3A_421 : i32
      %add3A_423 = arith.constant 8 : i32
      %add3A_424 = arith.addi %mul3A_422, %add3A_423 : i32
      %mul3A_425 = arith.constant 8 : i32
      %mul3A_426 = arith.muli %add3A_424, %mul3A_425 : i32
      %get3A_427 = arith.index_cast %mul3A_426 : i32 to index
      %get3A_428 = arith.constant 0 : index
      %get3A_429 = vector.load %arg17[%get3A_427, %get3A_428] : memref<10000x64xf32, #tpu.memory_space<vmem>>, vector<8x64xf32>
      %add3A_430 = arith.addf %scan3A_333, %get3A_429 : vector<8x64xf32>
      %mul3A_431 = arith.constant 16 : i32
      %mul3A_432 = arith.muli %scan3A_324, %mul3A_431 : i32
      %add3A_433 = arith.constant 9 : i32
      %add3A_434 = arith.addi %mul3A_432, %add3A_433 : i32
      %mul3A_435 = arith.constant 8 : i32
      %mul3A_436 = arith.muli %add3A_434, %mul3A_435 : i32
      %get3A_437 = arith.index_cast %mul3A_436 : i32 to index
      %get3A_438 = arith.constant 0 : index
      %get3A_439 = vector.load %arg17[%get3A_437, %get3A_438] : memref<10000x64xf32, #tpu.memory_space<vmem>>, vector<8x64xf32>
      %add3A_440 = arith.addf %scan3A_334, %get3A_439 : vector<8x64xf32>
      %mul3A_441 = arith.constant 16 : i32
      %mul3A_442 = arith.muli %scan3A_324, %mul3A_441 : i32
      %add3A_443 = arith.constant 10 : i32
      %add3A_444 = arith.addi %mul3A_442, %add3A_443 : i32
      %mul3A_445 = arith.constant 8 : i32
      %mul3A_446 = arith.muli %add3A_444, %mul3A_445 : i32
      %get3A_447 = arith.index_cast %mul3A_446 : i32 to index
      %get3A_448 = arith.constant 0 : index
      %get3A_449 = vector.load %arg17[%get3A_447, %get3A_448] : memref<10000x64xf32, #tpu.memory_space<vmem>>, vector<8x64xf32>
      %add3A_450 = arith.addf %scan3A_335, %get3A_449 : vector<8x64xf32>
      %mul3A_451 = arith.constant 16 : i32
      %mul3A_452 = arith.muli %scan3A_324, %mul3A_451 : i32
      %add3A_453 = arith.constant 11 : i32
      %add3A_454 = arith.addi %mul3A_452, %add3A_453 : i32
      %mul3A_455 = arith.constant 8 : i32
      %mul3A_456 = arith.muli %add3A_454, %mul3A_455 : i32
      %get3A_457 = arith.index_cast %mul3A_456 : i32 to index
      %get3A_458 = arith.constant 0 : index
      %get3A_459 = vector.load %arg17[%get3A_457, %get3A_458] : memref<10000x64xf32, #tpu.memory_space<vmem>>, vector<8x64xf32>
      %add3A_460 = arith.addf %scan3A_336, %get3A_459 : vector<8x64xf32>
      %mul3A_461 = arith.constant 16 : i32
      %mul3A_462 = arith.muli %scan3A_324, %mul3A_461 : i32
      %add3A_463 = arith.constant 12 : i32
      %add3A_464 = arith.addi %mul3A_462, %add3A_463 : i32
      %mul3A_465 = arith.constant 8 : i32
      %mul3A_466 = arith.muli %add3A_464, %mul3A_465 : i32
      %get3A_467 = arith.index_cast %mul3A_466 : i32 to index
      %get3A_468 = arith.constant 0 : index
      %get3A_469 = vector.load %arg17[%get3A_467, %get3A_468] : memref<10000x64xf32, #tpu.memory_space<vmem>>, vector<8x64xf32>
      %add3A_470 = arith.addf %scan3A_337, %get3A_469 : vector<8x64xf32>
      %mul3A_471 = arith.constant 16 : i32
      %mul3A_472 = arith.muli %scan3A_324, %mul3A_471 : i32
      %add3A_473 = arith.constant 13 : i32
      %add3A_474 = arith.addi %mul3A_472, %add3A_473 : i32
      %mul3A_475 = arith.constant 8 : i32
      %mul3A_476 = arith.muli %add3A_474, %mul3A_475 : i32
      %get3A_477 = arith.index_cast %mul3A_476 : i32 to index
      %get3A_478 = arith.constant 0 : index
      %get3A_479 = vector.load %arg17[%get3A_477, %get3A_478] : memref<10000x64xf32, #tpu.memory_space<vmem>>, vector<8x64xf32>
      %add3A_480 = arith.addf %scan3A_338, %get3A_479 : vector<8x64xf32>
      %mul3A_481 = arith.constant 16 : i32
      %mul3A_482 = arith.muli %scan3A_324, %mul3A_481 : i32
      %add3A_483 = arith.constant 14 : i32
      %add3A_484 = arith.addi %mul3A_482, %add3A_483 : i32
      %mul3A_485 = arith.constant 8 : i32
      %mul3A_486 = arith.muli %add3A_484, %mul3A_485 : i32
      %get3A_487 = arith.index_cast %mul3A_486 : i32 to index
      %get3A_488 = arith.constant 0 : index
      %get3A_489 = vector.load %arg17[%get3A_487, %get3A_488] : memref<10000x64xf32, #tpu.memory_space<vmem>>, vector<8x64xf32>
      %add3A_490 = arith.addf %scan3A_339, %get3A_489 : vector<8x64xf32>
      %mul3A_491 = arith.constant 16 : i32
      %mul3A_492 = arith.muli %scan3A_324, %mul3A_491 : i32
      %add3A_493 = arith.constant 15 : i32
      %add3A_494 = arith.addi %mul3A_492, %add3A_493 : i32
      %mul3A_495 = arith.constant 8 : i32
      %mul3A_496 = arith.muli %add3A_494, %mul3A_495 : i32
      %get3A_497 = arith.index_cast %mul3A_496 : i32 to index
      %get3A_498 = arith.constant 0 : index
      %get3A_499 = vector.load %arg17[%get3A_497, %get3A_498] : memref<10000x64xf32, #tpu.memory_space<vmem>>, vector<8x64xf32>
      %add3A_500 = arith.addf %scan3A_340, %get3A_499 : vector<8x64xf32>
      scf.yield %add3A_350, %add3A_360, %add3A_370, %add3A_380, %add3A_390, %add3A_400, %add3A_410, %add3A_420, %add3A_430, %add3A_440, %add3A_450, %add3A_460, %add3A_470, %add3A_480, %add3A_490, %add3A_500 : vector<8x64xf32>, vector<8x64xf32>, vector<8x64xf32>, vector<8x64xf32>, vector<8x64xf32>, vector<8x64xf32>, vector<8x64xf32>, vector<8x64xf32>, vector<8x64xf32>, vector<8x64xf32>, vector<8x64xf32>, vector<8x64xf32>, vector<8x64xf32>, vector<8x64xf32>, vector<8x64xf32>, vector<8x64xf32>
    }
    %scan3A_229 = arith.constant 78 : i32
    %get3A_230 = arith.constant 9984 : index
    %get3A_231 = arith.constant 0 : index
    %get3A_232 = vector.load %arg17[%get3A_230, %get3A_231] : memref<10000x64xf32, #tpu.memory_space<vmem>>, vector<8x64xf32>
    %add3A_233 = arith.addf %scan3A_228#0, %get3A_232 : vector<8x64xf32>
    %get3A_234 = arith.constant 9992 : index
    %get3A_235 = arith.constant 0 : index
    %get3A_236 = vector.load %arg17[%get3A_234, %get3A_235] : memref<10000x64xf32, #tpu.memory_space<vmem>>, vector<8x64xf32>
    %add3A_237 = arith.addf %scan3A_228#1, %get3A_236 : vector<8x64xf32>
    %add3A_238 = arith.addf %add3A_233, %add3A_237 : vector<8x64xf32>
    %add3A_239 = arith.addf %add3A_238, %scan3A_228#2 : vector<8x64xf32>
    %add3A_240 = arith.addf %add3A_239, %scan3A_228#3 : vector<8x64xf32>
    %add3A_241 = arith.addf %add3A_240, %scan3A_228#4 : vector<8x64xf32>
    %add3A_242 = arith.addf %add3A_241, %scan3A_228#5 : vector<8x64xf32>
    %add3A_243 = arith.addf %add3A_242, %scan3A_228#6 : vector<8x64xf32>
    %add3A_244 = arith.addf %add3A_243, %scan3A_228#7 : vector<8x64xf32>
    %add3A_245 = arith.addf %add3A_244, %scan3A_228#8 : vector<8x64xf32>
    %add3A_246 = arith.addf %add3A_245, %scan3A_228#9 : vector<8x64xf32>
    %add3A_247 = arith.addf %add3A_246, %scan3A_228#10 : vector<8x64xf32>
    %add3A_248 = arith.addf %add3A_247, %scan3A_228#11 : vector<8x64xf32>
    %add3A_249 = arith.addf %add3A_248, %scan3A_228#12 : vector<8x64xf32>
    %add3A_250 = arith.addf %add3A_249, %scan3A_228#13 : vector<8x64xf32>
    %add3A_251 = arith.addf %add3A_250, %scan3A_228#14 : vector<8x64xf32>
    %add3A_252 = arith.addf %add3A_251, %scan3A_228#15 : vector<8x64xf32>
    %slice3A_253 = vector.extract_strided_slice %add3A_252 {offsets = [0, 0], sizes = [4, 64], strides = [1, 1]} : vector<8x64xf32> to vector<4x64xf32>
    %slice3A_254 = vector.extract_strided_slice %add3A_252 {offsets = [4, 0], sizes = [4, 64], strides = [1, 1]} : vector<8x64xf32> to vector<4x64xf32>
    %add3A_255 = arith.addf %slice3A_253, %slice3A_254 : vector<4x64xf32>
    %slice3A_256 = vector.extract_strided_slice %add3A_255 {offsets = [0, 0], sizes = [2, 64], strides = [1, 1]} : vector<4x64xf32> to vector<2x64xf32>
    %slice3A_257 = vector.extract_strided_slice %add3A_255 {offsets = [2, 0], sizes = [2, 64], strides = [1, 1]} : vector<4x64xf32> to vector<2x64xf32>
    %add3A_258 = arith.addf %slice3A_256, %slice3A_257 : vector<2x64xf32>
    %slice3A_259 = vector.extract_strided_slice %add3A_258 {offsets = [0, 0], sizes = [1, 64], strides = [1, 1]} : vector<2x64xf32> to vector<1x64xf32>
    %slice3A_260 = vector.extract_strided_slice %add3A_258 {offsets = [1, 0], sizes = [1, 64], strides = [1, 1]} : vector<2x64xf32> to vector<1x64xf32>
    %add3A_261 = arith.addf %slice3A_259, %slice3A_260 : vector<1x64xf32>
    %mul3A_262 = arith.constant 9.99999974E-5 : f32
    %mul3A_263 = vector.broadcast %mul3A_262 : f32 to vector<1x64xf32>
    %mul3A_264 = arith.mulf %add3A_261, %mul3A_263 : vector<1x64xf32>
    %get3A_265 = arith.constant 0 : index
    %get3A_266 = arith.constant 0 : index
    %get3A_267 = vector.load %arg6[%get3A_265, %get3A_266] : memref<64x128xf32, #tpu.memory_space<vmem>>, vector<64x128xf32>
    %dot_general3A = arith.constant dense<0.000000e+00> : vector<1x128xf32>
    %dot_general3A_268 = tpu.matmul %mul3A_264, %get3A_267, %dot_general3A {dimension_numbers = #tpu.dot_dimension_numbers<[1], [0], [0], [1], [0, 0, 1, 1], [], []>, transpose_lhs_hint = false} : vector<1x64xf32>, vector<64x128xf32>, vector<1x128xf32> -> vector<1x128xf32>
    %get3A_269 = arith.constant 0 : index
    %get3A_270 = arith.constant 0 : index
    %get3A_271 = vector.load %arg7[%get3A_269, %get3A_270] : memref<1x128xf32, #tpu.memory_space<vmem>>, vector<1x128xf32>
    %add3A_272 = arith.addf %dot_general3A_268, %get3A_271 : vector<1x128xf32>
    %max3A_273 = arith.constant 0.000000e+00 : f32
    %max3A_274 = vector.broadcast %max3A_273 : f32 to vector<1x128xf32>
    %max3A_275 = arith.maximumf %add3A_272, %max3A_274 : vector<1x128xf32>
    %get3A_276 = arith.constant 0 : index
    %get3A_277 = arith.constant 0 : index
    %get3A_278 = vector.load %arg8[%get3A_276, %get3A_277] : memref<128x64xf32, #tpu.memory_space<vmem>>, vector<128x64xf32>
    %dot_general3A_279 = arith.constant dense<0.000000e+00> : vector<1x64xf32>
    %dot_general3A_280 = tpu.matmul %max3A_275, %get3A_278, %dot_general3A_279 {dimension_numbers = #tpu.dot_dimension_numbers<[1], [0], [0], [1], [0, 0, 1, 1], [], []>, transpose_lhs_hint = false} : vector<1x128xf32>, vector<128x64xf32>, vector<1x64xf32> -> vector<1x64xf32>
    %get3A_281 = arith.constant 0 : index
    %get3A_282 = arith.constant 0 : index
    %get3A_283 = vector.load %arg9[%get3A_281, %get3A_282] : memref<1x64xf32, #tpu.memory_space<vmem>>, vector<1x64xf32>
    %add3A_284 = arith.addf %dot_general3A_280, %get3A_283 : vector<1x64xf32>
    %max3A_285 = arith.constant 0.000000e+00 : f32
    %max3A_286 = vector.broadcast %max3A_285 : f32 to vector<1x64xf32>
    %max3A_287 = arith.maximumf %add3A_284, %max3A_286 : vector<1x64xf32>
    %get3A_288 = arith.constant 0 : index
    %get3A_289 = arith.constant 0 : index
    %get3A_290 = vector.load %arg10[%get3A_288, %get3A_289] : memref<64x32xf32, #tpu.memory_space<vmem>>, vector<64x32xf32>
    %dot_general3A_291 = arith.constant dense<0.000000e+00> : vector<1x32xf32>
    %dot_general3A_292 = tpu.matmul %max3A_287, %get3A_290, %dot_general3A_291 {dimension_numbers = #tpu.dot_dimension_numbers<[1], [0], [0], [1], [0, 0, 1, 1], [], []>, transpose_lhs_hint = false} : vector<1x64xf32>, vector<64x32xf32>, vector<1x32xf32> -> vector<1x32xf32>
    %get3A_293 = arith.constant 0 : index
    %get3A_294 = arith.constant 0 : index
    %get3A_295 = vector.load %arg11[%get3A_293, %get3A_294] : memref<1x32xf32, #tpu.memory_space<vmem>>, vector<1x32xf32>
    %add3A_296 = arith.addf %dot_general3A_292, %get3A_295 : vector<1x32xf32>
    %max3A_297 = arith.constant 0.000000e+00 : f32
    %max3A_298 = vector.broadcast %max3A_297 : f32 to vector<1x32xf32>
    %max3A_299 = arith.maximumf %add3A_296, %max3A_298 : vector<1x32xf32>
    %get3A_300 = arith.constant 0 : index
    %get3A_301 = arith.constant 0 : index
    %get3A_302 = vector.load %arg12[%get3A_300, %get3A_301] : memref<32x16xf32, #tpu.memory_space<vmem>>, vector<32x16xf32>
    %dot_general3A_303 = arith.constant dense<0.000000e+00> : vector<1x16xf32>
    %dot_general3A_304 = tpu.matmul %max3A_299, %get3A_302, %dot_general3A_303 {dimension_numbers = #tpu.dot_dimension_numbers<[1], [0], [0], [1], [0, 0, 1, 1], [], []>, transpose_lhs_hint = false} : vector<1x32xf32>, vector<32x16xf32>, vector<1x16xf32> -> vector<1x16xf32>
    %get3A_305 = arith.constant 0 : index
    %get3A_306 = arith.constant 0 : index
    %get3A_307 = vector.load %arg13[%get3A_305, %get3A_306] : memref<1x16xf32, #tpu.memory_space<vmem>>, vector<1x16xf32>
    %add3A_308 = arith.addf %dot_general3A_304, %get3A_307 : vector<1x16xf32>
    %max3A_309 = arith.constant 0.000000e+00 : f32
    %max3A_310 = vector.broadcast %max3A_309 : f32 to vector<1x16xf32>
    %max3A_311 = arith.maximumf %add3A_308, %max3A_310 : vector<1x16xf32>
    %get3A_312 = arith.constant 0 : index
    %get3A_313 = arith.constant 0 : index
    %get3A_314 = vector.load %arg14[%get3A_312, %get3A_313] : memref<16x2xf32, #tpu.memory_space<vmem>>, vector<16x2xf32>
    %dot_general3A_315 = arith.constant dense<0.000000e+00> : vector<1x2xf32>
    %dot_general3A_316 = tpu.matmul %max3A_311, %get3A_314, %dot_general3A_315 {dimension_numbers = #tpu.dot_dimension_numbers<[1], [0], [0], [1], [0, 0, 1, 1], [], []>, transpose_lhs_hint = false} : vector<1x16xf32>, vector<16x2xf32>, vector<1x2xf32> -> vector<1x2xf32>
    %get3A_317 = arith.constant 0 : index
    %get3A_318 = arith.constant 0 : index
    %get3A_319 = vector.load %arg15[%get3A_317, %get3A_318] : memref<1x2xf32, #tpu.memory_space<vmem>>, vector<1x2xf32>
    %add3A_320 = arith.addf %dot_general3A_316, %get3A_319 : vector<1x2xf32>
    %swap3A_321 = arith.constant 0 : index
    %swap3A_322 = arith.constant 0 : index
    %swap3A_323 = vector.load %arg16[%swap3A_321, %swap3A_322] : memref<1x2xf32, #tpu.memory_space<vmem>>, vector<1x2xf32>
    tpu.vector_store %arg16[%swap3A_321, %swap3A_322], %add3A_320 {strides = array<i32>} : memref<1x2xf32, #tpu.memory_space<vmem>>, vector<1x2xf32>,
    return
  }
}

</mosaic_0001>

<sc_bundles>
// kernel: gather_offload_async_start.1
scs
__scs_entry_jumppad:
0x0: {  	(pc) =	sbr.rel $0x88, $3  }
0x1: {  	(tag) =	ssettag $0x0;
	lr =	simm.s32 $0x1  }
0x2: {  	[smem:$0x3F8D] =	sst lr;
	_ =	strace $0xD0000000  }
0x3: {  	_ = 	snop  }
0x4: {  	_ = 	snop  }
0x5: {  	_ = 	snop  }
0x6: {  	_ = 	snop  }
0x7: {  	_ = 	snop  }
__scs_overlays_trampoline_lowered:
0x8: {  	[smem:$0x3F9C] =	sst s0  }
0x9: {  	[smem:$0x3F9D] =	sst s1  }
0xa: {  	[smem:$0x3F9E] =	sst s2  }
0xb: {  	[smem:$0x3F9F] =	sst s3  }
0xc: {  	[smem:$0x3FA0] =	sst s4  }
0xd: {  	[smem:$0x3FA1] =	sst s5  }
0xe: {  	[smem:$0x3FA2] =	sst s6  }
0xf: {  	[smem:$0x3FA3] =	sst s7  }
0x10: {  	[smem:$0x3FA4] =	sst s8  }
0x11: {  	[smem:$0x3FA5] =	sst s9;
	s0 =	simm.s32 @!p0 $0x0  }
0x12: {  	s1 =	sld [smem:$0x3F8B];
	s0 =	simm.s32 @p0 $0x1  }
0x13: {  	[smem:$0x3FA6] =	sst s0;
	s0 =	simm.s32 @!p1 $0x0  }
0x14: {  	s2 =	sld [smem:$0x3F8A];
	s0 =	simm.s32 @p1 $0x1  }
0x15: {  	[smem:$0x3FA7] =	sst s0;
	s0 =	simm.s32 @!p2 $0x0  }
0x16: {  	s3 =	sld [smem:$0x3FDB];
	s0 =	simm.s32 @p2 $0x1  }
0x17: {  	s4 =	simm.s32 $0x1BF5;
	[smem:$0x3FA9] =	sst s0  }
0x18: {  	s0 =	sld [smem:$0x3F8C];
	_ =	swait.ge [sflag:s4], $0x0  }
0x19: {  	s7 =	sld [smem:$0x3F8D]  }
0x1a: {  	s8 =	sadd.s32 $0xFFFFE003, lr  }
0x1b: {  	s9 =	sadd.s32 $0xFFFFFEF7, lr;
	s5 =	simm.s32 $0xFFFFFFFF;
	p2 =	slt.u32 s8, $0xFFFFF086  }
0x1c: {  	p1 =	slt.u32 s9, $0xF7A;
	s5 =	simm.s32 @!p2 $0x0  }
0x1d: {  	s5 =	simm.s32 @p1 $0x1;
	p0 =	seq.s32 s7, s2  }
0x1e: {  	s7 =	smul.u32 @!p0 $0xF7A, s2;
	p2 =	seq.s32 @!p0 s5, $0x0  }
0x1f: {  	s9 =	smul.u32 $0xF7A, s1;
	s8 =	simm.s32 @!p0 $0x1BF5;
	p2 =	por !p2, p0  }
0x20: {  	[sflag:s8] =	ssyncset.s32 @!p0 $0xFFFFF086;
	s6 =	sadd.s32 @!p0 s3, s7;
	s7 =	simm.s32 @!p0 $0x108  }
0x21: {  	s3 =	sadd.s32 s3, s9;
	s6 =	sadd.s32 @!p0 $0x88, s6;
	s7 =	simm.s32 @p2 $0x1082  }
0x22: {  	[simem:s7], [sflag:s8] =	dma.local @!p0 [hbm:s6], $0xF7A  }
0x23: {  	s9 =	sor.u32 $0xD0000000, s2;
	s6 =	simm.s32 $0x108;
	_ =	swait.ge @!p0 [sflag:s8], $0x0  }
0x24: {  	s3 =	sadd.s32 $0x88, s3;
	s6 =	simm.s32 @!p1 $0x1082;
	[sflag:s4] =	ssyncset.s32 $0xFFFFF086  }
0x25: {  	[simem:s6], [sflag:s4] =	dma.local [hbm:s3], $0xF7A  }
0x26: {  	[smem:$0x3F8D] =	sst s1;
	(tag) =	ssettag s2;
	_ =	strace s9  }
0x27: {  	s1 =	sld [smem:$0x3F9D]  }
0x28: {  	s2 =	sld [smem:$0x3F9E]  }
0x29: {  	s4 =	sld [smem:$0x3FA0]  }
0x2a: {  	p0 =	seq.s32 s5, $0x0;
	s5 =	sld [smem:$0x3FA1]  }
0x2b: {  	s6 =	sld [smem:$0x3FA2]  }
0x2c: {  	s7 =	sld [smem:$0x3FA3]  }
0x2d: {  	s3 =	simm.s32 $0x108;
	s8 =	sld [smem:$0x3FA4]  }
0x2e: {  	s3 =	simm.s32 @!p0 $0x1082;
	s9 =	sld [smem:$0x3FA5]  }
0x2f: {  	lr =	sadd.s32 s0, s3;
	s0 =	sld [smem:$0x3F9C]  }
0x30: {  	s3 =	sld [smem:$0x3F9F]  }
0x31: {  	[smem:$0x3FA8] =	sst s10  }
0x32: {  	s10 =	sld [smem:$0x3FA6];
	_ =	sdelay $0x3  }
0x33: {  	p0 =	seq.s32 s10, $0x1;
	s10 =	sld [smem:$0x3FA8];
	_ =	sdelay $0x3  }
0x34: {  	[smem:$0x3FA8] =	sst s10  }
0x35: {  	s10 =	sld [smem:$0x3FA7];
	_ =	sdelay $0x3  }
0x36: {  	p1 =	seq.s32 s10, $0x1;
	s10 =	sld [smem:$0x3FA8];
	_ =	sdelay $0x3  }
0x37: {  	[smem:$0x3FA8] =	sst s10  }
0x38: {  	s10 =	sld [smem:$0x3FA9]  }
0x39: {  	_ = 	snop;
	(pc) =	sbr.ind lr, $3  }
0x3a: {  	_ = 	snop  }
0x3b: {  	_ = 	snop  }
0x3c: {  	p2 =	seq.s32 s10, $0x1;
	s10 =	sld [smem:$0x3FA8]  }
0x3d: {  	_ =	shalt  }
0x3e: {  	_ =	shalt  }
0x3f: {  	_ =	shalt  }
0x40: {  	_ =	shalt  }
0x41: {  	_ =	shalt  }
0x42: {  	_ =	shalt  }
0x43: {  	_ =	shalt  }
0x44: {  	_ =	shalt  }
0x45: {  	_ =	shalt  }
0x46: {  	_ =	shalt  }
0x47: {  	_ =	shalt  }
0x48: {  	_ =	shalt  }
0x49: {  	_ =	shalt  }
0x4a: {  	_ =	shalt  }
0x4b: {  	_ =	shalt  }
0x4c: {  	_ =	shalt  }
0x4d: {  	_ =	shalt  }
0x4e: {  	_ =	shalt  }
0x4f: {  	_ =	shalt  }
0x50: {  	_ =	shalt  }
0x51: {  	_ =	shalt  }
0x52: {  	_ =	shalt  }
0x53: {  	_ =	shalt  }
0x54: {  	_ =	shalt  }
0x55: {  	_ =	shalt  }
0x56: {  	_ =	shalt  }
0x57: {  	_ =	shalt  }
0x58: {  	_ =	shalt  }
0x59: {  	_ =	shalt  }
0x5a: {  	_ =	shalt  }
0x5b: {  	_ =	shalt  }
0x5c: {  	_ =	shalt  }
0x5d: {  	_ =	shalt  }
0x5e: {  	_ =	shalt  }
0x5f: {  	_ =	shalt  }
0x60: {  	_ =	shalt  }
0x61: {  	_ =	shalt  }
0x62: {  	_ =	shalt  }
0x63: {  	_ =	shalt  }
0x64: {  	_ =	shalt  }
0x65: {  	_ =	shalt  }
0x66: {  	_ =	shalt  }
0x67: {  	_ =	shalt  }
0x68: {  	_ =	shalt  }
0x69: {  	_ =	shalt  }
0x6a: {  	_ =	shalt  }
0x6b: {  	_ =	shalt  }
0x6c: {  	_ =	shalt  }
0x6d: {  	_ =	shalt  }
0x6e: {  	_ =	shalt  }
0x6f: {  	_ =	shalt  }
0x70: {  	_ =	shalt  }
0x71: {  	_ =	shalt  }
0x72: {  	_ =	shalt  }
0x73: {  	_ =	shalt  }
0x74: {  	_ =	shalt  }
0x75: {  	_ =	shalt  }
0x76: {  	_ =	shalt  }
0x77: {  	_ =	shalt  }
0x78: {  	_ =	shalt  }
0x79: {  	_ =	shalt  }
0x7a: {  	_ =	shalt  }
0x7b: {  	_ =	shalt  }
0x7c: {  	_ =	shalt  }
0x7d: {  	_ =	shalt  }
0x7e: {  	_ =	shalt  }
0x7f: {  	_ =	shalt  }
0x80: {  	_ =	shalt  }
0x81: {  	_ =	shalt  }
0x82: {  	_ =	shalt  }
0x83: {  	_ =	shalt  }
0x84: {  	_ =	shalt  }
0x85: {  	_ =	shalt  }
0x86: {  	_ =	shalt  }
0x87: {  	_ =	shalt  }
.Lfunc_end0:
.L_simem_size_0:
called_computation.1_lowered:
.L_overlay_start_0:
0x88: {  	s2 =	sld [smem:$0x3FD9]  }
0x89: {  	s3 =	sld [smem:$0x3FFE];
	_ =	sdelay $0x1  }
0x8a: {  	s1 =	srdreg.scid  }
0x8b: {  	s0 =	sand.u32 $0x1, s1  }
0x8c: {  	s16 =	sshll.u32 s0, $0xA;
	s2 =	sadd.s32 s3, s2  }
0x8d: {  	s2 =	sadd.s32 s2, s16  }
0x8e: {  	[smem:$0x3FB4] =	sst s2  }
0x8f: {  	_ = 	snop  }
0x90: {  	(tm) =	ssettm $0x1  }
0x91: {  	s17 =	sld [smem:$0x3FFB];
	_ =	sdelay $0x3  }
0x92: {  	_ =	strace s17  }
0x93: {  	s2 =	sld [smem:$0x3FFC];
	_ =	sdelay $0x3  }
0x94: {  	_ =	strace s2  }
0x95: {  	s2 =	sld [smem:$0x3FFD];
	_ =	sdelay $0x3  }
0x96: {  	_ =	strace s2  }
0x97: {  	_ =	strace $0x8FFFFFFF  }
0x98: {  	s18 =	sld [smem:$0x3FDB];
	_ =	sdelay $0x1  }
0x99: {  	s19 =	simm.s32 $_scs_section_size  }
0x9a: {  	s4 =	simm.s32 $_size__tile_overlayer_lowered;
	s5 =	simm.s32 $_tile_overlayer_lowered  }
0x9b: {  	s22 =	simm.s32 $0x1BFF;
	s21 =	sshll.u32 s5, $0x1;
	s2 =	sadd.s32 s19, s18  }
0x9c: {  	s6 =	simm.s32 $0x0;
	s20 =	sshll.u32 s4, $0x1;
	s4 =	sadd.s32 s21, s2  }
0x9d: {  	[timem:s6], [sflag:s22] =	dma.local [hbm:s4], s20  }
0x9e: {  	_ =	swait.ge [sflag:s22], s20  }
0x9f: {  	s3 =	ssub.s32 $0x0, s20;
	[sflag:s22] =	ssyncset.done $0x0  }
0xa0: {  	[sflag:s22] =	ssyncadd.s32 s3;
	_ =	sdelay $0x1  }
0xa1: {  	s23 =	simm.s32 $0x1B8B  }
0xa2: {  	_ =	swait.ge [sflag:s23], $0x1  }
0xa3: {  	[sflag:s23] =	ssyncset.done $0x0  }
0xa4: {  	s25 =	simm.s32 $0x1B8E;
	s24 =	sld [smem:$0x3FFE];
	[sflag:s23] =	ssyncadd.s32 $0xFFFFFFFF  }
0xa5: {  	s26 =	simm.s32 $execute0_lowered;
	[smem:$0x3FD2] =	sst s25  }
0xa6: {  	s4 =	sshll.u32 s26, $0x1;
	_ =	strace $0x80000046;
	[dreg:$0x1] =	wrdreg $0xFFFFFFFF  }
0xa7: {  	s28 =	simm.s32 $_size_execute0_lowered;
	s2 =	sadd.s32 s2, s4;
	[dreg:$0x0] =	wrdreg $0x0  }
0xa8: {  	s4 =	sshll.u32 s28, $0x1;
	[dreg:$0x2] =	wrdreg s2  }
0xa9: {  	[dreg:$0x3] =	wrdreg s4  }
0xaa: {  	[dreg:$0x4] =	wrdreg $0xC0  }
0xab: {  	_ =	task [dreg:s6], $0x5FFFF  }
0xac: {  	[dreg:$0x1] =	wrdreg $0xFFFFFFFF  }
0xad: {  	[dreg:$0x0] =	wrdreg $0x60  }
0xae: {  	[dreg:$0x2] =	wrdreg s24  }
0xaf: {  	[dreg:$0x3] =	wrdreg $0xA  }
0xb0: {  	_ =	task.clear_ibuf [dreg:s6], $0x4FFFF;
	_ =	strace $0x90000046  }
0xb1: {  	s29 =	simm.s32 $0xA;
	_ =	strace $0x80000048  }
0xb2: {  	_ =	swait.ge [sflag:s29], $0x1  }
0xb3: {  	[sflag:s29] =	ssyncadd.s32 $0xFFFFFFFF  }
0xb4: {  	_ =	strace $0x90000048  }
0xb5: {  	_ =	sfence  }
0xb6: {  	s30 =	sld [smem:$0x0];
	_ =	sdelay $0x2  }
0xb7: {  	s31 =	sshll.u32 s1, $0xD;
	s1 =	sshrl.u32 s1, $0x2  }
0xb8: {  	s3 =	sand.u32 $0x4000, s31;
	s1 =	sadd.s32 s1, s30  }
0xb9: {  	s0 =	sor.u32 s3, s0;
	s1 =	sshll.u32 s1, $0x11  }
0xba: {  	s0 =	sor.u32 s1, s0  }
0xbb: {  	s0 =	sadd.s32 $0x8F2B, s0  }
0xbc: {  	[sflag:s0] =	ssyncadd.remote.s32 $0x1  }
0xbd: {  	_ =	sfence.sel $0xFFFF  }
0xbe: {  	[dreg:$0x0] =	wrdreg $0xFFFFFFFF;
	(pc) =	sbr.abs _section_cstart, $3  }
0xbf: {  	[dreg:$0x1] =	wrdreg $0xFFFFFFFF  }
0xc0: {  	_ =	task.clear_ibuf [dreg:s6], $0x2FFFF;
	_ =	strace $0x9FFFFFFF  }
0xc1: {  	(tm) =	ssettm $0x7FFFFFFF  }
tec
execute0_lowered:
.L_overlay_start_1:
0x0: {  	(tag) =	ssettag $0x1  }
0x1: {  	s8 =	rddreg [dreg:$0x0]  }
0x2: {  	s0 =	rddreg [dreg:$0x1];
	_ =	strace $0x80000047;
	s1 =	stileid.u32  }
0x3: {  	s3 =	srdreg.scid;
	s4 =	simm.s32 $0x1;
	s7 =	simm.s32 $0x1  }
0x4: {  	s9 =	simm.s32 $0x1;
	s10 =	simm.s32 $0x3;
	s13 =	simm.s32 $0x0  }
0x5: {  	s12 =	simm.s32 $0x0;
	s5 =	sand.u32 $0x1, s3;
	s6 =	sshll.u32 s1, $0x1  }
0x6: {  	s2 =	sadd.s32 $0xCA00, s8;
	s3 =	sadd.s32 $0x16800, s8;
	s5 =	sor.u32 s6, s5  }
.Ltmp0:
0x7: {  	[sflag:s4] =	ssyncpa.u1 $0x0;
	p0 =	slt.u32 s5, $0x9;
	(pc) =	sbr.rel .LBB2_1-.Ltmp0, $4  }
0x8: {  	s6 =	simm.s32 $0x2;
	s7 =	simm.s32 @!p0 $0x0;
	p0 =	sne.s32 s5, $0x8  }
0x9: {  	[sflag:s6] =	ssyncpa.u1 $0x0;
	s5 =	smul.u32 $0x1F40, s5;
	s9 =	simm.s32 @!p0 $0x0  }
0xa: {  	s8 =	sadd.s32 $0x48600, s8;
	[sflag:s10] =	ssyncpa.u1 $0x0;
	s7 =	sadd.s32 s9, s7  }
0xb: {  	vm0 =	vmmov $0xffff;
	s10 =	simm.s32 $0x0;
	s11 =	smov.u32 s5;
	s9 =	sadd.s32 $0x1, s7  }
.LBB2_4:
0xc: {  	v2 =	vnsel vm1, $0x0, v2  }
0xd: {  	vm1 =	vgt.s32 v0, $0x0;
	v2 =	vmin.u32 v2, $0x4E1FF  }
0xe: {  	v0 =	vnsel vm1, $0x0, v0  }
0xf: {  	v0 =	vmin.u32 v0, $0x4E1FF  }
0x10: {  	[tilespmem:s18], [sflag:$0x1] =	stream.indirect_vreg.gather [hbm4b:s2+s10], $0x1, v1, vm0, $0x4038;
	[tilespmem:$0x7D00] =	vst v63  }
0x11: {  	(ifvalue) =	ssetifvalue $0x7FFFFFFF  }
0x12: {  	[tilespmem:s15], [sflag:$0x1] =	stream.indirect_vreg.gather [hbm4b:s2+s10], $0x1, v2, vm0, $0x4038;
	[tilespmem:$0x7D00] =	vst v63  }
0x13: {  	s29 =	sadd.s32 $0x10, s15;
	(ifvalue) =	ssetifvalue $0x7FFFFFFF  }
0x14: {  	[tilespmem:s29], [sflag:$0x1] =	stream.indirect_vreg.gather [hbm4b:s2+s10], $0x1, v0, vm0, $0x4038;
	[tilespmem:$0x7D00] =	vst v63  }
0x15: {  	_ =	swait.ge [sflag:s4], $0x1F40  }
0x16: {  	s30 =	sshrl.u32 s13, $0x3;
	[sflag:s4] =	ssyncset.done $0x0  }
0x17: {  	s31 =	sand.u32 $0x7, s13;
	s15 =	sadd.s32 s8, s30;
	[sflag:s4] =	ssyncadd.s32 $0xFFFFE0C0  }
0x18: {  	[hbm4b:s15+s31] =	stream.linear.scatter [tilespmem:s14], [sflag:$0x3], $0x1F40, $0x38;
	[tilespmem:$0x7D00] =	vst v63  }
.LBB2_5:
0x19: {  	s15 =	sadd.s32 $0x3E800, s11  }
0x1a: {  	p1 =	sgt.s32 s15, $0x4E1FF  }
0x1b: {  	s15 =	smov.u32 @p1 s5;
	p1 =	sne.s32 s12, s9  }
.Ltmp1:
0x1c: {  	p0 =	slt.u32 s12, $0x2;
	(pc) =	sbr.rel @!p1 .LBB2_6-.Ltmp1, $4  }
0x1d: {  	s14 =	simm.s32 @!p0 $0x3  }
0x1e: {  	_ =	swait.ge @!p0 [sflag:s14], $0x1F40  }
0x1f: {  	s16 =	sadd.s32 $0x1, s12;
	s13 =	smov.u32 s11;
	[sflag:s14] =	ssyncset.done @!p0 $0x0  }
0x20: {  	s12 =	smov.u32 s16;
	s11 =	smov.u32 s15;
	[sflag:s14] =	ssyncadd.s32 @!p0 $0xFFFFE0C0  }
.LBB2_1:
0x21: {  	p0 =	sge.u32 s12, s7  }
0x22: {  	s14 =	sxor.u32 @!p0 $0x1, s12  }
0x23: {  	s14 =	smul.u32 @!p0 $0x7D00, s14  }
0x24: {  	s31 =	sadd.s32 $0xFFFFFFFF, s12;
	s15 =	sshrl.u32 @!p0 s11, $0x3  }
0x25: {  	s16 =	sand.u32 @!p0 $0x7, s11;
	s15 =	sadd.s32 @!p0 s3, s15;
	s14 =	sshra.s32 @!p0 s14, $0x2  }
0x26: {  	[tilespmem:s14], [sflag:$0x2] =	stream.linear.gather @!p0 [hbm4b:s15+s16], $0x1F40, $0x38;
	[tilespmem:$0x7D00] =	vst v63  }
0x27: {  	p0 =	sge.u32 s31, s7  }
.Ltmp2:
0x28: {  	_ = 	snop;
	(pc) =	sbr.rel @p0 .LBB2_5-.Ltmp2, $1  }
0x29: {  	_ =	sdelay $0x3  }
0x2a: {  	s14 =	sand.u32 $0x1, s12  }
0x2b: {  	_ =	swait.ge [sflag:s6], $0x1F40;
	p0 =	seq.s32 s14, $0x1;
	s14 =	simm.s32 $0x1F40  }
0x2c: {  	[sflag:s6] =	ssyncset.done $0x0;
	s14 =	simm.s32 @!p0 $0x0  }
0x2d: {  	[sflag:s6] =	ssyncadd.s32 $0xFFFFE0C0;
	(ifvalue) =	ssetifvalue $0x7FFFFFFF;
	v0 =	vld.msk [tilespmem:s14+$0x0 ss:$0x1], $0xffff;
	_ =	sdelay $0x4  }
0x2e: {  	s15 =	sadd.s32 $0x10, s14;
	vm1 =	vgt.s32 v0, $0x0  }
0x2f: {  	v2 =	vld.msk [tilespmem:s15+$0x0 ss:$0x1], $0xffff;
	v1 =	vnsel vm1, $0x0, v0  }
0x30: {  	v1 =	vmin.u32 v1, $0x4E1FF;
	_ =	sdelay $0x2  }
0x31: {  	s17 =	simm.s32 $0x20;
	s14 =	sadd.s32 $0x3E80, s14;
	s16 =	sadd.s32 $0x10, s15  }
0x32: {  	s15 =	sadd.s32 $0x10, s14;
	s18 =	smov.u32 s14;
	v0 =	vld.msk [tilespmem:s16+$0x0 ss:$0x1], $0xffff;
	vm1 =	vgt.s32 v2, $0x0;
	(ifvalue) =	ssetifvalue $0x7FFFFFFF  }
.LBB2_3:
0x33: {  	[tilespmem:s18], [sflag:$0x1] =	stream.indirect_vreg.gather [hbm4b:s2+s10], $0x1, v1, vm0, $0x4038;
	[tilespmem:$0x7D00] =	vst v63  }
0x34: {  	s17 =	sadd.s32 $0x10, s17  }
0x35: {  	v2 =	vnsel vm1, $0x0, v2;
	p0 =	slt.u32 s17, $0x1F30  }
.Ltmp3:
0x36: {  	s18 =	smov.u32 s15;
	v1 =	vmin.u32 v2, $0x4E1FF;
	(pc) =	sbr.rel @p0 .LBB2_3-.Ltmp3, $3  }
0x37: {  	_ =	sdelay $0x1  }
0x38: {  	s16 =	sadd.s32 $0x10, s16  }
0x39: {  	vm1 =	vgt.s32 v0, $0x0;
	s15 =	sadd.s32 $0x10, s15;
	v2 =	vmov v0;
	(ifvalue) =	ssetifvalue $0x7FFFFFFF;
	v0 =	vld.msk [tilespmem:s16+$0x0 ss:$0x1], $0xffff  }
.Ltmp4:
0x3a: {  	_ = 	snop;
	(pc) =	sbr.rel .LBB2_4-.Ltmp4, $1  }
0x3b: {  	_ =	sdelay $0x3  }
.LBB2_6:
0x3c: {  	_ =	sfence.sel $0x180000  }
0x3d: {  	s2 =	simm.s32 $0x2;
	[bflag:$0x0] =	sbarrier.arrive $0xFFFF  }
0x3e: {  	s30 =	simm.s32 $0x3;
	[sflag:s2] =	ssyncpa.u1 $0x1  }
0x3f: {  	s31 =	simm.s32 $0x1;
	[sflag:s30] =	ssyncpa.u1 $0x1  }
0x40: {  	[sflag:s31] =	ssyncpa.u1 $0x1  }
0x41: {  	p0 =	sne.s32 s1, $0x0;
	_ =	strace $0x90000047  }
0x42: {  	s0 =	sadd.s32 @!p0 $0x100000, s0;
	[bflag:$0x2] =	sbarrier.arrive $0xFFFF  }
0x43: {  	[sflag:s0] =	ssyncadd.tile.s32 @!p0 $0x1;
	_ =	shalt  }
.Lfunc_end2:
_tile_overlayer_lowered:
.L_overlay_start_2:
0x44: {  	(tag) =	ssettag $0x2  }
0x45: {  	s0 =	rddreg [dreg:$0x0];
	s2 =	stileid.u32  }
0x46: {  	s1 =	rddreg [dreg:$0x1];
	p0 =	sne.s32 s2, $0x0  }
0x47: {  	s3 =	rddreg [dreg:$0x2];
	[bflag:$0x3] =	sbarrier.arrive $0xFFFF;
	s2 =	simm.s32 @!p0 $0x1C01  }
0x48: {  	[timem:s3], [sflag:s2] =	dma.local @!p0 [hbm:s0], s1  }
0x49: {  	s0 =	simm.s32 @!p0 $0x1  }
0x4a: {  	_ =	swait.ge @!p0 [sflag:s0], s1  }
0x4b: {  	s1 =	ssub.s32 @!p0 $0x0, s1;
	[sflag:s0] =	ssyncset.done @!p0 $0x0  }
0x4c: {  	[sflag:s0] =	ssyncadd.s32 @!p0 s1  }
0x4d: {  	[bflag:$0x3] =	sbarrier.arrive $0xFFFF  }
0x4e: {  	_ =	shalt  }

// kernel: gather_offload_async_start
scs
__scs_entry_jumppad:
0x0: {  	(pc) =	sbr.rel $0x88, $3  }
0x1: {  	(tag) =	ssettag $0x0;
	lr =	simm.s32 $0x1  }
0x2: {  	[smem:$0x3F8D] =	sst lr;
	_ =	strace $0xD0000000  }
0x3: {  	_ = 	snop  }
0x4: {  	_ = 	snop  }
0x5: {  	_ = 	snop  }
0x6: {  	_ = 	snop  }
0x7: {  	_ = 	snop  }
__scs_overlays_trampoline_lowered:
0x8: {  	[smem:$0x3F9C] =	sst s0  }
0x9: {  	[smem:$0x3F9D] =	sst s1  }
0xa: {  	[smem:$0x3F9E] =	sst s2  }
0xb: {  	[smem:$0x3F9F] =	sst s3  }
0xc: {  	[smem:$0x3FA0] =	sst s4  }
0xd: {  	[smem:$0x3FA1] =	sst s5  }
0xe: {  	[smem:$0x3FA2] =	sst s6  }
0xf: {  	[smem:$0x3FA3] =	sst s7  }
0x10: {  	[smem:$0x3FA4] =	sst s8  }
0x11: {  	[smem:$0x3FA5] =	sst s9;
	s0 =	simm.s32 @!p0 $0x0  }
0x12: {  	s1 =	sld [smem:$0x3F8B];
	s0 =	simm.s32 @p0 $0x1  }
0x13: {  	[smem:$0x3FA6] =	sst s0;
	s0 =	simm.s32 @!p1 $0x0  }
0x14: {  	s2 =	sld [smem:$0x3F8A];
	s0 =	simm.s32 @p1 $0x1  }
0x15: {  	[smem:$0x3FA7] =	sst s0;
	s0 =	simm.s32 @!p2 $0x0  }
0x16: {  	s3 =	sld [smem:$0x3FDB];
	s0 =	simm.s32 @p2 $0x1  }
0x17: {  	s4 =	simm.s32 $0x1BF5;
	[smem:$0x3FA9] =	sst s0  }
0x18: {  	s0 =	sld [smem:$0x3F8C];
	_ =	swait.ge [sflag:s4], $0x0  }
0x19: {  	s7 =	sld [smem:$0x3F8D]  }
0x1a: {  	s8 =	sadd.s32 $0xFFFFE003, lr  }
0x1b: {  	s9 =	sadd.s32 $0xFFFFFEF7, lr;
	s5 =	simm.s32 $0xFFFFFFFF;
	p2 =	slt.u32 s8, $0xFFFFF086  }
0x1c: {  	p1 =	slt.u32 s9, $0xF7A;
	s5 =	simm.s32 @!p2 $0x0  }
0x1d: {  	s5 =	simm.s32 @p1 $0x1;
	p0 =	seq.s32 s7, s2  }
0x1e: {  	s7 =	smul.u32 @!p0 $0xF7A, s2;
	p2 =	seq.s32 @!p0 s5, $0x0  }
0x1f: {  	s9 =	smul.u32 $0xF7A, s1;
	s8 =	simm.s32 @!p0 $0x1BF5;
	p2 =	por !p2, p0  }
0x20: {  	[sflag:s8] =	ssyncset.s32 @!p0 $0xFFFFF086;
	s6 =	sadd.s32 @!p0 s3, s7;
	s7 =	simm.s32 @!p0 $0x108  }
0x21: {  	s3 =	sadd.s32 s3, s9;
	s6 =	sadd.s32 @!p0 $0x88, s6;
	s7 =	simm.s32 @p2 $0x1082  }
0x22: {  	[simem:s7], [sflag:s8] =	dma.local @!p0 [hbm:s6], $0xF7A  }
0x23: {  	s9 =	sor.u32 $0xD0000000, s2;
	s6 =	simm.s32 $0x108;
	_ =	swait.ge @!p0 [sflag:s8], $0x0  }
0x24: {  	s3 =	sadd.s32 $0x88, s3;
	s6 =	simm.s32 @!p1 $0x1082;
	[sflag:s4] =	ssyncset.s32 $0xFFFFF086  }
0x25: {  	[simem:s6], [sflag:s4] =	dma.local [hbm:s3], $0xF7A  }
0x26: {  	[smem:$0x3F8D] =	sst s1;
	(tag) =	ssettag s2;
	_ =	strace s9  }
0x27: {  	s1 =	sld [smem:$0x3F9D]  }
0x28: {  	s2 =	sld [smem:$0x3F9E]  }
0x29: {  	s4 =	sld [smem:$0x3FA0]  }
0x2a: {  	p0 =	seq.s32 s5, $0x0;
	s5 =	sld [smem:$0x3FA1]  }
0x2b: {  	s6 =	sld [smem:$0x3FA2]  }
0x2c: {  	s7 =	sld [smem:$0x3FA3]  }
0x2d: {  	s3 =	simm.s32 $0x108;
	s8 =	sld [smem:$0x3FA4]  }
0x2e: {  	s3 =	simm.s32 @!p0 $0x1082;
	s9 =	sld [smem:$0x3FA5]  }
0x2f: {  	lr =	sadd.s32 s0, s3;
	s0 =	sld [smem:$0x3F9C]  }
0x30: {  	s3 =	sld [smem:$0x3F9F]  }
0x31: {  	[smem:$0x3FA8] =	sst s10  }
0x32: {  	s10 =	sld [smem:$0x3FA6];
	_ =	sdelay $0x3  }
0x33: {  	p0 =	seq.s32 s10, $0x1;
	s10 =	sld [smem:$0x3FA8];
	_ =	sdelay $0x3  }
0x34: {  	[smem:$0x3FA8] =	sst s10  }
0x35: {  	s10 =	sld [smem:$0x3FA7];
	_ =	sdelay $0x3  }
0x36: {  	p1 =	seq.s32 s10, $0x1;
	s10 =	sld [smem:$0x3FA8];
	_ =	sdelay $0x3  }
0x37: {  	[smem:$0x3FA8] =	sst s10  }
0x38: {  	s10 =	sld [smem:$0x3FA9]  }
0x39: {  	_ = 	snop;
	(pc) =	sbr.ind lr, $3  }
0x3a: {  	_ = 	snop  }
0x3b: {  	_ = 	snop  }
0x3c: {  	p2 =	seq.s32 s10, $0x1;
	s10 =	sld [smem:$0x3FA8]  }
0x3d: {  	_ =	shalt  }
0x3e: {  	_ =	shalt  }
0x3f: {  	_ =	shalt  }
0x40: {  	_ =	shalt  }
0x41: {  	_ =	shalt  }
0x42: {  	_ =	shalt  }
0x43: {  	_ =	shalt  }
0x44: {  	_ =	shalt  }
0x45: {  	_ =	shalt  }
0x46: {  	_ =	shalt  }
0x47: {  	_ =	shalt  }
0x48: {  	_ =	shalt  }
0x49: {  	_ =	shalt  }
0x4a: {  	_ =	shalt  }
0x4b: {  	_ =	shalt  }
0x4c: {  	_ =	shalt  }
0x4d: {  	_ =	shalt  }
0x4e: {  	_ =	shalt  }
0x4f: {  	_ =	shalt  }
0x50: {  	_ =	shalt  }
0x51: {  	_ =	shalt  }
0x52: {  	_ =	shalt  }
0x53: {  	_ =	shalt  }
0x54: {  	_ =	shalt  }
0x55: {  	_ =	shalt  }
0x56: {  	_ =	shalt  }
0x57: {  	_ =	shalt  }
0x58: {  	_ =	shalt  }
0x59: {  	_ =	shalt  }
0x5a: {  	_ =	shalt  }
0x5b: {  	_ =	shalt  }
0x5c: {  	_ =	shalt  }
0x5d: {  	_ =	shalt  }
0x5e: {  	_ =	shalt  }
0x5f: {  	_ =	shalt  }
0x60: {  	_ =	shalt  }
0x61: {  	_ =	shalt  }
0x62: {  	_ =	shalt  }
0x63: {  	_ =	shalt  }
0x64: {  	_ =	shalt  }
0x65: {  	_ =	shalt  }
0x66: {  	_ =	shalt  }
0x67: {  	_ =	shalt  }
0x68: {  	_ =	shalt  }
0x69: {  	_ =	shalt  }
0x6a: {  	_ =	shalt  }
0x6b: {  	_ =	shalt  }
0x6c: {  	_ =	shalt  }
0x6d: {  	_ =	shalt  }
0x6e: {  	_ =	shalt  }
0x6f: {  	_ =	shalt  }
0x70: {  	_ =	shalt  }
0x71: {  	_ =	shalt  }
0x72: {  	_ =	shalt  }
0x73: {  	_ =	shalt  }
0x74: {  	_ =	shalt  }
0x75: {  	_ =	shalt  }
0x76: {  	_ =	shalt  }
0x77: {  	_ =	shalt  }
0x78: {  	_ =	shalt  }
0x79: {  	_ =	shalt  }
0x7a: {  	_ =	shalt  }
0x7b: {  	_ =	shalt  }
0x7c: {  	_ =	shalt  }
0x7d: {  	_ =	shalt  }
0x7e: {  	_ =	shalt  }
0x7f: {  	_ =	shalt  }
0x80: {  	_ =	shalt  }
0x81: {  	_ =	shalt  }
0x82: {  	_ =	shalt  }
0x83: {  	_ =	shalt  }
0x84: {  	_ =	shalt  }
0x85: {  	_ =	shalt  }
0x86: {  	_ =	shalt  }
0x87: {  	_ =	shalt  }
.Lfunc_end0:
.L_simem_size_0:
called_computation_lowered:
.L_overlay_start_0:
0x88: {  	s2 =	sld [smem:$0x3FD9]  }
0x89: {  	s3 =	sld [smem:$0x3FFE];
	_ =	sdelay $0x1  }
0x8a: {  	s1 =	srdreg.scid  }
0x8b: {  	s0 =	sand.u32 $0x1, s1  }
0x8c: {  	s17 =	sshll.u32 s0, $0xA;
	s2 =	sadd.s32 s3, s2  }
0x8d: {  	s2 =	sadd.s32 s2, s17  }
0x8e: {  	[smem:$0x3FB4] =	sst s2  }
0x8f: {  	_ = 	snop  }
0x90: {  	(tm) =	ssettm $0x1  }
0x91: {  	s18 =	sld [smem:$0x3FFB];
	_ =	sdelay $0x3  }
0x92: {  	_ =	strace s18  }
0x93: {  	s2 =	sld [smem:$0x3FFC];
	_ =	sdelay $0x3  }
0x94: {  	_ =	strace s2  }
0x95: {  	s2 =	sld [smem:$0x3FFD];
	_ =	sdelay $0x3  }
0x96: {  	_ =	strace s2  }
0x97: {  	_ =	strace $0x8FFFFFFF  }
0x98: {  	s19 =	sld [smem:$0x3FDB];
	_ =	sdelay $0x1  }
0x99: {  	s20 =	simm.s32 $_scs_section_size  }
0x9a: {  	s4 =	simm.s32 $_size__tile_overlayer_lowered;
	s5 =	simm.s32 $_tile_overlayer_lowered  }
0x9b: {  	s6 =	simm.s32 $0x1BFF;
	s21 =	sshll.u32 s5, $0x1;
	s3 =	sadd.s32 s20, s19  }
0x9c: {  	s22 =	simm.s32 $0x0;
	s4 =	sshll.u32 s4, $0x1;
	s5 =	sadd.s32 s21, s3  }
0x9d: {  	[timem:s22], [sflag:s6] =	dma.local [hbm:s5], s4  }
0x9e: {  	_ =	swait.ge [sflag:s6], s4  }
0x9f: {  	s4 =	ssub.s32 $0x0, s4;
	[sflag:s6] =	ssyncset.done $0x0  }
0xa0: {  	[sflag:s6] =	ssyncadd.s32 s4;
	_ =	sdelay $0x1  }
0xa1: {  	s23 =	simm.s32 $0x1B8B  }
0xa2: {  	_ =	swait.ge [sflag:s23], $0x1  }
0xa3: {  	[sflag:s23] =	ssyncset.done $0x0  }
0xa4: {  	[sflag:s23] =	ssyncadd.s32 $0xFFFFFFFF  }
0xa5: {  	s4 =	sld [smem:$0x0]  }
0xa6: {  	s5 =	sand.u32 $0xFFFFFFFE, s1  }
0xa7: {  	p0 =	sne.s32 s1, s5  }
0xa8: {  	s5 =	sshll.u32 @p0 s5, $0xE  }
0xa9: {  	s5 =	sadd.s32 @p0 $0x11B8D, s5;
	s6 =	sshll.u32 @p0 s4, $0x11  }
0xaa: {  	s5 =	sor.u32 @p0 s6, s5  }
0xab: {  	[sflag:s5] =	ssyncadd.remote.s32 @p0 $0x1;
	_ =	sdelay $0x1  }
0xac: {  	s5 =	simm.s32 @p0 $0x1B8D  }
0xad: {  	_ =	swait.eq @p0 [sflag:s5], $0x1  }
0xae: {  	[sflag:s5] =	ssyncadd.s32 @p0 $0xFFFFFFFF  }
0xaf: {  	s6 =	sshll.u32 @!p0 s1, $0xE  }
0xb0: {  	s6 =	sor.u32 @!p0 $0x4000, s6;
	s5 =	simm.s32 @!p0 $0x1B8D  }
0xb1: {  	s4 =	sshll.u32 @!p0 s4, $0x11;
	s6 =	sadd.s32 @!p0 $0x11B8D, s6;
	_ =	swait.eq @!p0 [sflag:s5], $0x1  }
0xb2: {  	s4 =	sor.u32 @!p0 s4, s6;
	[sflag:s5] =	ssyncadd.s32 @!p0 $0xFFFFFFFF  }
0xb3: {  	s25 =	simm.s32 $0x1B8E;
	s24 =	sld [smem:$0x3FFE];
	[sflag:s4] =	ssyncadd.remote.s32 @!p0 $0x1  }
0xb4: {  	s26 =	simm.s32 $execute0_lowered;
	[smem:$0x3FD2] =	sst s25  }
0xb5: {  	s5 =	sshll.u32 s26, $0x1;
	_ =	strace $0x80000049;
	[dreg:$0x1] =	wrdreg $0xFFFFFFFF  }
0xb6: {  	s28 =	simm.s32 $_size_execute0_lowered;
	s3 =	sadd.s32 s3, s5;
	[dreg:$0x0] =	wrdreg $0x0  }
0xb7: {  	s5 =	sshll.u32 s28, $0x1;
	[dreg:$0x2] =	wrdreg s3  }
0xb8: {  	[dreg:$0x3] =	wrdreg s5  }
0xb9: {  	[dreg:$0x4] =	wrdreg $0xC0  }
0xba: {  	_ =	task [dreg:s22], $0x5FFFF  }
0xbb: {  	[dreg:$0x1] =	wrdreg $0xFFFFFFFF  }
0xbc: {  	[dreg:$0x0] =	wrdreg $0x60  }
0xbd: {  	[dreg:$0x2] =	wrdreg s24  }
0xbe: {  	[dreg:$0x3] =	wrdreg $0x9  }
0xbf: {  	_ =	task.clear_ibuf [dreg:s22], $0x4FFFF;
	_ =	strace $0x90000049  }
0xc0: {  	s29 =	simm.s32 $0x9;
	_ =	strace $0x8000004B  }
0xc1: {  	_ =	swait.ge [sflag:s29], $0x1  }
0xc2: {  	[sflag:s29] =	ssyncadd.s32 $0xFFFFFFFF  }
0xc3: {  	_ =	strace $0x9000004B  }
0xc4: {  	_ =	sfence  }
0xc5: {  	s30 =	sld [smem:$0x0];
	_ =	sdelay $0x2  }
0xc6: {  	s31 =	sshll.u32 s1, $0xD;
	s1 =	sshrl.u32 s1, $0x2  }
0xc7: {  	s4 =	sand.u32 $0x4000, s31;
	s1 =	sadd.s32 s1, s30  }
0xc8: {  	s0 =	sor.u32 s4, s0;
	s1 =	sshll.u32 s1, $0x11  }
0xc9: {  	s0 =	sor.u32 s1, s0  }
0xca: {  	s0 =	sadd.s32 $0x8F2B, s0  }
0xcb: {  	[sflag:s0] =	ssyncadd.remote.s32 $0x1  }
0xcc: {  	_ =	sfence.sel $0xFFFF  }
0xcd: {  	[dreg:$0x0] =	wrdreg $0xFFFFFFFF;
	(pc) =	sbr.abs _section_cstart, $3  }
0xce: {  	[dreg:$0x1] =	wrdreg $0xFFFFFFFF  }
0xcf: {  	_ =	task.clear_ibuf [dreg:s22], $0x2FFFF;
	_ =	strace $0x9FFFFFFF  }
0xd0: {  	(tm) =	ssettm $0x7FFFFFFF  }
0xd1: {  	_ =	shalt  }
tec
execute0_lowered:
.L_overlay_start_1:
0x0: {  	(tag) =	ssettag $0x1  }
0x1: {  	s8 =	rddreg [dreg:$0x0]  }
0x2: {  	s0 =	rddreg [dreg:$0x1];
	_ =	strace $0x8000004A;
	s1 =	stileid.u32  }
0x3: {  	s3 =	srdreg.scid;
	s4 =	simm.s32 $0x1;
	s7 =	simm.s32 $0x1  }
0x4: {  	s9 =	simm.s32 $0x1;
	s10 =	simm.s32 $0x3;
	s13 =	simm.s32 $0x0  }
0x5: {  	s12 =	simm.s32 $0x0;
	s5 =	sand.u32 $0x1, s3;
	s6 =	sshll.u32 s1, $0x1  }
0x6: {  	s2 =	sadd.s32 $0x2C00, s8;
	s3 =	sadd.s32 $0x16800, s8;
	s5 =	sor.u32 s6, s5  }
.Ltmp0:
0x7: {  	[sflag:s4] =	ssyncpa.u1 $0x0;
	p0 =	slt.u32 s5, $0x9;
	(pc) =	sbr.rel .LBB2_1-.Ltmp0, $4  }
0x8: {  	s6 =	simm.s32 $0x2;
	s7 =	simm.s32 @!p0 $0x0;
	p0 =	sne.s32 s5, $0x8  }
0x9: {  	[sflag:s6] =	ssyncpa.u1 $0x0;
	s5 =	smul.u32 $0x1F40, s5;
	s9 =	simm.s32 @!p0 $0x0  }
0xa: {  	s8 =	sadd.s32 $0x52400, s8;
	[sflag:s10] =	ssyncpa.u1 $0x0;
	s7 =	sadd.s32 s9, s7  }
0xb: {  	vm0 =	vmmov $0xffff;
	s10 =	simm.s32 $0x0;
	s11 =	smov.u32 s5;
	s9 =	sadd.s32 $0x1, s7  }
.LBB2_4:
0xc: {  	v2 =	vnsel vm1, $0x0, v2  }
0xd: {  	vm1 =	vgt.s32 v0, $0x0;
	v2 =	vmin.u32 v2, $0x4E1FF  }
0xe: {  	v0 =	vnsel vm1, $0x0, v0  }
0xf: {  	v0 =	vmin.u32 v0, $0x4E1FF  }
0x10: {  	[tilespmem:s18], [sflag:$0x1] =	stream.indirect_vreg.gather [hbm4b:s2+s10], $0x1, v1, vm0, $0x4038;
	[tilespmem:$0x7D00] =	vst v63  }
0x11: {  	(ifvalue) =	ssetifvalue $0x7FFFFFFF  }
0x12: {  	[tilespmem:s15], [sflag:$0x1] =	stream.indirect_vreg.gather [hbm4b:s2+s10], $0x1, v2, vm0, $0x4038;
	[tilespmem:$0x7D00] =	vst v63  }
0x13: {  	s29 =	sadd.s32 $0x10, s15;
	(ifvalue) =	ssetifvalue $0x7FFFFFFF  }
0x14: {  	[tilespmem:s29], [sflag:$0x1] =	stream.indirect_vreg.gather [hbm4b:s2+s10], $0x1, v0, vm0, $0x4038;
	[tilespmem:$0x7D00] =	vst v63  }
0x15: {  	_ =	swait.ge [sflag:s4], $0x1F40  }
0x16: {  	s30 =	sshrl.u32 s13, $0x3;
	[sflag:s4] =	ssyncset.done $0x0  }
0x17: {  	s31 =	sand.u32 $0x7, s13;
	s15 =	sadd.s32 s8, s30;
	[sflag:s4] =	ssyncadd.s32 $0xFFFFE0C0  }
0x18: {  	[hbm4b:s15+s31] =	stream.linear.scatter [tilespmem:s14], [sflag:$0x3], $0x1F40, $0x38;
	[tilespmem:$0x7D00] =	vst v63  }
.LBB2_5:
0x19: {  	s15 =	sadd.s32 $0x3E800, s11  }
0x1a: {  	p1 =	sgt.s32 s15, $0x4E1FF  }
0x1b: {  	s15 =	smov.u32 @p1 s5;
	p1 =	sne.s32 s12, s9  }
.Ltmp1:
0x1c: {  	p0 =	slt.u32 s12, $0x2;
	(pc) =	sbr.rel @!p1 .LBB2_6-.Ltmp1, $4  }
0x1d: {  	s14 =	simm.s32 @!p0 $0x3  }
0x1e: {  	_ =	swait.ge @!p0 [sflag:s14], $0x1F40  }
0x1f: {  	s16 =	sadd.s32 $0x1, s12;
	s13 =	smov.u32 s11;
	[sflag:s14] =	ssyncset.done @!p0 $0x0  }
0x20: {  	s12 =	smov.u32 s16;
	s11 =	smov.u32 s15;
	[sflag:s14] =	ssyncadd.s32 @!p0 $0xFFFFE0C0  }
.LBB2_1:
0x21: {  	p0 =	sge.u32 s12, s7  }
0x22: {  	s14 =	sxor.u32 @!p0 $0x1, s12  }
0x23: {  	s14 =	smul.u32 @!p0 $0x7D00, s14  }
0x24: {  	s31 =	sadd.s32 $0xFFFFFFFF, s12;
	s15 =	sshrl.u32 @!p0 s11, $0x3  }
0x25: {  	s16 =	sand.u32 @!p0 $0x7, s11;
	s15 =	sadd.s32 @!p0 s3, s15;
	s14 =	sshra.s32 @!p0 s14, $0x2  }
0x26: {  	[tilespmem:s14], [sflag:$0x2] =	stream.linear.gather @!p0 [hbm4b:s15+s16], $0x1F40, $0x38;
	[tilespmem:$0x7D00] =	vst v63  }
0x27: {  	p0 =	sge.u32 s31, s7  }
.Ltmp2:
0x28: {  	_ = 	snop;
	(pc) =	sbr.rel @p0 .LBB2_5-.Ltmp2, $1  }
0x29: {  	_ =	sdelay $0x3  }
0x2a: {  	s14 =	sand.u32 $0x1, s12  }
0x2b: {  	_ =	swait.ge [sflag:s6], $0x1F40;
	p0 =	seq.s32 s14, $0x1;
	s14 =	simm.s32 $0x1F40  }
0x2c: {  	[sflag:s6] =	ssyncset.done $0x0;
	s14 =	simm.s32 @!p0 $0x0  }
0x2d: {  	[sflag:s6] =	ssyncadd.s32 $0xFFFFE0C0;
	(ifvalue) =	ssetifvalue $0x7FFFFFFF;
	v0 =	vld.msk [tilespmem:s14+$0x0 ss:$0x1], $0xffff;
	_ =	sdelay $0x4  }
0x2e: {  	s15 =	sadd.s32 $0x10, s14;
	vm1 =	vgt.s32 v0, $0x0  }
0x2f: {  	v2 =	vld.msk [tilespmem:s15+$0x0 ss:$0x1], $0xffff;
	v1 =	vnsel vm1, $0x0, v0  }
0x30: {  	v1 =	vmin.u32 v1, $0x4E1FF;
	_ =	sdelay $0x2  }
0x31: {  	s17 =	simm.s32 $0x20;
	s14 =	sadd.s32 $0x3E80, s14;
	s16 =	sadd.s32 $0x10, s15  }
0x32: {  	s15 =	sadd.s32 $0x10, s14;
	s18 =	smov.u32 s14;
	v0 =	vld.msk [tilespmem:s16+$0x0 ss:$0x1], $0xffff;
	vm1 =	vgt.s32 v2, $0x0;
	(ifvalue) =	ssetifvalue $0x7FFFFFFF  }
.LBB2_3:
0x33: {  	[tilespmem:s18], [sflag:$0x1] =	stream.indirect_vreg.gather [hbm4b:s2+s10], $0x1, v1, vm0, $0x4038;
	[tilespmem:$0x7D00] =	vst v63  }
0x34: {  	s17 =	sadd.s32 $0x10, s17  }
0x35: {  	v2 =	vnsel vm1, $0x0, v2;
	p0 =	slt.u32 s17, $0x1F30  }
.Ltmp3:
0x36: {  	s18 =	smov.u32 s15;
	v1 =	vmin.u32 v2, $0x4E1FF;
	(pc) =	sbr.rel @p0 .LBB2_3-.Ltmp3, $3  }
0x37: {  	_ =	sdelay $0x1  }
0x38: {  	s16 =	sadd.s32 $0x10, s16  }
0x39: {  	vm1 =	vgt.s32 v0, $0x0;
	s15 =	sadd.s32 $0x10, s15;
	v2 =	vmov v0;
	(ifvalue) =	ssetifvalue $0x7FFFFFFF;
	v0 =	vld.msk [tilespmem:s16+$0x0 ss:$0x1], $0xffff  }
.Ltmp4:
0x3a: {  	_ = 	snop;
	(pc) =	sbr.rel .LBB2_4-.Ltmp4, $1  }
0x3b: {  	_ =	sdelay $0x3  }
.LBB2_6:
0x3c: {  	_ =	sfence.sel $0x180000  }
0x3d: {  	s2 =	simm.s32 $0x2;
	[bflag:$0x0] =	sbarrier.arrive $0xFFFF  }
0x3e: {  	s30 =	simm.s32 $0x3;
	[sflag:s2] =	ssyncpa.u1 $0x1  }
0x3f: {  	s31 =	simm.s32 $0x1;
	[sflag:s30] =	ssyncpa.u1 $0x1  }
0x40: {  	[sflag:s31] =	ssyncpa.u1 $0x1  }
0x41: {  	p0 =	sne.s32 s1, $0x0;
	_ =	strace $0x9000004A  }
0x42: {  	s0 =	sadd.s32 @!p0 $0x100000, s0;
	[bflag:$0x2] =	sbarrier.arrive $0xFFFF  }
0x43: {  	[sflag:s0] =	ssyncadd.tile.s32 @!p0 $0x1;
	_ =	shalt  }
.Lfunc_end2:
_tile_overlayer_lowered:
.L_overlay_start_2:
0x44: {  	(tag) =	ssettag $0x2  }
0x45: {  	s0 =	rddreg [dreg:$0x0];
	s2 =	stileid.u32  }
0x46: {  	s1 =	rddreg [dreg:$0x1];
	p0 =	sne.s32 s2, $0x0  }
0x47: {  	s3 =	rddreg [dreg:$0x2];
	[bflag:$0x3] =	sbarrier.arrive $0xFFFF;
	s2 =	simm.s32 @!p0 $0x1C01  }
0x48: {  	[timem:s3], [sflag:s2] =	dma.local @!p0 [hbm:s0], s1  }
0x49: {  	s0 =	simm.s32 @!p0 $0x1  }
0x4a: {  	_ =	swait.ge @!p0 [sflag:s0], s1  }
0x4b: {  	s1 =	ssub.s32 @!p0 $0x0, s1;
	[sflag:s0] =	ssyncset.done @!p0 $0x0  }
0x4c: {  	[sflag:s0] =	ssyncadd.s32 @!p0 s1  }
0x4d: {  	[bflag:$0x3] =	sbarrier.arrive $0xFFFF  }
0x4e: {  	_ =	shalt  }

// kernel: kernel.11.cloned.1.call-start
scs
__scs_entry_jumppad:
0x0: {  	(pc) =	sbr.rel $0x88, $3  }
0x1: {  	(tag) =	ssettag $0x0;
	lr =	simm.s32 $0x1  }
0x2: {  	[smem:$0x3F8D] =	sst lr;
	_ =	strace $0xD0000000  }
0x3: {  	_ = 	snop  }
0x4: {  	_ = 	snop  }
0x5: {  	_ = 	snop  }
0x6: {  	_ = 	snop  }
0x7: {  	_ = 	snop  }
__scs_overlays_trampoline_lowered:
0x8: {  	[smem:$0x3F9C] =	sst s0  }
0x9: {  	[smem:$0x3F9D] =	sst s1  }
0xa: {  	[smem:$0x3F9E] =	sst s2  }
0xb: {  	[smem:$0x3F9F] =	sst s3  }
0xc: {  	[smem:$0x3FA0] =	sst s4  }
0xd: {  	[smem:$0x3FA1] =	sst s5  }
0xe: {  	[smem:$0x3FA2] =	sst s6  }
0xf: {  	[smem:$0x3FA3] =	sst s7  }
0x10: {  	[smem:$0x3FA4] =	sst s8  }
0x11: {  	[smem:$0x3FA5] =	sst s9;
	s0 =	simm.s32 @!p0 $0x0  }
0x12: {  	s1 =	sld [smem:$0x3F8B];
	s0 =	simm.s32 @p0 $0x1  }
0x13: {  	[smem:$0x3FA6] =	sst s0;
	s0 =	simm.s32 @!p1 $0x0  }
0x14: {  	s2 =	sld [smem:$0x3F8A];
	s0 =	simm.s32 @p1 $0x1  }
0x15: {  	[smem:$0x3FA7] =	sst s0;
	s0 =	simm.s32 @!p2 $0x0  }
0x16: {  	s3 =	sld [smem:$0x3FDB];
	s0 =	simm.s32 @p2 $0x1  }
0x17: {  	s4 =	simm.s32 $0x1BF5;
	[smem:$0x3FA9] =	sst s0  }
0x18: {  	s0 =	sld [smem:$0x3F8C];
	_ =	swait.ge [sflag:s4], $0x0  }
0x19: {  	s7 =	sld [smem:$0x3F8D]  }
0x1a: {  	s8 =	sadd.s32 $0xFFFFE003, lr  }
0x1b: {  	s9 =	sadd.s32 $0xFFFFFEF7, lr;
	s5 =	simm.s32 $0xFFFFFFFF;
	p2 =	slt.u32 s8, $0xFFFFF086  }
0x1c: {  	p1 =	slt.u32 s9, $0xF7A;
	s5 =	simm.s32 @!p2 $0x0  }
0x1d: {  	s5 =	simm.s32 @p1 $0x1;
	p0 =	seq.s32 s7, s2  }
0x1e: {  	s7 =	smul.u32 @!p0 $0xF7A, s2;
	p2 =	seq.s32 @!p0 s5, $0x0  }
0x1f: {  	s9 =	smul.u32 $0xF7A, s1;
	s8 =	simm.s32 @!p0 $0x1BF5;
	p2 =	por !p2, p0  }
0x20: {  	[sflag:s8] =	ssyncset.s32 @!p0 $0xFFFFF086;
	s6 =	sadd.s32 @!p0 s3, s7;
	s7 =	simm.s32 @!p0 $0x108  }
0x21: {  	s3 =	sadd.s32 s3, s9;
	s6 =	sadd.s32 @!p0 $0x88, s6;
	s7 =	simm.s32 @p2 $0x1082  }
0x22: {  	[simem:s7], [sflag:s8] =	dma.local @!p0 [hbm:s6], $0xF7A  }
0x23: {  	s9 =	sor.u32 $0xD0000000, s2;
	s6 =	simm.s32 $0x108;
	_ =	swait.ge @!p0 [sflag:s8], $0x0  }
0x24: {  	s3 =	sadd.s32 $0x88, s3;
	s6 =	simm.s32 @!p1 $0x1082;
	[sflag:s4] =	ssyncset.s32 $0xFFFFF086  }
0x25: {  	[simem:s6], [sflag:s4] =	dma.local [hbm:s3], $0xF7A  }
0x26: {  	[smem:$0x3F8D] =	sst s1;
	(tag) =	ssettag s2;
	_ =	strace s9  }
0x27: {  	s1 =	sld [smem:$0x3F9D]  }
0x28: {  	s2 =	sld [smem:$0x3F9E]  }
0x29: {  	s4 =	sld [smem:$0x3FA0]  }
0x2a: {  	p0 =	seq.s32 s5, $0x0;
	s5 =	sld [smem:$0x3FA1]  }
0x2b: {  	s6 =	sld [smem:$0x3FA2]  }
0x2c: {  	s7 =	sld [smem:$0x3FA3]  }
0x2d: {  	s3 =	simm.s32 $0x108;
	s8 =	sld [smem:$0x3FA4]  }
0x2e: {  	s3 =	simm.s32 @!p0 $0x1082;
	s9 =	sld [smem:$0x3FA5]  }
0x2f: {  	lr =	sadd.s32 s0, s3;
	s0 =	sld [smem:$0x3F9C]  }
0x30: {  	s3 =	sld [smem:$0x3F9F]  }
0x31: {  	[smem:$0x3FA8] =	sst s10  }
0x32: {  	s10 =	sld [smem:$0x3FA6];
	_ =	sdelay $0x3  }
0x33: {  	p0 =	seq.s32 s10, $0x1;
	s10 =	sld [smem:$0x3FA8];
	_ =	sdelay $0x3  }
0x34: {  	[smem:$0x3FA8] =	sst s10  }
0x35: {  	s10 =	sld [smem:$0x3FA7];
	_ =	sdelay $0x3  }
0x36: {  	p1 =	seq.s32 s10, $0x1;
	s10 =	sld [smem:$0x3FA8];
	_ =	sdelay $0x3  }
0x37: {  	[smem:$0x3FA8] =	sst s10  }
0x38: {  	s10 =	sld [smem:$0x3FA9]  }
0x39: {  	_ = 	snop;
	(pc) =	sbr.ind lr, $3  }
0x3a: {  	_ = 	snop  }
0x3b: {  	_ = 	snop  }
0x3c: {  	p2 =	seq.s32 s10, $0x1;
	s10 =	sld [smem:$0x3FA8]  }
0x3d: {  	_ =	shalt  }
0x3e: {  	_ =	shalt  }
0x3f: {  	_ =	shalt  }
0x40: {  	_ =	shalt  }
0x41: {  	_ =	shalt  }
0x42: {  	_ =	shalt  }
0x43: {  	_ =	shalt  }
0x44: {  	_ =	shalt  }
0x45: {  	_ =	shalt  }
0x46: {  	_ =	shalt  }
0x47: {  	_ =	shalt  }
0x48: {  	_ =	shalt  }
0x49: {  	_ =	shalt  }
0x4a: {  	_ =	shalt  }
0x4b: {  	_ =	shalt  }
0x4c: {  	_ =	shalt  }
0x4d: {  	_ =	shalt  }
0x4e: {  	_ =	shalt  }
0x4f: {  	_ =	shalt  }
0x50: {  	_ =	shalt  }
0x51: {  	_ =	shalt  }
0x52: {  	_ =	shalt  }
0x53: {  	_ =	shalt  }
0x54: {  	_ =	shalt  }
0x55: {  	_ =	shalt  }
0x56: {  	_ =	shalt  }
0x57: {  	_ =	shalt  }
0x58: {  	_ =	shalt  }
0x59: {  	_ =	shalt  }
0x5a: {  	_ =	shalt  }
0x5b: {  	_ =	shalt  }
0x5c: {  	_ =	shalt  }
0x5d: {  	_ =	shalt  }
0x5e: {  	_ =	shalt  }
0x5f: {  	_ =	shalt  }
0x60: {  	_ =	shalt  }
0x61: {  	_ =	shalt  }
0x62: {  	_ =	shalt  }
0x63: {  	_ =	shalt  }
0x64: {  	_ =	shalt  }
0x65: {  	_ =	shalt  }
0x66: {  	_ =	shalt  }
0x67: {  	_ =	shalt  }
0x68: {  	_ =	shalt  }
0x69: {  	_ =	shalt  }
0x6a: {  	_ =	shalt  }
0x6b: {  	_ =	shalt  }
0x6c: {  	_ =	shalt  }
0x6d: {  	_ =	shalt  }
0x6e: {  	_ =	shalt  }
0x6f: {  	_ =	shalt  }
0x70: {  	_ =	shalt  }
0x71: {  	_ =	shalt  }
0x72: {  	_ =	shalt  }
0x73: {  	_ =	shalt  }
0x74: {  	_ =	shalt  }
0x75: {  	_ =	shalt  }
0x76: {  	_ =	shalt  }
0x77: {  	_ =	shalt  }
0x78: {  	_ =	shalt  }
0x79: {  	_ =	shalt  }
0x7a: {  	_ =	shalt  }
0x7b: {  	_ =	shalt  }
0x7c: {  	_ =	shalt  }
0x7d: {  	_ =	shalt  }
0x7e: {  	_ =	shalt  }
0x7f: {  	_ =	shalt  }
0x80: {  	_ =	shalt  }
0x81: {  	_ =	shalt  }
0x82: {  	_ =	shalt  }
0x83: {  	_ =	shalt  }
0x84: {  	_ =	shalt  }
0x85: {  	_ =	shalt  }
0x86: {  	_ =	shalt  }
0x87: {  	_ =	shalt  }
.Lfunc_end0:
.L_simem_size_0:
called_computation.3_lowered:
.L_overlay_start_0:
0x88: {  	s2 =	sld [smem:$0x3FD9]  }
0x89: {  	s3 =	sld [smem:$0x3FFE];
	_ =	sdelay $0x1  }
0x8a: {  	s1 =	srdreg.scid  }
0x8b: {  	s0 =	sand.u32 $0x1, s1  }
0x8c: {  	s16 =	sshll.u32 s0, $0xA;
	s2 =	sadd.s32 s3, s2  }
0x8d: {  	s2 =	sadd.s32 s2, s16  }
0x8e: {  	[smem:$0x3FB4] =	sst s2  }
0x8f: {  	_ = 	snop  }
0x90: {  	(tm) =	ssettm $0x1  }
0x91: {  	s17 =	sld [smem:$0x3FFB];
	_ =	sdelay $0x3  }
0x92: {  	_ =	strace s17  }
0x93: {  	s2 =	sld [smem:$0x3FFC];
	_ =	sdelay $0x3  }
0x94: {  	_ =	strace s2  }
0x95: {  	s2 =	sld [smem:$0x3FFD];
	_ =	sdelay $0x3  }
0x96: {  	_ =	strace s2  }
0x97: {  	_ =	strace $0x8FFFFFFF  }
0x98: {  	s18 =	sld [smem:$0x3FDB];
	_ =	sdelay $0x1  }
0x99: {  	s19 =	simm.s32 $_scs_section_size  }
0x9a: {  	s4 =	simm.s32 $_size__tile_overlayer_lowered;
	s5 =	simm.s32 $_tile_overlayer_lowered  }
0x9b: {  	s22 =	simm.s32 $0x1BFF;
	s21 =	sshll.u32 s5, $0x1;
	s2 =	sadd.s32 s19, s18  }
0x9c: {  	s6 =	simm.s32 $0x0;
	s20 =	sshll.u32 s4, $0x1;
	s4 =	sadd.s32 s21, s2  }
0x9d: {  	[timem:s6], [sflag:s22] =	dma.local [hbm:s4], s20  }
0x9e: {  	_ =	swait.ge [sflag:s22], s20  }
0x9f: {  	s3 =	ssub.s32 $0x0, s20;
	[sflag:s22] =	ssyncset.done $0x0  }
0xa0: {  	[sflag:s22] =	ssyncadd.s32 s3;
	_ =	sdelay $0x1  }
0xa1: {  	s23 =	simm.s32 $0x1B8B  }
0xa2: {  	_ =	swait.ge [sflag:s23], $0x1  }
0xa3: {  	[sflag:s23] =	ssyncset.done $0x0  }
0xa4: {  	s25 =	simm.s32 $0x1B8E;
	s24 =	sld [smem:$0x3FFE];
	[sflag:s23] =	ssyncadd.s32 $0xFFFFFFFF  }
0xa5: {  	s26 =	simm.s32 $execute0_lowered;
	[smem:$0x3FD2] =	sst s25  }
0xa6: {  	s4 =	sshll.u32 s26, $0x1;
	_ =	strace $0x8000004F;
	[dreg:$0x1] =	wrdreg $0xFFFFFFFF  }
0xa7: {  	s28 =	simm.s32 $_size_execute0_lowered;
	s2 =	sadd.s32 s2, s4;
	[dreg:$0x0] =	wrdreg $0x0  }
0xa8: {  	s4 =	sshll.u32 s28, $0x1;
	[dreg:$0x2] =	wrdreg s2  }
0xa9: {  	[dreg:$0x3] =	wrdreg s4  }
0xaa: {  	[dreg:$0x4] =	wrdreg $0xC0  }
0xab: {  	_ =	task [dreg:s6], $0x5FFFF  }
0xac: {  	[dreg:$0x1] =	wrdreg $0xFFFFFFFF  }
0xad: {  	[dreg:$0x0] =	wrdreg $0x60  }
0xae: {  	[dreg:$0x2] =	wrdreg s24  }
0xaf: {  	[dreg:$0x3] =	wrdreg $0x54000  }
0xb0: {  	[dreg:$0x4] =	wrdreg $0x9  }
0xb1: {  	_ =	task.clear_ibuf [dreg:s6], $0x5FFFF;
	_ =	strace $0x9000004F  }
0xb2: {  	s29 =	simm.s32 $0x9;
	_ =	strace $0x80000051  }
0xb3: {  	_ =	swait.ge [sflag:s29], $0x1  }
0xb4: {  	[sflag:s29] =	ssyncadd.s32 $0xFFFFFFFF  }
0xb5: {  	_ =	strace $0x90000051  }
0xb6: {  	_ =	sfence  }
0xb7: {  	s30 =	sld [smem:$0x0];
	_ =	sdelay $0x2  }
0xb8: {  	s31 =	sshll.u32 s1, $0xD;
	s1 =	sshrl.u32 s1, $0x2  }
0xb9: {  	s3 =	sand.u32 $0x4000, s31;
	s1 =	sadd.s32 s1, s30  }
0xba: {  	s0 =	sor.u32 s3, s0;
	s1 =	sshll.u32 s1, $0x11  }
0xbb: {  	s0 =	sor.u32 s1, s0  }
0xbc: {  	s0 =	sadd.s32 $0x8F2B, s0  }
0xbd: {  	[sflag:s0] =	ssyncadd.remote.s32 $0x1  }
0xbe: {  	_ =	sfence.sel $0xFFFF  }
0xbf: {  	[dreg:$0x0] =	wrdreg $0xFFFFFFFF;
	(pc) =	sbr.abs _section_cstart, $3  }
0xc0: {  	[dreg:$0x1] =	wrdreg $0xFFFFFFFF  }
0xc1: {  	_ =	task.clear_ibuf [dreg:s6], $0x2FFFF;
	_ =	strace $0x9FFFFFFF  }
0xc2: {  	(tm) =	ssettm $0x7FFFFFFF  }
0xc3: {  	_ =	shalt  }
tec
execute0_lowered:
.L_overlay_start_1:
0x0: {  	(tag) =	ssettag $0x1  }
0x1: {  	s0 =	srdreg.scid;
	s6 =	rddreg [dreg:$0x0]  }
0x2: {  	s2 =	rddreg [dreg:$0x1];
	s3 =	simm.s32 $0x0;
	s13 =	simm.s32 $0x2800  }
0x3: {  	s14 =	simm.s32 $0x10;
	s5 =	sand.u32 $0x1, s0;
	s0 =	stileid.u32  }
0x4: {  	s15 =	simm.s32 $0x5000;
	s16 =	simm.s32 $0x0;
	s8 =	smul.u32 $0xA000, s0  }
0x5: {  	[smem:$0x7FF] =	sst s3;
	s4 =	sadd.s32 $0xCC00, s6;
	s9 =	smul.u32 $0x1400, s0  }
0x6: {  	s1 =	sshll.u32 s5, $0x4;
	s10 =	smul.u32 $0x14000, s5;
	s5 =	ssub.s32 $0x2, s5  }
0x7: {  	s31 =	sshll.u32 s0, $0x6;
	s1 =	sor.u32 s0, s1;
	s29 =	sshrl.u32 s5, $0x1  }
0x8: {  	s7 =	smul.u32 $0x500, s1;
	s1 =	rddreg [dreg:$0x2];
	_ =	strace $0x80000050  }
0x9: {  	s28 =	sshrl.u32 s8, $0x3;
	s9 =	sadd.s32 s9, s10;
	s30 =	ssub.s32 s5, s29  }
0xa: {  	s12 =	sadd.s32 s8, s2;
	s9 =	sadd.s32 s9, s6;
	s10 =	smax.u32 s30, $0x1  }
0xb: {  	s11 =	sadd.s32 s7, s6;
	s7 =	sadd.s32 s28, s6;
	s6 =	sor.u32 $0x1C01, s31  }
0xc: {  	s9 =	sadd.s32 $0x3F000, s9;
	s5 =	sadd.s32 $0x2B000, s7;
	s7 =	sadd.s32 $0x2C00, s11  }
0xd: {  	s8 =	sadd.s32 $0x21000, s11;
	s11 =	sshrl.u32 s12, $0x3;
	s12 =	simm.s32 $0x1  }
.LBB2_1:
0xe: {  	[spmem:s11], [sflag:s6] =	dma.local [hbm:s5], $0x1400  }
0xf: {  	_ =	swait.ge [sflag:s12], $0x1400  }
0x10: {  	[sflag:s12] =	ssyncset.done $0x0  }
0x11: {  	[sflag:s12] =	ssyncadd.s32 $0xFFFFEC00  }
0x12: {  	[tilespmem:s3], [sflag:$0x1] =	stream.linear.gather [hbm4b:s7+s3], $0x2800, $0x38;
	[tilespmem:$0xF400] =	vst v63  }
0x13: {  	_ =	swait.ge [sflag:s12], $0x2800  }
0x14: {  	[sflag:s12] =	ssyncset.done $0x0  }
0x15: {  	[sflag:s12] =	ssyncadd.s32 $0xFFFFD800  }
0x16: {  	[tilespmem:s13], [sflag:$0x1] =	stream.linear.gather [hbm4b:s8+s3], $0x2800, $0x38;
	[tilespmem:$0xF400] =	vst v63  }
0x17: {  	_ =	swait.ge [sflag:s12], $0x2800  }
0x18: {  	[sflag:s12] =	ssyncset.done $0x0  }
0x19: {  	[sflag:s12] =	ssyncadd.s32 $0xFFFFD800  }
0x1a: {  	s17 =	simm.s32 $0x0;
	[bflag:$0x0] =	sbarrier.arrive $0xFFFF  }
0x1b: {  	[tilespmem:s15], [sflag:$0x1] =	stream.indirect.gather [hbm4b:s4+s14], $0x40, s17, s14, $0xb8;
	[tilespmem:$0xF400] =	vst v63  }
0x1c: {  	_ =	swait.ge [sflag:s12], $0x400  }
0x1d: {  	[sflag:s12] =	ssyncset.done $0x0  }
0x1e: {  	s31 =	simm.s32 $0x2800;
	[sflag:s12] =	ssyncadd.s32 $0xFFFFFC00  }
0x1f: {  	[spmem:s2] =	stream.indirect.scatter.add.f32 [tilespmem:s15], [sflag:$0x1], $0x40, s31, s14, $0xb8;
	[tilespmem:$0xF400] =	vst v63  }
0x20: {  	_ =	swait.ge [sflag:s12], $0x400  }
0x21: {  	s18 =	simm.s32 $0x80;
	s17 =	simm.s32 $0x40;
	[sflag:s12] =	ssyncset.done $0x0  }
.LBB2_2:
0x22: {  	s19 =	sshra.s32 s17, $0x2  }
0x23: {  	[sflag:s12] =	ssyncadd.s32 $0xFFFFFC00;
	s17 =	smov.u32 s18;
	s20 =	sadd.s32 $0x40, s18  }
0x24: {  	[tilespmem:s15], [sflag:$0x1] =	stream.indirect.gather [hbm4b:s4+s14], $0x40, s19, s14, $0xb8;
	[tilespmem:$0xF400] =	vst v63  }
0x25: {  	p0 =	sne.s32 s18, $0x9FC0;
	_ =	swait.ge [sflag:s12], $0x400  }
.Ltmp0:
0x26: {  	[sflag:s12] =	ssyncset.done $0x0;
	(pc) =	sbr.rel @p0 .LBB2_2-.Ltmp0, $4  }
0x27: {  	s18 =	sadd.s32 $0x2800, s19;
	[sflag:s12] =	ssyncadd.s32 $0xFFFFFC00  }
0x28: {  	[spmem:s2] =	stream.indirect.scatter.add.f32 [tilespmem:s15], [sflag:$0x1], $0x40, s18, s14, $0xb8;
	[tilespmem:$0xF400] =	vst v63  }
0x29: {  	_ =	swait.ge [sflag:s12], $0x400  }
0x2a: {  	s18 =	smov.u32 s20;
	[sflag:s12] =	ssyncset.done $0x0  }
0x2b: {  	s17 =	sshra.s32 s17, $0x2;
	[sflag:s12] =	ssyncadd.s32 $0xFFFFFC00  }
0x2c: {  	[tilespmem:s15], [sflag:$0x1] =	stream.indirect.gather [hbm4b:s4+s14], $0x40, s17, s14, $0xb8;
	[tilespmem:$0xF400] =	vst v63  }
0x2d: {  	_ =	swait.ge [sflag:s12], $0x400  }
0x2e: {  	[sflag:s12] =	ssyncset.done $0x0  }
0x2f: {  	s17 =	sadd.s32 $0x2800, s17;
	[sflag:s12] =	ssyncadd.s32 $0xFFFFFC00  }
0x30: {  	[spmem:s2] =	stream.indirect.scatter.add.f32 [tilespmem:s15], [sflag:$0x1], $0x40, s17, s14, $0xb8;
	[tilespmem:$0xF400] =	vst v63  }
0x31: {  	_ =	swait.ge [sflag:s12], $0x400  }
0x32: {  	s16 =	sadd.s32 $0x1, s16;
	[sflag:s12] =	ssyncset.done $0x0  }
0x33: {  	p0 =	sne.s32 s16, s10;
	[sflag:s12] =	ssyncadd.s32 $0xFFFFFC00  }
.Ltmp1:
0x34: {  	[bflag:$0x0] =	sbarrier.arrive $0xFFFF;
	(pc) =	sbr.rel @p0 .LBB2_1-.Ltmp1, $4  }
0x35: {  	[hbm:s9], [sflag:s6] =	dma.local [spmem:s11], $0x1400  }
0x36: {  	_ =	swait.ge [sflag:s12], $0x1400  }
0x37: {  	[sflag:s12] =	ssyncset.done $0x0  }
0x38: {  	[sflag:s12] =	ssyncadd.s32 $0xFFFFEC00  }
0x39: {  	_ =	sfence.sel $0x180000  }
0x3a: {  	[bflag:$0x0] =	sbarrier.arrive $0xFFFF  }
0x3b: {  	p0 =	sne.s32 s0, $0x0;
	_ =	strace $0x90000050  }
0x3c: {  	s0 =	sadd.s32 @!p0 $0x100000, s1;
	[bflag:$0x2] =	sbarrier.arrive $0xFFFF  }
0x3d: {  	[sflag:s0] =	ssyncadd.tile.s32 @!p0 $0x1;
	_ =	shalt  }
.Lfunc_end2:
_tile_overlayer_lowered:
.L_overlay_start_2:
0x3e: {  	(tag) =	ssettag $0x2  }
0x3f: {  	s0 =	rddreg [dreg:$0x0];
	s2 =	stileid.u32  }
0x40: {  	s1 =	rddreg [dreg:$0x1];
	p0 =	sne.s32 s2, $0x0  }
0x41: {  	s3 =	rddreg [dreg:$0x2];
	[bflag:$0x3] =	sbarrier.arrive $0xFFFF;
	s2 =	simm.s32 @!p0 $0x1C01  }
0x42: {  	[timem:s3], [sflag:s2] =	dma.local @!p0 [hbm:s0], s1  }
0x43: {  	s0 =	simm.s32 @!p0 $0x1  }
0x44: {  	_ =	swait.ge @!p0 [sflag:s0], s1  }
0x45: {  	s1 =	ssub.s32 @!p0 $0x0, s1;
	[sflag:s0] =	ssyncset.done @!p0 $0x0  }
0x46: {  	[sflag:s0] =	ssyncadd.s32 @!p0 s1  }
0x47: {  	[bflag:$0x3] =	sbarrier.arrive $0xFFFF  }
0x48: {  	_ =	shalt  }

// kernel: kernel.14.cloned.1.call-start
scs
__scs_entry_jumppad:
0x0: {  	(pc) =	sbr.rel $0x88, $3  }
0x1: {  	(tag) =	ssettag $0x0;
	lr =	simm.s32 $0x1  }
0x2: {  	[smem:$0x3F8D] =	sst lr;
	_ =	strace $0xD0000000  }
0x3: {  	_ = 	snop  }
0x4: {  	_ = 	snop  }
0x5: {  	_ = 	snop  }
0x6: {  	_ = 	snop  }
0x7: {  	_ = 	snop  }
__scs_overlays_trampoline_lowered:
0x8: {  	[smem:$0x3F9C] =	sst s0  }
0x9: {  	[smem:$0x3F9D] =	sst s1  }
0xa: {  	[smem:$0x3F9E] =	sst s2  }
0xb: {  	[smem:$0x3F9F] =	sst s3  }
0xc: {  	[smem:$0x3FA0] =	sst s4  }
0xd: {  	[smem:$0x3FA1] =	sst s5  }
0xe: {  	[smem:$0x3FA2] =	sst s6  }
0xf: {  	[smem:$0x3FA3] =	sst s7  }
0x10: {  	[smem:$0x3FA4] =	sst s8  }
0x11: {  	[smem:$0x3FA5] =	sst s9;
	s0 =	simm.s32 @!p0 $0x0  }
0x12: {  	s1 =	sld [smem:$0x3F8B];
	s0 =	simm.s32 @p0 $0x1  }
0x13: {  	[smem:$0x3FA6] =	sst s0;
	s0 =	simm.s32 @!p1 $0x0  }
0x14: {  	s2 =	sld [smem:$0x3F8A];
	s0 =	simm.s32 @p1 $0x1  }
0x15: {  	[smem:$0x3FA7] =	sst s0;
	s0 =	simm.s32 @!p2 $0x0  }
0x16: {  	s3 =	sld [smem:$0x3FDB];
	s0 =	simm.s32 @p2 $0x1  }
0x17: {  	s4 =	simm.s32 $0x1BF5;
	[smem:$0x3FA9] =	sst s0  }
0x18: {  	s0 =	sld [smem:$0x3F8C];
	_ =	swait.ge [sflag:s4], $0x0  }
0x19: {  	s7 =	sld [smem:$0x3F8D]  }
0x1a: {  	s8 =	sadd.s32 $0xFFFFE003, lr  }
0x1b: {  	s9 =	sadd.s32 $0xFFFFFEF7, lr;
	s5 =	simm.s32 $0xFFFFFFFF;
	p2 =	slt.u32 s8, $0xFFFFF086  }
0x1c: {  	p1 =	slt.u32 s9, $0xF7A;
	s5 =	simm.s32 @!p2 $0x0  }
0x1d: {  	s5 =	simm.s32 @p1 $0x1;
	p0 =	seq.s32 s7, s2  }
0x1e: {  	s7 =	smul.u32 @!p0 $0xF7A, s2;
	p2 =	seq.s32 @!p0 s5, $0x0  }
0x1f: {  	s9 =	smul.u32 $0xF7A, s1;
	s8 =	simm.s32 @!p0 $0x1BF5;
	p2 =	por !p2, p0  }
0x20: {  	[sflag:s8] =	ssyncset.s32 @!p0 $0xFFFFF086;
	s6 =	sadd.s32 @!p0 s3, s7;
	s7 =	simm.s32 @!p0 $0x108  }
0x21: {  	s3 =	sadd.s32 s3, s9;
	s6 =	sadd.s32 @!p0 $0x88, s6;
	s7 =	simm.s32 @p2 $0x1082  }
0x22: {  	[simem:s7], [sflag:s8] =	dma.local @!p0 [hbm:s6], $0xF7A  }
0x23: {  	s9 =	sor.u32 $0xD0000000, s2;
	s6 =	simm.s32 $0x108;
	_ =	swait.ge @!p0 [sflag:s8], $0x0  }
0x24: {  	s3 =	sadd.s32 $0x88, s3;
	s6 =	simm.s32 @!p1 $0x1082;
	[sflag:s4] =	ssyncset.s32 $0xFFFFF086  }
0x25: {  	[simem:s6], [sflag:s4] =	dma.local [hbm:s3], $0xF7A  }
0x26: {  	[smem:$0x3F8D] =	sst s1;
	(tag) =	ssettag s2;
	_ =	strace s9  }
0x27: {  	s1 =	sld [smem:$0x3F9D]  }
0x28: {  	s2 =	sld [smem:$0x3F9E]  }
0x29: {  	s4 =	sld [smem:$0x3FA0]  }
0x2a: {  	p0 =	seq.s32 s5, $0x0;
	s5 =	sld [smem:$0x3FA1]  }
0x2b: {  	s6 =	sld [smem:$0x3FA2]  }
0x2c: {  	s7 =	sld [smem:$0x3FA3]  }
0x2d: {  	s3 =	simm.s32 $0x108;
	s8 =	sld [smem:$0x3FA4]  }
0x2e: {  	s3 =	simm.s32 @!p0 $0x1082;
	s9 =	sld [smem:$0x3FA5]  }
0x2f: {  	lr =	sadd.s32 s0, s3;
	s0 =	sld [smem:$0x3F9C]  }
0x30: {  	s3 =	sld [smem:$0x3F9F]  }
0x31: {  	[smem:$0x3FA8] =	sst s10  }
0x32: {  	s10 =	sld [smem:$0x3FA6];
	_ =	sdelay $0x3  }
0x33: {  	p0 =	seq.s32 s10, $0x1;
	s10 =	sld [smem:$0x3FA8];
	_ =	sdelay $0x3  }
0x34: {  	[smem:$0x3FA8] =	sst s10  }
0x35: {  	s10 =	sld [smem:$0x3FA7];
	_ =	sdelay $0x3  }
0x36: {  	p1 =	seq.s32 s10, $0x1;
	s10 =	sld [smem:$0x3FA8];
	_ =	sdelay $0x3  }
0x37: {  	[smem:$0x3FA8] =	sst s10  }
0x38: {  	s10 =	sld [smem:$0x3FA9]  }
0x39: {  	_ = 	snop;
	(pc) =	sbr.ind lr, $3  }
0x3a: {  	_ = 	snop  }
0x3b: {  	_ = 	snop  }
0x3c: {  	p2 =	seq.s32 s10, $0x1;
	s10 =	sld [smem:$0x3FA8]  }
0x3d: {  	_ =	shalt  }
0x3e: {  	_ =	shalt  }
0x3f: {  	_ =	shalt  }
0x40: {  	_ =	shalt  }
0x41: {  	_ =	shalt  }
0x42: {  	_ =	shalt  }
0x43: {  	_ =	shalt  }
0x44: {  	_ =	shalt  }
0x45: {  	_ =	shalt  }
0x46: {  	_ =	shalt  }
0x47: {  	_ =	shalt  }
0x48: {  	_ =	shalt  }
0x49: {  	_ =	shalt  }
0x4a: {  	_ =	shalt  }
0x4b: {  	_ =	shalt  }
0x4c: {  	_ =	shalt  }
0x4d: {  	_ =	shalt  }
0x4e: {  	_ =	shalt  }
0x4f: {  	_ =	shalt  }
0x50: {  	_ =	shalt  }
0x51: {  	_ =	shalt  }
0x52: {  	_ =	shalt  }
0x53: {  	_ =	shalt  }
0x54: {  	_ =	shalt  }
0x55: {  	_ =	shalt  }
0x56: {  	_ =	shalt  }
0x57: {  	_ =	shalt  }
0x58: {  	_ =	shalt  }
0x59: {  	_ =	shalt  }
0x5a: {  	_ =	shalt  }
0x5b: {  	_ =	shalt  }
0x5c: {  	_ =	shalt  }
0x5d: {  	_ =	shalt  }
0x5e: {  	_ =	shalt  }
0x5f: {  	_ =	shalt  }
0x60: {  	_ =	shalt  }
0x61: {  	_ =	shalt  }
0x62: {  	_ =	shalt  }
0x63: {  	_ =	shalt  }
0x64: {  	_ =	shalt  }
0x65: {  	_ =	shalt  }
0x66: {  	_ =	shalt  }
0x67: {  	_ =	shalt  }
0x68: {  	_ =	shalt  }
0x69: {  	_ =	shalt  }
0x6a: {  	_ =	shalt  }
0x6b: {  	_ =	shalt  }
0x6c: {  	_ =	shalt  }
0x6d: {  	_ =	shalt  }
0x6e: {  	_ =	shalt  }
0x6f: {  	_ =	shalt  }
0x70: {  	_ =	shalt  }
0x71: {  	_ =	shalt  }
0x72: {  	_ =	shalt  }
0x73: {  	_ =	shalt  }
0x74: {  	_ =	shalt  }
0x75: {  	_ =	shalt  }
0x76: {  	_ =	shalt  }
0x77: {  	_ =	shalt  }
0x78: {  	_ =	shalt  }
0x79: {  	_ =	shalt  }
0x7a: {  	_ =	shalt  }
0x7b: {  	_ =	shalt  }
0x7c: {  	_ =	shalt  }
0x7d: {  	_ =	shalt  }
0x7e: {  	_ =	shalt  }
0x7f: {  	_ =	shalt  }
0x80: {  	_ =	shalt  }
0x81: {  	_ =	shalt  }
0x82: {  	_ =	shalt  }
0x83: {  	_ =	shalt  }
0x84: {  	_ =	shalt  }
0x85: {  	_ =	shalt  }
0x86: {  	_ =	shalt  }
0x87: {  	_ =	shalt  }
.Lfunc_end0:
.L_simem_size_0:
called_computation.4_lowered:
.L_overlay_start_0:
0x88: {  	s2 =	sld [smem:$0x3FD9]  }
0x89: {  	s3 =	sld [smem:$0x3FFE];
	_ =	sdelay $0x1  }
0x8a: {  	s1 =	srdreg.scid  }
0x8b: {  	s0 =	sand.u32 $0x1, s1  }
0x8c: {  	s16 =	sshll.u32 s0, $0xA;
	s2 =	sadd.s32 s3, s2  }
0x8d: {  	s2 =	sadd.s32 s2, s16  }
0x8e: {  	[smem:$0x3FB4] =	sst s2  }
0x8f: {  	_ = 	snop  }
0x90: {  	(tm) =	ssettm $0x1  }
0x91: {  	s17 =	sld [smem:$0x3FFB];
	_ =	sdelay $0x3  }
0x92: {  	_ =	strace s17  }
0x93: {  	s2 =	sld [smem:$0x3FFC];
	_ =	sdelay $0x3  }
0x94: {  	_ =	strace s2  }
0x95: {  	s2 =	sld [smem:$0x3FFD];
	_ =	sdelay $0x3  }
0x96: {  	_ =	strace s2  }
0x97: {  	_ =	strace $0x8FFFFFFF  }
0x98: {  	s18 =	sld [smem:$0x3FDB];
	_ =	sdelay $0x1  }
0x99: {  	s19 =	simm.s32 $_scs_section_size  }
0x9a: {  	s4 =	simm.s32 $_size__tile_overlayer_lowered;
	s5 =	simm.s32 $_tile_overlayer_lowered  }
0x9b: {  	s22 =	simm.s32 $0x1BFF;
	s21 =	sshll.u32 s5, $0x1;
	s2 =	sadd.s32 s19, s18  }
0x9c: {  	s6 =	simm.s32 $0x0;
	s20 =	sshll.u32 s4, $0x1;
	s4 =	sadd.s32 s21, s2  }
0x9d: {  	[timem:s6], [sflag:s22] =	dma.local [hbm:s4], s20  }
0x9e: {  	_ =	swait.ge [sflag:s22], s20  }
0x9f: {  	s3 =	ssub.s32 $0x0, s20;
	[sflag:s22] =	ssyncset.done $0x0  }
0xa0: {  	[sflag:s22] =	ssyncadd.s32 s3;
	_ =	sdelay $0x1  }
0xa1: {  	s23 =	simm.s32 $0x1B8B  }
0xa2: {  	_ =	swait.ge [sflag:s23], $0x1  }
0xa3: {  	[sflag:s23] =	ssyncset.done $0x0  }
0xa4: {  	s25 =	simm.s32 $0x1B8E;
	s24 =	sld [smem:$0x3FFE];
	[sflag:s23] =	ssyncadd.s32 $0xFFFFFFFF  }
0xa5: {  	s26 =	simm.s32 $execute0_lowered;
	[smem:$0x3FD2] =	sst s25  }
0xa6: {  	s4 =	sshll.u32 s26, $0x1;
	_ =	strace $0x80000052;
	[dreg:$0x1] =	wrdreg $0xFFFFFFFF  }
0xa7: {  	s28 =	simm.s32 $_size_execute0_lowered;
	s2 =	sadd.s32 s2, s4;
	[dreg:$0x0] =	wrdreg $0x0  }
0xa8: {  	s4 =	sshll.u32 s28, $0x1;
	[dreg:$0x2] =	wrdreg s2  }
0xa9: {  	[dreg:$0x3] =	wrdreg s4  }
0xaa: {  	[dreg:$0x4] =	wrdreg $0xC0  }
0xab: {  	_ =	task [dreg:s6], $0x5FFFF  }
0xac: {  	[dreg:$0x1] =	wrdreg $0xFFFFFFFF  }
0xad: {  	[dreg:$0x0] =	wrdreg $0x60  }
0xae: {  	[dreg:$0x2] =	wrdreg s24  }
0xaf: {  	[dreg:$0x3] =	wrdreg $0x54000  }
0xb0: {  	[dreg:$0x4] =	wrdreg $0x9  }
0xb1: {  	_ =	task.clear_ibuf [dreg:s6], $0x5FFFF;
	_ =	strace $0x90000052  }
0xb2: {  	s29 =	simm.s32 $0x9;
	_ =	strace $0x80000054  }
0xb3: {  	_ =	swait.ge [sflag:s29], $0x1  }
0xb4: {  	[sflag:s29] =	ssyncadd.s32 $0xFFFFFFFF  }
0xb5: {  	_ =	strace $0x90000054  }
0xb6: {  	_ =	sfence  }
0xb7: {  	s30 =	sld [smem:$0x0];
	_ =	sdelay $0x2  }
0xb8: {  	s31 =	sshll.u32 s1, $0xD;
	s1 =	sshrl.u32 s1, $0x2  }
0xb9: {  	s3 =	sand.u32 $0x4000, s31;
	s1 =	sadd.s32 s1, s30  }
0xba: {  	s0 =	sor.u32 s3, s0;
	s1 =	sshll.u32 s1, $0x11  }
0xbb: {  	s0 =	sor.u32 s1, s0  }
0xbc: {  	s0 =	sadd.s32 $0x8F2B, s0  }
0xbd: {  	[sflag:s0] =	ssyncadd.remote.s32 $0x1  }
0xbe: {  	_ =	sfence.sel $0xFFFF  }
0xbf: {  	[dreg:$0x0] =	wrdreg $0xFFFFFFFF;
	(pc) =	sbr.abs _section_cstart, $3  }
0xc0: {  	[dreg:$0x1] =	wrdreg $0xFFFFFFFF  }
0xc1: {  	_ =	task.clear_ibuf [dreg:s6], $0x2FFFF;
	_ =	strace $0x9FFFFFFF  }
0xc2: {  	(tm) =	ssettm $0x7FFFFFFF  }
0xc3: {  	_ =	shalt  }
tec
execute0_lowered:
.L_overlay_start_1:
0x0: {  	(tag) =	ssettag $0x1  }
0x1: {  	s0 =	srdreg.scid;
	s6 =	rddreg [dreg:$0x0]  }
0x2: {  	s2 =	rddreg [dreg:$0x1];
	s3 =	simm.s32 $0x0;
	s13 =	simm.s32 $0x2800  }
0x3: {  	s14 =	simm.s32 $0x10;
	s5 =	sand.u32 $0x1, s0;
	s0 =	stileid.u32  }
0x4: {  	s15 =	simm.s32 $0x5000;
	s16 =	simm.s32 $0x0;
	s8 =	smul.u32 $0xA000, s0  }
0x5: {  	[smem:$0x7FF] =	sst s3;
	s4 =	sadd.s32 $0xCC00, s6;
	s9 =	smul.u32 $0x1400, s0  }
0x6: {  	s1 =	sshll.u32 s5, $0x4;
	s10 =	smul.u32 $0x14000, s5;
	s5 =	ssub.s32 $0x2, s5  }
0x7: {  	s31 =	sshll.u32 s0, $0x6;
	s1 =	sor.u32 s0, s1;
	s29 =	sshrl.u32 s5, $0x1  }
0x8: {  	s7 =	smul.u32 $0x500, s1;
	s1 =	rddreg [dreg:$0x2];
	_ =	strace $0x80000053  }
0x9: {  	s28 =	sshrl.u32 s8, $0x3;
	s9 =	sadd.s32 s9, s10;
	s30 =	ssub.s32 s5, s29  }
0xa: {  	s12 =	sadd.s32 s8, s2;
	s9 =	sadd.s32 s9, s6;
	s10 =	smax.u32 s30, $0x1  }
0xb: {  	s11 =	sadd.s32 s7, s6;
	s7 =	sadd.s32 s28, s6;
	s6 =	sor.u32 $0x1C01, s31  }
0xc: {  	s9 =	sadd.s32 $0x3F000, s9;
	s5 =	sadd.s32 $0x2B000, s7;
	s7 =	sadd.s32 $0x2C00, s11  }
0xd: {  	s8 =	sadd.s32 $0x21000, s11;
	s11 =	sshrl.u32 s12, $0x3;
	s12 =	simm.s32 $0x1  }
.LBB2_1:
0xe: {  	[spmem:s11], [sflag:s6] =	dma.local [hbm:s5], $0x1400  }
0xf: {  	_ =	swait.ge [sflag:s12], $0x1400  }
0x10: {  	[sflag:s12] =	ssyncset.done $0x0  }
0x11: {  	[sflag:s12] =	ssyncadd.s32 $0xFFFFEC00  }
0x12: {  	[tilespmem:s3], [sflag:$0x1] =	stream.linear.gather [hbm4b:s7+s3], $0x2800, $0x38;
	[tilespmem:$0xF400] =	vst v63  }
0x13: {  	_ =	swait.ge [sflag:s12], $0x2800  }
0x14: {  	[sflag:s12] =	ssyncset.done $0x0  }
0x15: {  	[sflag:s12] =	ssyncadd.s32 $0xFFFFD800  }
0x16: {  	[tilespmem:s13], [sflag:$0x1] =	stream.linear.gather [hbm4b:s8+s3], $0x2800, $0x38;
	[tilespmem:$0xF400] =	vst v63  }
0x17: {  	_ =	swait.ge [sflag:s12], $0x2800  }
0x18: {  	[sflag:s12] =	ssyncset.done $0x0  }
0x19: {  	[sflag:s12] =	ssyncadd.s32 $0xFFFFD800  }
0x1a: {  	s17 =	simm.s32 $0x0;
	[bflag:$0x0] =	sbarrier.arrive $0xFFFF  }
0x1b: {  	[tilespmem:s15], [sflag:$0x1] =	stream.indirect.gather [hbm4b:s4+s14], $0x40, s17, s14, $0xb8;
	[tilespmem:$0xF400] =	vst v63  }
0x1c: {  	_ =	swait.ge [sflag:s12], $0x400  }
0x1d: {  	[sflag:s12] =	ssyncset.done $0x0  }
0x1e: {  	s31 =	simm.s32 $0x2800;
	[sflag:s12] =	ssyncadd.s32 $0xFFFFFC00  }
0x1f: {  	[spmem:s2] =	stream.indirect.scatter.add.f32 [tilespmem:s15], [sflag:$0x1], $0x40, s31, s14, $0xb8;
	[tilespmem:$0xF400] =	vst v63  }
0x20: {  	_ =	swait.ge [sflag:s12], $0x400  }
0x21: {  	s18 =	simm.s32 $0x80;
	s17 =	simm.s32 $0x40;
	[sflag:s12] =	ssyncset.done $0x0  }
.LBB2_2:
0x22: {  	s19 =	sshra.s32 s17, $0x2  }
0x23: {  	[sflag:s12] =	ssyncadd.s32 $0xFFFFFC00;
	s17 =	smov.u32 s18;
	s20 =	sadd.s32 $0x40, s18  }
0x24: {  	[tilespmem:s15], [sflag:$0x1] =	stream.indirect.gather [hbm4b:s4+s14], $0x40, s19, s14, $0xb8;
	[tilespmem:$0xF400] =	vst v63  }
0x25: {  	p0 =	sne.s32 s18, $0x9FC0;
	_ =	swait.ge [sflag:s12], $0x400  }
.Ltmp0:
0x26: {  	[sflag:s12] =	ssyncset.done $0x0;
	(pc) =	sbr.rel @p0 .LBB2_2-.Ltmp0, $4  }
0x27: {  	s18 =	sadd.s32 $0x2800, s19;
	[sflag:s12] =	ssyncadd.s32 $0xFFFFFC00  }
0x28: {  	[spmem:s2] =	stream.indirect.scatter.add.f32 [tilespmem:s15], [sflag:$0x1], $0x40, s18, s14, $0xb8;
	[tilespmem:$0xF400] =	vst v63  }
0x29: {  	_ =	swait.ge [sflag:s12], $0x400  }
0x2a: {  	s18 =	smov.u32 s20;
	[sflag:s12] =	ssyncset.done $0x0  }
0x2b: {  	s17 =	sshra.s32 s17, $0x2;
	[sflag:s12] =	ssyncadd.s32 $0xFFFFFC00  }
0x2c: {  	[tilespmem:s15], [sflag:$0x1] =	stream.indirect.gather [hbm4b:s4+s14], $0x40, s17, s14, $0xb8;
	[tilespmem:$0xF400] =	vst v63  }
0x2d: {  	_ =	swait.ge [sflag:s12], $0x400  }
0x2e: {  	[sflag:s12] =	ssyncset.done $0x0  }
0x2f: {  	s17 =	sadd.s32 $0x2800, s17;
	[sflag:s12] =	ssyncadd.s32 $0xFFFFFC00  }
0x30: {  	[spmem:s2] =	stream.indirect.scatter.add.f32 [tilespmem:s15], [sflag:$0x1], $0x40, s17, s14, $0xb8;
	[tilespmem:$0xF400] =	vst v63  }
0x31: {  	_ =	swait.ge [sflag:s12], $0x400  }
0x32: {  	s16 =	sadd.s32 $0x1, s16;
	[sflag:s12] =	ssyncset.done $0x0  }
0x33: {  	p0 =	sne.s32 s16, s10;
	[sflag:s12] =	ssyncadd.s32 $0xFFFFFC00  }
.Ltmp1:
0x34: {  	[bflag:$0x0] =	sbarrier.arrive $0xFFFF;
	(pc) =	sbr.rel @p0 .LBB2_1-.Ltmp1, $4  }
0x35: {  	[hbm:s9], [sflag:s6] =	dma.local [spmem:s11], $0x1400  }
0x36: {  	_ =	swait.ge [sflag:s12], $0x1400  }
0x37: {  	[sflag:s12] =	ssyncset.done $0x0  }
0x38: {  	[sflag:s12] =	ssyncadd.s32 $0xFFFFEC00  }
0x39: {  	_ =	sfence.sel $0x180000  }
0x3a: {  	[bflag:$0x0] =	sbarrier.arrive $0xFFFF  }
0x3b: {  	p0 =	sne.s32 s0, $0x0;
	_ =	strace $0x90000053  }
0x3c: {  	s0 =	sadd.s32 @!p0 $0x100000, s1;
	[bflag:$0x2] =	sbarrier.arrive $0xFFFF  }
0x3d: {  	[sflag:s0] =	ssyncadd.tile.s32 @!p0 $0x1;
	_ =	shalt  }
.Lfunc_end2:
_tile_overlayer_lowered:
.L_overlay_start_2:
0x3e: {  	(tag) =	ssettag $0x2  }
0x3f: {  	s0 =	rddreg [dreg:$0x0];
	s2 =	stileid.u32  }
0x40: {  	s1 =	rddreg [dreg:$0x1];
	p0 =	sne.s32 s2, $0x0  }
0x41: {  	s3 =	rddreg [dreg:$0x2];
	[bflag:$0x3] =	sbarrier.arrive $0xFFFF;
	s2 =	simm.s32 @!p0 $0x1C01  }
0x42: {  	[timem:s3], [sflag:s2] =	dma.local @!p0 [hbm:s0], s1  }
0x43: {  	s0 =	simm.s32 @!p0 $0x1  }
0x44: {  	_ =	swait.ge @!p0 [sflag:s0], s1  }
0x45: {  	s1 =	ssub.s32 @!p0 $0x0, s1;
	[sflag:s0] =	ssyncset.done @!p0 $0x0  }
0x46: {  	[sflag:s0] =	ssyncadd.s32 @!p0 s1  }
0x47: {  	[bflag:$0x3] =	sbarrier.arrive $0xFFFF  }
0x48: {  	_ =	shalt  }

// kernel: kernel.8.cloned.1.call-start
scs
__scs_entry_jumppad:
0x0: {  	(pc) =	sbr.rel $0x88, $3  }
0x1: {  	(tag) =	ssettag $0x0;
	lr =	simm.s32 $0x1  }
0x2: {  	[smem:$0x3F8D] =	sst lr;
	_ =	strace $0xD0000000  }
0x3: {  	_ = 	snop  }
0x4: {  	_ = 	snop  }
0x5: {  	_ = 	snop  }
0x6: {  	_ = 	snop  }
0x7: {  	_ = 	snop  }
__scs_overlays_trampoline_lowered:
0x8: {  	[smem:$0x3F9C] =	sst s0  }
0x9: {  	[smem:$0x3F9D] =	sst s1  }
0xa: {  	[smem:$0x3F9E] =	sst s2  }
0xb: {  	[smem:$0x3F9F] =	sst s3  }
0xc: {  	[smem:$0x3FA0] =	sst s4  }
0xd: {  	[smem:$0x3FA1] =	sst s5  }
0xe: {  	[smem:$0x3FA2] =	sst s6  }
0xf: {  	[smem:$0x3FA3] =	sst s7  }
0x10: {  	[smem:$0x3FA4] =	sst s8  }
0x11: {  	[smem:$0x3FA5] =	sst s9;
	s0 =	simm.s32 @!p0 $0x0  }
0x12: {  	s1 =	sld [smem:$0x3F8B];
	s0 =	simm.s32 @p0 $0x1  }
0x13: {  	[smem:$0x3FA6] =	sst s0;
	s0 =	simm.s32 @!p1 $0x0  }
0x14: {  	s2 =	sld [smem:$0x3F8A];
	s0 =	simm.s32 @p1 $0x1  }
0x15: {  	[smem:$0x3FA7] =	sst s0;
	s0 =	simm.s32 @!p2 $0x0  }
0x16: {  	s3 =	sld [smem:$0x3FDB];
	s0 =	simm.s32 @p2 $0x1  }
0x17: {  	s4 =	simm.s32 $0x1BF5;
	[smem:$0x3FA9] =	sst s0  }
0x18: {  	s0 =	sld [smem:$0x3F8C];
	_ =	swait.ge [sflag:s4], $0x0  }
0x19: {  	s7 =	sld [smem:$0x3F8D]  }
0x1a: {  	s8 =	sadd.s32 $0xFFFFE003, lr  }
0x1b: {  	s9 =	sadd.s32 $0xFFFFFEF7, lr;
	s5 =	simm.s32 $0xFFFFFFFF;
	p2 =	slt.u32 s8, $0xFFFFF086  }
0x1c: {  	p1 =	slt.u32 s9, $0xF7A;
	s5 =	simm.s32 @!p2 $0x0  }
0x1d: {  	s5 =	simm.s32 @p1 $0x1;
	p0 =	seq.s32 s7, s2  }
0x1e: {  	s7 =	smul.u32 @!p0 $0xF7A, s2;
	p2 =	seq.s32 @!p0 s5, $0x0  }
0x1f: {  	s9 =	smul.u32 $0xF7A, s1;
	s8 =	simm.s32 @!p0 $0x1BF5;
	p2 =	por !p2, p0  }
0x20: {  	[sflag:s8] =	ssyncset.s32 @!p0 $0xFFFFF086;
	s6 =	sadd.s32 @!p0 s3, s7;
	s7 =	simm.s32 @!p0 $0x108  }
0x21: {  	s3 =	sadd.s32 s3, s9;
	s6 =	sadd.s32 @!p0 $0x88, s6;
	s7 =	simm.s32 @p2 $0x1082  }
0x22: {  	[simem:s7], [sflag:s8] =	dma.local @!p0 [hbm:s6], $0xF7A  }
0x23: {  	s9 =	sor.u32 $0xD0000000, s2;
	s6 =	simm.s32 $0x108;
	_ =	swait.ge @!p0 [sflag:s8], $0x0  }
0x24: {  	s3 =	sadd.s32 $0x88, s3;
	s6 =	simm.s32 @!p1 $0x1082;
	[sflag:s4] =	ssyncset.s32 $0xFFFFF086  }
0x25: {  	[simem:s6], [sflag:s4] =	dma.local [hbm:s3], $0xF7A  }
0x26: {  	[smem:$0x3F8D] =	sst s1;
	(tag) =	ssettag s2;
	_ =	strace s9  }
0x27: {  	s1 =	sld [smem:$0x3F9D]  }
0x28: {  	s2 =	sld [smem:$0x3F9E]  }
0x29: {  	s4 =	sld [smem:$0x3FA0]  }
0x2a: {  	p0 =	seq.s32 s5, $0x0;
	s5 =	sld [smem:$0x3FA1]  }
0x2b: {  	s6 =	sld [smem:$0x3FA2]  }
0x2c: {  	s7 =	sld [smem:$0x3FA3]  }
0x2d: {  	s3 =	simm.s32 $0x108;
	s8 =	sld [smem:$0x3FA4]  }
0x2e: {  	s3 =	simm.s32 @!p0 $0x1082;
	s9 =	sld [smem:$0x3FA5]  }
0x2f: {  	lr =	sadd.s32 s0, s3;
	s0 =	sld [smem:$0x3F9C]  }
0x30: {  	s3 =	sld [smem:$0x3F9F]  }
0x31: {  	[smem:$0x3FA8] =	sst s10  }
0x32: {  	s10 =	sld [smem:$0x3FA6];
	_ =	sdelay $0x3  }
0x33: {  	p0 =	seq.s32 s10, $0x1;
	s10 =	sld [smem:$0x3FA8];
	_ =	sdelay $0x3  }
0x34: {  	[smem:$0x3FA8] =	sst s10  }
0x35: {  	s10 =	sld [smem:$0x3FA7];
	_ =	sdelay $0x3  }
0x36: {  	p1 =	seq.s32 s10, $0x1;
	s10 =	sld [smem:$0x3FA8];
	_ =	sdelay $0x3  }
0x37: {  	[smem:$0x3FA8] =	sst s10  }
0x38: {  	s10 =	sld [smem:$0x3FA9]  }
0x39: {  	_ = 	snop;
	(pc) =	sbr.ind lr, $3  }
0x3a: {  	_ = 	snop  }
0x3b: {  	_ = 	snop  }
0x3c: {  	p2 =	seq.s32 s10, $0x1;
	s10 =	sld [smem:$0x3FA8]  }
0x3d: {  	_ =	shalt  }
0x3e: {  	_ =	shalt  }
0x3f: {  	_ =	shalt  }
0x40: {  	_ =	shalt  }
0x41: {  	_ =	shalt  }
0x42: {  	_ =	shalt  }
0x43: {  	_ =	shalt  }
0x44: {  	_ =	shalt  }
0x45: {  	_ =	shalt  }
0x46: {  	_ =	shalt  }
0x47: {  	_ =	shalt  }
0x48: {  	_ =	shalt  }
0x49: {  	_ =	shalt  }
0x4a: {  	_ =	shalt  }
0x4b: {  	_ =	shalt  }
0x4c: {  	_ =	shalt  }
0x4d: {  	_ =	shalt  }
0x4e: {  	_ =	shalt  }
0x4f: {  	_ =	shalt  }
0x50: {  	_ =	shalt  }
0x51: {  	_ =	shalt  }
0x52: {  	_ =	shalt  }
0x53: {  	_ =	shalt  }
0x54: {  	_ =	shalt  }
0x55: {  	_ =	shalt  }
0x56: {  	_ =	shalt  }
0x57: {  	_ =	shalt  }
0x58: {  	_ =	shalt  }
0x59: {  	_ =	shalt  }
0x5a: {  	_ =	shalt  }
0x5b: {  	_ =	shalt  }
0x5c: {  	_ =	shalt  }
0x5d: {  	_ =	shalt  }
0x5e: {  	_ =	shalt  }
0x5f: {  	_ =	shalt  }
0x60: {  	_ =	shalt  }
0x61: {  	_ =	shalt  }
0x62: {  	_ =	shalt  }
0x63: {  	_ =	shalt  }
0x64: {  	_ =	shalt  }
0x65: {  	_ =	shalt  }
0x66: {  	_ =	shalt  }
0x67: {  	_ =	shalt  }
0x68: {  	_ =	shalt  }
0x69: {  	_ =	shalt  }
0x6a: {  	_ =	shalt  }
0x6b: {  	_ =	shalt  }
0x6c: {  	_ =	shalt  }
0x6d: {  	_ =	shalt  }
0x6e: {  	_ =	shalt  }
0x6f: {  	_ =	shalt  }
0x70: {  	_ =	shalt  }
0x71: {  	_ =	shalt  }
0x72: {  	_ =	shalt  }
0x73: {  	_ =	shalt  }
0x74: {  	_ =	shalt  }
0x75: {  	_ =	shalt  }
0x76: {  	_ =	shalt  }
0x77: {  	_ =	shalt  }
0x78: {  	_ =	shalt  }
0x79: {  	_ =	shalt  }
0x7a: {  	_ =	shalt  }
0x7b: {  	_ =	shalt  }
0x7c: {  	_ =	shalt  }
0x7d: {  	_ =	shalt  }
0x7e: {  	_ =	shalt  }
0x7f: {  	_ =	shalt  }
0x80: {  	_ =	shalt  }
0x81: {  	_ =	shalt  }
0x82: {  	_ =	shalt  }
0x83: {  	_ =	shalt  }
0x84: {  	_ =	shalt  }
0x85: {  	_ =	shalt  }
0x86: {  	_ =	shalt  }
0x87: {  	_ =	shalt  }
.Lfunc_end0:
.L_simem_size_0:
called_computation.2_lowered:
.L_overlay_start_0:
0x88: {  	s2 =	sld [smem:$0x3FD9]  }
0x89: {  	s3 =	sld [smem:$0x3FFE];
	_ =	sdelay $0x1  }
0x8a: {  	s1 =	srdreg.scid  }
0x8b: {  	s0 =	sand.u32 $0x1, s1  }
0x8c: {  	s17 =	sshll.u32 s0, $0xA;
	s2 =	sadd.s32 s3, s2  }
0x8d: {  	s2 =	sadd.s32 s2, s17  }
0x8e: {  	[smem:$0x3FB4] =	sst s2  }
0x8f: {  	_ = 	snop  }
0x90: {  	(tm) =	ssettm $0x1  }
0x91: {  	s18 =	sld [smem:$0x3FFB];
	_ =	sdelay $0x3  }
0x92: {  	_ =	strace s18  }
0x93: {  	s2 =	sld [smem:$0x3FFC];
	_ =	sdelay $0x3  }
0x94: {  	_ =	strace s2  }
0x95: {  	s2 =	sld [smem:$0x3FFD];
	_ =	sdelay $0x3  }
0x96: {  	_ =	strace s2  }
0x97: {  	_ =	strace $0x8FFFFFFF  }
0x98: {  	s19 =	sld [smem:$0x3FDB];
	_ =	sdelay $0x1  }
0x99: {  	s20 =	simm.s32 $_scs_section_size  }
0x9a: {  	s4 =	simm.s32 $_size__tile_overlayer_lowered;
	s5 =	simm.s32 $_tile_overlayer_lowered  }
0x9b: {  	s6 =	simm.s32 $0x1BFF;
	s21 =	sshll.u32 s5, $0x1;
	s3 =	sadd.s32 s20, s19  }
0x9c: {  	s22 =	simm.s32 $0x0;
	s4 =	sshll.u32 s4, $0x1;
	s5 =	sadd.s32 s21, s3  }
0x9d: {  	[timem:s22], [sflag:s6] =	dma.local [hbm:s5], s4  }
0x9e: {  	_ =	swait.ge [sflag:s6], s4  }
0x9f: {  	s4 =	ssub.s32 $0x0, s4;
	[sflag:s6] =	ssyncset.done $0x0  }
0xa0: {  	[sflag:s6] =	ssyncadd.s32 s4;
	_ =	sdelay $0x1  }
0xa1: {  	s23 =	simm.s32 $0x1B8B  }
0xa2: {  	_ =	swait.ge [sflag:s23], $0x1  }
0xa3: {  	[sflag:s23] =	ssyncset.done $0x0  }
0xa4: {  	[sflag:s23] =	ssyncadd.s32 $0xFFFFFFFF  }
0xa5: {  	s4 =	sld [smem:$0x0]  }
0xa6: {  	s5 =	sand.u32 $0xFFFFFFFE, s1  }
0xa7: {  	p0 =	sne.s32 s1, s5  }
0xa8: {  	s5 =	sshll.u32 @p0 s5, $0xE  }
0xa9: {  	s5 =	sadd.s32 @p0 $0x11B8D, s5;
	s6 =	sshll.u32 @p0 s4, $0x11  }
0xaa: {  	s5 =	sor.u32 @p0 s6, s5  }
0xab: {  	[sflag:s5] =	ssyncadd.remote.s32 @p0 $0x1;
	_ =	sdelay $0x1  }
0xac: {  	s5 =	simm.s32 @p0 $0x1B8D  }
0xad: {  	_ =	swait.eq @p0 [sflag:s5], $0x1  }
0xae: {  	[sflag:s5] =	ssyncadd.s32 @p0 $0xFFFFFFFF  }
0xaf: {  	s6 =	sshll.u32 @!p0 s1, $0xE  }
0xb0: {  	s6 =	sor.u32 @!p0 $0x4000, s6;
	s5 =	simm.s32 @!p0 $0x1B8D  }
0xb1: {  	s4 =	sshll.u32 @!p0 s4, $0x11;
	s6 =	sadd.s32 @!p0 $0x11B8D, s6;
	_ =	swait.eq @!p0 [sflag:s5], $0x1  }
0xb2: {  	s4 =	sor.u32 @!p0 s4, s6;
	[sflag:s5] =	ssyncadd.s32 @!p0 $0xFFFFFFFF  }
0xb3: {  	s25 =	simm.s32 $0x1B8E;
	s24 =	sld [smem:$0x3FFE];
	[sflag:s4] =	ssyncadd.remote.s32 @!p0 $0x1  }
0xb4: {  	s26 =	simm.s32 $execute0_lowered;
	[smem:$0x3FD2] =	sst s25  }
0xb5: {  	s5 =	sshll.u32 s26, $0x1;
	_ =	strace $0x8000004C;
	[dreg:$0x1] =	wrdreg $0xFFFFFFFF  }
0xb6: {  	s28 =	simm.s32 $_size_execute0_lowered;
	s3 =	sadd.s32 s3, s5;
	[dreg:$0x0] =	wrdreg $0x0  }
0xb7: {  	s5 =	sshll.u32 s28, $0x1;
	[dreg:$0x2] =	wrdreg s3  }
0xb8: {  	[dreg:$0x3] =	wrdreg s5  }
0xb9: {  	[dreg:$0x4] =	wrdreg $0xC0  }
0xba: {  	_ =	task [dreg:s22], $0x5FFFF  }
0xbb: {  	[dreg:$0x1] =	wrdreg $0xFFFFFFFF  }
0xbc: {  	[dreg:$0x0] =	wrdreg $0x60  }
0xbd: {  	[dreg:$0x2] =	wrdreg s24  }
0xbe: {  	[dreg:$0x3] =	wrdreg $0x143000  }
0xbf: {  	[dreg:$0x4] =	wrdreg $0xB  }
0xc0: {  	_ =	task.clear_ibuf [dreg:s22], $0x5FFFF;
	_ =	strace $0x9000004C  }
0xc1: {  	s29 =	simm.s32 $0xB;
	_ =	strace $0x8000004E  }
0xc2: {  	_ =	swait.ge [sflag:s29], $0x1  }
0xc3: {  	[sflag:s29] =	ssyncadd.s32 $0xFFFFFFFF  }
0xc4: {  	_ =	strace $0x9000004E  }
0xc5: {  	_ =	sfence  }
0xc6: {  	s30 =	sld [smem:$0x0];
	_ =	sdelay $0x2  }
0xc7: {  	s31 =	sshll.u32 s1, $0xD;
	s1 =	sshrl.u32 s1, $0x2  }
0xc8: {  	s4 =	sand.u32 $0x4000, s31;
	s1 =	sadd.s32 s1, s30  }
0xc9: {  	s0 =	sor.u32 s4, s0;
	s1 =	sshll.u32 s1, $0x11  }
0xca: {  	s0 =	sor.u32 s1, s0  }
0xcb: {  	s0 =	sadd.s32 $0x8F2B, s0  }
0xcc: {  	[sflag:s0] =	ssyncadd.remote.s32 $0x1  }
0xcd: {  	_ =	sfence.sel $0xFFFF  }
0xce: {  	[dreg:$0x0] =	wrdreg $0xFFFFFFFF;
	(pc) =	sbr.abs _section_cstart, $3  }
0xcf: {  	[dreg:$0x1] =	wrdreg $0xFFFFFFFF  }
0xd0: {  	_ =	task.clear_ibuf [dreg:s22], $0x2FFFF;
	_ =	strace $0x9FFFFFFF  }
0xd1: {  	(tm) =	ssettm $0x7FFFFFFF  }
tec
execute0_lowered:
.L_overlay_start_1:
0x0: {  	(tag) =	ssettag $0x1  }
0x1: {  	s4 =	rddreg [dreg:$0x0]  }
0x2: {  	s2 =	rddreg [dreg:$0x1];
	s3 =	srdreg.scid  }
0x3: {  	s1 =	stileid.u32;
	s0 =	rddreg [dreg:$0x2];
	s10 =	simm.s32 $0x10  }
0x4: {  	s11 =	simm.s32 $0x14000;
	s14 =	simm.s32 $0x0;
	s5 =	sand.u32 $0x1, s3  }
0x5: {  	s6 =	smul.u32 $0x280, s1;
	s3 =	simm.s32 $0x0;
	s12 =	sshll.u32 s1, $0x6  }
0x6: {  	s7 =	sshll.u32 s5, $0x4;
	s8 =	smul.u32 $0x2800, s5;
	[smem:$0x7FF] =	sst s3  }
0x7: {  	s5 =	ssub.s32 $0x2, s5;
	s12 =	sor.u32 $0x1C01, s12;
	s7 =	sor.u32 s1, s7  }
0x8: {  	s9 =	sshrl.u32 s5, $0x1;
	s7 =	smul.u32 $0x2800, s7;
	s8 =	sadd.s32 s6, s8  }
0x9: {  	_ =	strace $0x8000004D;
	s9 =	ssub.s32 s5, s9;
	s8 =	sshrl.u32 s8, $0x3  }
0xa: {  	s7 =	sadd.s32 s7, s4;
	s8 =	sadd.s32 s8, s4;
	s4 =	sadd.s32 s6, s2  }
0xb: {  	s5 =	sadd.s32 $0x5C200, s7;
	s6 =	sadd.s32 $0x20600, s8;
	s7 =	smax.u32 s9, $0x1  }
0xc: {  	v0 =	vimm.f32 $1.000000000e+00;
	v1 =	vimm.f32 $0.0e+00;
	s8 =	simm.s32 $0x14080;
	s9 =	simm.s32 $0x1;
	s13 =	sshrl.u32 s4, $0x3  }
.LBB2_1:
0xd: {  	[tilespmem:$0x14000] =	vst v0  }
0xe: {  	[tilespmem:$0x14080] =	vst v1  }
0xf: {  	[tilespmem:$0x14090] =	vst v1  }
0x10: {  	[tilespmem:$0x140A0] =	vst v1  }
0x11: {  	[tilespmem:$0x140B0] =	vst v1  }
0x12: {  	[tilespmem:$0x140C0] =	vst v1  }
0x13: {  	[tilespmem:$0x140D0] =	vst v1  }
0x14: {  	[tilespmem:$0x140E0] =	vst v1  }
0x15: {  	[tilespmem:$0x140F0] =	vst v1  }
0x16: {  	[tilespmem:$0x14100] =	vst v1  }
0x17: {  	[tilespmem:$0x14110] =	vst v1  }
0x18: {  	[tilespmem:$0x14120] =	vst v1  }
0x19: {  	[tilespmem:$0x14130] =	vst v1  }
0x1a: {  	[tilespmem:$0x14140] =	vst v1  }
0x1b: {  	[tilespmem:$0x14150] =	vst v1  }
0x1c: {  	[tilespmem:$0x14160] =	vst v1  }
0x1d: {  	[tilespmem:$0x14170] =	vst v1  }
0x1e: {  	[tilespmem:$0x14180] =	vst v1  }
0x1f: {  	[tilespmem:$0x14190] =	vst v1  }
0x20: {  	[tilespmem:$0x141A0] =	vst v1  }
0x21: {  	[tilespmem:$0x141B0] =	vst v1  }
0x22: {  	[tilespmem:$0x141C0] =	vst v1  }
0x23: {  	[tilespmem:$0x141D0] =	vst v1  }
0x24: {  	[tilespmem:$0x141E0] =	vst v1  }
0x25: {  	[tilespmem:$0x141F0] =	vst v1  }
0x26: {  	[tilespmem:$0x14200] =	vst v1  }
0x27: {  	[tilespmem:$0x14210] =	vst v1  }
0x28: {  	[tilespmem:$0x14220] =	vst v1  }
0x29: {  	[tilespmem:$0x14230] =	vst v1  }
0x2a: {  	[tilespmem:$0x14240] =	vst v1  }
0x2b: {  	[tilespmem:$0x14250] =	vst v1  }
0x2c: {  	[tilespmem:$0x14260] =	vst v1  }
0x2d: {  	[tilespmem:$0x14270] =	vst v1  }
0x2e: {  	[tilespmem:$0x14280] =	vst v1  }
0x2f: {  	[tilespmem:$0x14290] =	vst v1  }
0x30: {  	[tilespmem:$0x142A0] =	vst v1  }
0x31: {  	[tilespmem:$0x142B0] =	vst v1  }
0x32: {  	[tilespmem:$0x142C0] =	vst v1  }
0x33: {  	[tilespmem:$0x142D0] =	vst v1  }
0x34: {  	[tilespmem:$0x142E0] =	vst v1  }
0x35: {  	[tilespmem:$0x142F0] =	vst v1  }
0x36: {  	[spmem:s4] =	stream.linear.scatter [tilespmem:s8], [sflag:$0x1], $0x280, $0x38;
	[tilespmem:$0x14580] =	vst v63  }
0x37: {  	_ =	swait.ge [sflag:s9], $0x280  }
0x38: {  	[sflag:s9] =	ssyncset.done $0x0  }
0x39: {  	[sflag:s9] =	ssyncadd.s32 $0xFFFFFD80  }
0x3a: {  	[tilespmem:s3], [sflag:$0x1] =	stream.linear.gather [hbm4b:s5+s3], $0x14000, $0x38;
	[tilespmem:$0x14580] =	vst v63  }
0x3b: {  	_ =	swait.ge [sflag:s9], $0x14000  }
0x3c: {  	[sflag:s9] =	ssyncset.done $0x0  }
0x3d: {  	[sflag:s9] =	ssyncadd.s32 $0xFFFEC000  }
0x3e: {  	s15 =	simm.s32 $0x0;
	[bflag:$0x0] =	sbarrier.arrive $0xFFFF  }
0x3f: {  	[spmem:s2] =	stream.indirect.scatter.add.f32 [tilespmem:s11], [sflag:$0x1], $0x1, s15, s10, $0xb8;
	[tilespmem:$0x14580] =	vst v63  }
0x40: {  	_ =	swait.ge [sflag:s9], $0x10  }
0x41: {  	s15 =	simm.s32 $0x200;
	[sflag:s9] =	ssyncset.done $0x0  }
.LBB2_2:
0x42: {  	s16 =	sshra.s32 s15, $0x2;
	[sflag:s9] =	ssyncadd.s32 $0xFFFFFFF0;
	p0 =	sne.s32 s15, $0x4FE00  }
0x43: {  	[spmem:s2] =	stream.indirect.scatter.add.f32 [tilespmem:s11], [sflag:$0x1], $0x1, s16, s10, $0xb8;
	[tilespmem:$0x14580] =	vst v63  }
.Ltmp0:
0x44: {  	_ = 	snop;
	(pc) =	sbr.rel @p0 .LBB2_2-.Ltmp0, $4  }
0x45: {  	_ = 	snop  }
0x46: {  	s15 =	sadd.s32 $0x200, s15  }
0x47: {  	_ =	swait.ge [sflag:s9], $0x10  }
0x48: {  	[sflag:s9] =	ssyncset.done $0x0  }
0x49: {  	s14 =	sadd.s32 $0x1, s14  }
0x4a: {  	[sflag:s9] =	ssyncadd.s32 $0xFFFFFFF0;
	p0 =	sne.s32 s14, s7  }
.Ltmp1:
0x4b: {  	[bflag:$0x0] =	sbarrier.arrive $0xFFFF;
	(pc) =	sbr.rel @p0 .LBB2_1-.Ltmp1, $4  }
0x4c: {  	[hbm:s6], [sflag:s12] =	dma.local [spmem:s13], $0x50  }
0x4d: {  	_ =	swait.ge [sflag:s9], $0x50  }
0x4e: {  	[sflag:s9] =	ssyncset.done $0x0  }
0x4f: {  	[sflag:s9] =	ssyncadd.s32 $0xFFFFFFB0  }
0x50: {  	_ =	sfence.sel $0x180000  }
0x51: {  	[bflag:$0x0] =	sbarrier.arrive $0xFFFF  }
0x52: {  	p0 =	sne.s32 s1, $0x0;
	_ =	strace $0x9000004D  }
0x53: {  	s0 =	sadd.s32 @!p0 $0x100000, s0;
	[bflag:$0x2] =	sbarrier.arrive $0xFFFF  }
0x54: {  	[sflag:s0] =	ssyncadd.tile.s32 @!p0 $0x1;
	_ =	shalt  }
.Lfunc_end2:
_tile_overlayer_lowered:
.L_overlay_start_2:
0x55: {  	(tag) =	ssettag $0x2  }
0x56: {  	s0 =	rddreg [dreg:$0x0];
	s2 =	stileid.u32  }
0x57: {  	s1 =	rddreg [dreg:$0x1];
	p0 =	sne.s32 s2, $0x0  }
0x58: {  	s3 =	rddreg [dreg:$0x2];
	[bflag:$0x3] =	sbarrier.arrive $0xFFFF;
	s2 =	simm.s32 @!p0 $0x1C01  }
0x59: {  	[timem:s3], [sflag:s2] =	dma.local @!p0 [hbm:s0], s1  }
0x5a: {  	s0 =	simm.s32 @!p0 $0x1  }
0x5b: {  	_ =	swait.ge @!p0 [sflag:s0], s1  }
0x5c: {  	s1 =	ssub.s32 @!p0 $0x0, s1;
	[sflag:s0] =	ssyncset.done @!p0 $0x0  }
0x5d: {  	[sflag:s0] =	ssyncadd.s32 @!p0 s1  }
0x5e: {  	[bflag:$0x3] =	sbarrier.arrive $0xFFFF  }
0x5f: {  	_ =	shalt  }

</sc_bundles>
